<compile_context>
chip_gen: v7x
topology: tpu7x:2x2x1
jax: 0.10.2.dev20260603
libtpu: 0.0.44.dev20260713+nightly
codegen_flags: <defaults>
</compile_context>

<pallas_src>
import functools

import jax
import jax.numpy as jnp
from jax import lax
from jax.experimental import pallas as pl
from jax.experimental.pallas import tpu as pltpu
from jax.experimental.pallas import tpu_sc as plsc

N = 10000
E = 320000
NC = 2
NS = 16
NW = NC * NS
K = 80
NCHUNK = 125
E_PT = NCHUNK * K
N_ACC = 10240
ROWS_PT = N_ACC // NS
PAD_W = 16

_MESH = dict(core_axis_name="c", subcore_axis_name="s")


def _make_degree_kernel():

    @functools.partial(
        pl.kernel,
        mesh=plsc.VectorSubcoreMesh(**_MESH),
        compiler_params=pltpu.CompilerParams(use_tc_tiling_on_sc=False),
        out_type=jax.ShapeDtypeStruct((NC, N_ACC, PAD_W), jnp.float32),
        scratch_types=[
            pltpu.VMEM((NCHUNK, K), jnp.int32),
            pltpu.VMEM((K, PAD_W), jnp.float32),
            pltpu.VMEM_SHARED((N_ACC, PAD_W), jnp.float32),
        ],
    )
    def deg_kernel(dst_hbm, ones_hbm, zeros_hbm, out_hbm, dst_v, ones_v, acc_sh):
        cid = lax.axis_index("c")
        sid = lax.axis_index("s")
        pltpu.sync_copy(dst_hbm.at[cid, sid], dst_v)
        pltpu.sync_copy(ones_hbm, ones_v)
        sl = pl.ds(sid * ROWS_PT, ROWS_PT)
        pltpu.sync_copy(zeros_hbm.at[sl], acc_sh.at[sl])
        plsc.subcore_barrier()

        def body(j, carry):
            pltpu.sync_copy(ones_v, acc_sh.at[dst_v.at[j]], add=True)
            return carry

        lax.fori_loop(0, NCHUNK, body, 0)
        plsc.subcore_barrier()
        pltpu.sync_copy(acc_sh.at[sl], out_hbm.at[cid, sl])

    return deg_kernel


def _make_spmm_kernel(D):

    NB = 3

    @functools.partial(
        pl.kernel,
        mesh=plsc.VectorSubcoreMesh(**_MESH),
        compiler_params=pltpu.CompilerParams(use_tc_tiling_on_sc=False),
        out_type=jax.ShapeDtypeStruct((NC, N, D), jnp.float32),
        scratch_types=[
            pltpu.VMEM((NCHUNK, K), jnp.int32),
            pltpu.VMEM((NCHUNK, K), jnp.int32),
            pltpu.VMEM((K, D), jnp.float32),
            pltpu.VMEM((K, D), jnp.float32),
            pltpu.VMEM((K, D), jnp.float32),
            pltpu.VMEM_SHARED((N, D), jnp.float32),
            pltpu.SemaphoreType.DMA,
            pltpu.SemaphoreType.DMA,
            pltpu.SemaphoreType.DMA,
        ],
    )
    def spmm(g_hbm, src_hbm, dst_hbm, zeros_hbm, out_hbm,
             src_v, dst_v, rows0, rows1, rows2, acc_sh, gs0, gs1, gs2):
        cid = lax.axis_index("c")
        sid = lax.axis_index("s")
        rows = (rows0, rows1, rows2)
        sems = (gs0, gs1, gs2)
        pltpu.sync_copy(src_hbm.at[cid, sid], src_v)
        pltpu.sync_copy(dst_hbm.at[cid, sid], dst_v)
        sl = pl.ds(sid * 1000, 1000)

        @pl.when(sid < 10)
        def _():
            pltpu.sync_copy(zeros_hbm.at[sl], acc_sh.at[sl])

        plsc.subcore_barrier()

        for j in range(NB):
            pltpu.async_copy(g_hbm.at[src_v.at[j]], rows[j], sems[j])
        ntrip = NCHUNK // NB

        def body(i, carry):
            for b in range(NB):
                j = NB * i + b
                pltpu.make_async_copy(g_hbm.at[src_v.at[j]], rows[b], sems[b]).wait()
                pltpu.sync_copy(rows[b], acc_sh.at[dst_v.at[j]], add=True)

                @pl.when(j + NB < NCHUNK)
                def _():
                    pltpu.async_copy(g_hbm.at[src_v.at[j + NB]], rows[b], sems[b])

            return carry

        lax.fori_loop(0, ntrip, body, 0)
        for j in range(NB * ntrip, NCHUNK):
            b = j % NB
            pltpu.make_async_copy(g_hbm.at[src_v.at[j]], rows[b], sems[b]).wait()
            pltpu.sync_copy(rows[b], acc_sh.at[dst_v.at[j]], add=True)
        plsc.subcore_barrier()

        @pl.when(sid < 10)
        def _():
            pltpu.sync_copy(acc_sh.at[sl], out_hbm.at[cid, sl])

    return spmm


def _make_spmm64_spmem_kernel():

    D = 64

    @functools.partial(
        pl.kernel,
        mesh=plsc.VectorSubcoreMesh(**_MESH),
        compiler_params=pltpu.CompilerParams(use_tc_tiling_on_sc=False),
        out_type=jax.ShapeDtypeStruct((NC, N_ACC, D), jnp.float32),
        scratch_types=[
            pltpu.VMEM((NCHUNK, K), jnp.int32),
            pltpu.VMEM((NCHUNK, K), jnp.int32),
            pltpu.VMEM((K, D), jnp.float32),
            pltpu.VMEM((K, D), jnp.float32),
            pltpu.VMEM((K, D), jnp.float32),
            pltpu.VMEM_SHARED((N, D), jnp.float32),
            pltpu.VMEM_SHARED((N_ACC, D), jnp.float32),
            pltpu.SemaphoreType.DMA,
            pltpu.SemaphoreType.DMA,
            pltpu.SemaphoreType.DMA,
        ],
    )
    def spmm(g_hbm, src_hbm, dst_hbm, zeros_hbm, out_hbm,
             src_v, dst_v, rows0, rows1, rows2, g_sh, acc_sh, gs0, gs1, gs2):
        NB = 3
        cid = lax.axis_index("c")
        sid = lax.axis_index("s")
        rows = (rows0, rows1, rows2)
        sems = (gs0, gs1, gs2)
        pltpu.sync_copy(src_hbm.at[cid, sid], src_v)
        pltpu.sync_copy(dst_hbm.at[cid, sid], dst_v)
        sl = pl.ds(sid * ROWS_PT, ROWS_PT)
        pltpu.sync_copy(zeros_hbm.at[sl], acc_sh.at[sl])

        @pl.when(sid < 10)
        def _():
            gl = pl.ds(sid * 1000, 1000)
            pltpu.sync_copy(g_hbm.at[gl], g_sh.at[gl])

        plsc.subcore_barrier()

        for j in range(NB):
            pltpu.async_copy(g_sh.at[src_v.at[j]], rows[j], sems[j])
        ntrip = NCHUNK // NB

        def body(i, carry):
            for b in range(NB):
                j = NB * i + b
                pltpu.make_async_copy(g_sh.at[src_v.at[j]], rows[b], sems[b]).wait()
                pltpu.sync_copy(rows[b], acc_sh.at[dst_v.at[j]], add=True)

                @pl.when(j + NB < NCHUNK)
                def _():
                    pltpu.async_copy(g_sh.at[src_v.at[j + NB]], rows[b], sems[b])

            return carry

        lax.fori_loop(0, ntrip, body, 0)
        for j in range(NB * ntrip, NCHUNK):
            b = j % NB
            pltpu.make_async_copy(g_sh.at[src_v.at[j]], rows[b], sems[b]).wait()
            pltpu.sync_copy(rows[b], acc_sh.at[dst_v.at[j]], add=True)
        plsc.subcore_barrier()
        pltpu.sync_copy(acc_sh.at[sl], out_hbm.at[cid, sl])

    return spmm


def _make_spmm1_kernel():

    @functools.partial(
        pl.kernel,
        mesh=plsc.VectorSubcoreMesh(**_MESH),
        compiler_params=pltpu.CompilerParams(use_tc_tiling_on_sc=False,
                                             needs_layout_passes=False),
        out_type=jax.ShapeDtypeStruct((NC, N_ACC, PAD_W), jnp.float32),
        scratch_types=[
            pltpu.VMEM((E_PT,), jnp.int32),
            pltpu.VMEM((NCHUNK, K), jnp.int32),
            pltpu.VMEM((N,), jnp.float32),
            pltpu.VMEM((K, PAD_W), jnp.float32),
            pltpu.VMEM_SHARED((N_ACC, PAD_W), jnp.float32),
        ],
    )
    def spmm1(g_hbm, src_hbm, dst_hbm, zeros_hbm, out_hbm,
              src_v, dst_v, g_v, rows_v, acc_sh):
        cid = lax.axis_index("c")
        sid = lax.axis_index("s")
        pltpu.sync_copy(src_hbm.at[cid, sid], src_v)
        pltpu.sync_copy(dst_hbm.at[cid, sid], dst_v)
        pltpu.sync_copy(g_hbm, g_v)
        pltpu.sync_copy(zeros_hbm.at[pl.ds(0, K)], rows_v)
        sl = pl.ds(sid * ROWS_PT, ROWS_PT)
        pltpu.sync_copy(zeros_hbm.at[sl], acc_sh.at[sl])
        plsc.subcore_barrier()

        iota = lax.iota(jnp.int32, 16)
        zcol = jnp.zeros((16,), jnp.int32)

        def body(j, carry):
            for g in range(K // 16):
                s = src_v[pl.ds(j * K + g * 16, 16)]
                v = plsc.load_gather(g_v, [s])
                plsc.store_scatter(rows_v, [iota + (g * 16), zcol], v)
            pltpu.sync_copy(rows_v, acc_sh.at[dst_v.at[j]], add=True)
            return carry

        lax.fori_loop(0, NCHUNK, body, 0)
        plsc.subcore_barrier()
        pltpu.sync_copy(acc_sh.at[sl], out_hbm.at[cid, sl])

    return spmm1


_deg_call = _make_degree_kernel()
_spmm128 = _make_spmm_kernel(128)
_spmm64 = _make_spmm64_spmem_kernel()
_spmm16 = _make_spmm1_kernel()



_TB = 1000
_GRID = (N // _TB,)


def _dis_block(degp):
    deg = degp[0, :, 0:1] + degp[1, :, 0:1]
    return jnp.where(deg > 0.0, lax.rsqrt(deg), 0.0)


def _t1a_body(x_ref, fcW_ref, fcb_ref, c1W_ref, x1_ref, h1_ref):
    xb = x_ref[...]
    x1_ref[...] = jnp.maximum(
        jnp.dot(xb, fcW_ref[...], preferred_element_type=jnp.float32) + fcb_ref[...], 0.0)
    h1_ref[...] = jnp.dot(xb, c1W_ref[...], preferred_element_type=jnp.float32)


def _t1b_body(h1_ref, degp_ref, g1_ref):
    g1_ref[...] = h1_ref[...] * _dis_block(degp_ref[...])


def _t2_body(x1_ref, acc1_ref, degp_ref, c1b_ref, fc1Wa_ref, fc1Wb_ref,
             fc1b_ref, c2Wa_ref, c2Wb_ref, x5_ref, g2_ref):
    dis = _dis_block(degp_ref[...])
    s1 = acc1_ref[0] + acc1_ref[1]
    x2 = jnp.maximum(dis * s1 + c1b_ref[...], 0.0)
    x1b = x1_ref[...]
    x5_ref[...] = jnp.maximum(
        jnp.dot(x1b, fc1Wa_ref[...], preferred_element_type=jnp.float32)
        + jnp.dot(x2, fc1Wb_ref[...], preferred_element_type=jnp.float32)
        + fc1b_ref[...], 0.0)
    g2_ref[...] = (jnp.dot(x1b, c2Wa_ref[...], preferred_element_type=jnp.float32)
                   + jnp.dot(x2, c2Wb_ref[...], preferred_element_type=jnp.float32)) * dis


def _t3_body(x5_ref, acc2_ref, degp_ref, c2b_ref, W9_ref, b9_ref, W3_ref,
             x9_ref, g3_ref):
    dis = _dis_block(degp_ref[...])
    s2 = acc2_ref[0] + acc2_ref[1]
    x6 = jnp.maximum(dis * s2 + c2b_ref[...], 0.0)
    x7 = x5_ref[...] + x6
    x9_ref[...] = jnp.dot(x7, W9_ref[...], preferred_element_type=jnp.float32) + b9_ref[...]
    g3_ref[...] = jnp.dot(x7, W3_ref[...], preferred_element_type=jnp.float32) * dis


def _t4_body(x9_ref, acc3_ref, degp_ref, c3b_ref, out_ref):
    dis = _dis_block(degp_ref[...])
    s3 = acc3_ref[0] + acc3_ref[1]
    out_ref[...] = x9_ref[...] + dis * s3 + c3b_ref[...]


def _row_spec(w):
    return pl.BlockSpec((_TB, w), lambda i: (i, 0))


def _part_spec(w):
    return pl.BlockSpec((NC, _TB, w), lambda i: (0, i, 0))


def _full_spec(shape):
    nd = len(shape)
    return pl.BlockSpec(shape, lambda i: (0,) * nd)


def _sds(shape):
    return jax.ShapeDtypeStruct(shape, jnp.float32)


_t1a_call = pl.pallas_call(
    _t1a_body,
    grid=_GRID,
    in_specs=[_row_spec(128), _full_spec((128, 128)), _full_spec((1, 128)),
              _full_spec((128, 128))],
    out_specs=[_row_spec(128), _row_spec(128)],
    out_shape=[_sds((N, 128)), _sds((N, 128))],
)

_t1b_call = pl.pallas_call(
    _t1b_body,
    grid=_GRID,
    in_specs=[_row_spec(128), _part_spec(PAD_W)],
    out_specs=_row_spec(128),
    out_shape=_sds((N, 128)),
)

_t2_call = pl.pallas_call(
    _t2_body,
    grid=_GRID,
    in_specs=[_row_spec(128), _part_spec(128), _part_spec(PAD_W),
              _full_spec((1, 128)), _full_spec((128, 64)), _full_spec((128, 64)),
              _full_spec((1, 64)), _full_spec((128, 64)), _full_spec((128, 64))],
    out_specs=[_row_spec(64), _row_spec(64)],
    out_shape=[_sds((N, 64)), _sds((N, 64))],
)

_t3_call = pl.pallas_call(
    _t3_body,
    grid=_GRID,
    in_specs=[_row_spec(64), _part_spec(64), _part_spec(PAD_W),
              _full_spec((1, 64)), _full_spec((64, PAD_W)),
              _full_spec((1, PAD_W)), _full_spec((64, 1))],
    out_specs=[_row_spec(PAD_W), _row_spec(1)],
    out_shape=[_sds((N, PAD_W)), _sds((N, 1))],
)

_t4_call = pl.pallas_call(
    _t4_body,
    grid=_GRID,
    in_specs=[_row_spec(PAD_W), _part_spec(PAD_W), _part_spec(PAD_W),
              _full_spec((1, PAD_W))],
    out_specs=_row_spec(PAD_W),
    out_shape=_sds((N, PAD_W)),
)


def _pad16(a):
    return jnp.pad(a, ((0, 0), (0, PAD_W - a.shape[1])))


def kernel(x, edge_index, fc_W, fc_b, conv1_W, conv1_b, fc1_W, fc1_b,
           conv2_W, conv2_b, fc2_W, fc2_b, conv3_W, conv3_b):
    src_r = edge_index[0].reshape(NC, NS, NCHUNK, K)
    dst_r = edge_index[1].reshape(NC, NS, NCHUNK, K)
    src_f = edge_index[0].reshape(NC, NS, E_PT)

    ones = jnp.ones((K, PAD_W), jnp.float32)
    zeros16 = jnp.zeros((N_ACC, PAD_W), jnp.float32)
    zeros64 = jnp.zeros((N_ACC, 64), jnp.float32)
    zeros128 = jnp.zeros((N_ACC, 128), jnp.float32)

    degp = _deg_call(dst_r, ones, zeros16)

    x1, h1 = _t1a_call(x, fc_W, fc_b.reshape(1, -1), conv1_W)
    g1 = _t1b_call(h1, degp)
    acc1 = _spmm128(g1, src_r, dst_r, zeros128)

    x5, g2 = _t2_call(x1, acc1, degp, conv1_b.reshape(1, -1),
                      fc1_W[:128], fc1_W[128:], fc1_b.reshape(1, -1),
                      conv2_W[:128], conv2_W[128:])
    acc2 = _spmm64(g2, src_r, dst_r, zeros64)

    x9p, g3 = _t3_call(x5, acc2, degp, conv2_b.reshape(1, -1),
                       _pad16(fc2_W), _pad16(fc2_b.reshape(1, 1)), conv3_W)
    acc3 = _spmm16(g3.reshape(-1), src_f, dst_r, zeros16)

    outp = _t4_call(x9p, acc3, degp, _pad16(conv3_b.reshape(1, 1)))
    return outp[:, 0:1]

# --- scband reference (transcript-rebuilt; emitter-appended) ---
"""Pipeline reference for scband-sgl-22909355557015 (READ-ONLY COPY).

The authoritative reference and input builder live on the scoring server;
editing this copy changes nothing except your own understanding.
"""

import jax, jax.numpy as jnp
import numpy as np

N = 10000
E = 320000
D_IN = 128
D_HID = 128
D_OUT = 64


def _init_linear(key, fan_in, fan_out):
    kw, kb = jax.random.split(key)
    lim = 1.0 / np.sqrt(fan_in)
    W = jax.random.uniform(kw, (fan_in, fan_out), minval=-lim, maxval=lim, dtype=jnp.float32)
    b = jax.random.uniform(kb, (fan_out,), minval=-lim, maxval=lim, dtype=jnp.float32)
    return W, b


def setup_inputs(seed: int = 0) -> dict:
    key = jax.random.key(seed)
    ks = jax.random.split(key, 10)
    inp = {}
    inp["x"] = jax.random.normal(ks[0], (N, D_IN), dtype=jnp.float32)
    inp["edge_index"] = jax.random.randint(ks[1], (2, E), 0, N, dtype=jnp.int32)
    inp["fc_W"], inp["fc_b"] = _init_linear(ks[2], D_IN, D_HID)
    inp["conv1_W"], inp["conv1_b"] = _init_linear(ks[3], D_IN, D_HID)
    inp["fc1_W"], inp["fc1_b"] = _init_linear(ks[4], 2 * D_HID, D_OUT)
    inp["conv2_W"], inp["conv2_b"] = _init_linear(ks[5], 2 * D_HID, D_OUT)
    inp["fc2_W"], inp["fc2_b"] = _init_linear(ks[6], D_OUT, 1)
    inp["conv3_W"], inp["conv3_b"] = _init_linear(ks[7], D_OUT, 1)
    return inp


def _gcn_conv(x, edge_index, W, b):
    # PyG GCNConv with add_self_loops=False, symmetric normalization
    src = edge_index[0]
    dst = edge_index[1]
    n = x.shape[0]
    deg = jnp.zeros((n,), dtype=x.dtype).at[dst].add(1.0)
    deg_safe = jnp.where(deg > 0, deg, 1.0)
    dis = jnp.where(deg > 0, deg_safe ** -0.5, 0.0)
    norm = dis[src] * dis[dst]
    h = x @ W
    msg = h[src] * norm[:, None]
    out = jnp.zeros((n, h.shape[1]), dtype=x.dtype).at[dst].add(msg)
    return out + b


def reference(x, edge_index, fc_W, fc_b, conv1_W, conv1_b, fc1_W, fc1_b,
              conv2_W, conv2_b, fc2_W, fc2_b, conv3_W, conv3_b):
    # eval-mode forward (dropout / dropout_adj are identity at p=0 / training=False)
    x1 = jax.nn.relu(x @ fc_W + fc_b)
    x2 = jax.nn.relu(_gcn_conv(x, edge_index, conv1_W, conv1_b))
    x3 = jnp.concatenate([x1, x2], axis=1)
    x5 = jax.nn.relu(x3 @ fc1_W + fc1_b)
    x6 = jax.nn.relu(_gcn_conv(x3, edge_index, conv2_W, conv2_b))
    x7 = x5 + x6
    x9 = x7 @ fc2_W + fc2_b
    x10 = _gcn_conv(x7, edge_index, conv3_W, conv3_b)
    pre = x9 + x10
    return pre

if __name__ == "__main__":
    import jax
    _d = setup_inputs()
    print(jax.jit(kernel)(*tuple(_d.values())))

</pallas_src>

<mosaic_0001>
#map = affine_map<(d0, d1) -> (0)>
#map1 = affine_map<(d0, d1) -> (0, 0, 0)>
#map2 = affine_map<(d0, d1) -> (0, 0, 0, 0)>
#map3 = affine_map<(d0, d1) -> (0, 0)>
module attributes {stable_mosaic.version = 14 : i64} {
  func.func @spmm1(%arg0: i32, %arg1: i32, %arg2: memref<10000xf32, #tpu.memory_space<hbm>>, %arg3: memref<2x16x10000xi32, #tpu.memory_space<hbm>>, %arg4: memref<2x16x125x80xi32, #tpu.memory_space<hbm>>, %arg5: memref<10240x16xf32, #tpu.memory_space<hbm>>, %arg6: memref<2x10240x16xf32, #tpu.memory_space<hbm>>, %arg7: memref<10000xi32, #tpu.memory_space<vmem>>, %arg8: memref<125x80xi32, #tpu.memory_space<vmem>>, %arg9: memref<10000xf32, #tpu.memory_space<vmem>>, %arg10: memref<80x16xf32, #tpu.memory_space<vmem>>, %arg11: memref<10240x16xf32, #tpu.memory_space<vmem_shared>>) attributes {dimension_semantics = [#tpu.dimension_semantics<core_parallel>, #tpu.dimension_semantics<subcore_parallel>], iteration_bounds = array<i64: 2, 16>, scalar_prefetch = 0 : i64, scratch_operands = 5 : i64, tpu.core_type = #tpu.core_type<sc_vector_subcore>, window_params = [{transform_indices = #map}, {transform_indices = #map1}, {transform_indices = #map2}, {transform_indices = #map3}, {transform_indices = #map1}]} {
    "tpu.region"() ({
      %run_scoped3A = tpu.sem_alloc : memref<!tpu.dma_semaphore, #tpu.memory_space<semaphore_mem>>
      %dma_start3A = arith.constant 0 : i32
      %dma_start3A_8 = tpu.memref_slice %arg3[%arg0, %arg1, %dma_start3A] : memref<2x16x10000xi32, #tpu.memory_space<hbm>> -> memref<1x1x10000xi32, #tpu.memory_space<hbm>>
      %dma_start3A_9 = tpu.memref_squeeze %dma_start3A_8 : memref<1x1x10000xi32, #tpu.memory_space<hbm>> -> memref<10000xi32, #tpu.memory_space<hbm>>
      %dma_start3A_10 = arith.constant 0 : i32
      %dma_start3A_11 = tpu.memref_slice %arg3[%arg0, %arg1, %dma_start3A_10] : memref<2x16x10000xi32, #tpu.memory_space<hbm>> -> memref<1x1x10000xi32, #tpu.memory_space<hbm>>
      %dma_start3A_12 = tpu.memref_squeeze %dma_start3A_11 : memref<1x1x10000xi32, #tpu.memory_space<hbm>> -> memref<10000xi32, #tpu.memory_space<hbm>>
      tpu.enqueue_dma source(%dma_start3A_12 : memref<10000xi32, #tpu.memory_space<hbm>>) target(%arg7 : memref<10000xi32, #tpu.memory_space<vmem>>) target_semaphore(%run_scoped3A : memref<!tpu.dma_semaphore, #tpu.memory_space<semaphore_mem>>)
      %dma_wait3A = arith.constant 0 : i32
      %dma_wait3A_13 = tpu.memref_slice %arg3[%arg0, %arg1, %dma_wait3A] : memref<2x16x10000xi32, #tpu.memory_space<hbm>> -> memref<1x1x10000xi32, #tpu.memory_space<hbm>>
      %dma_wait3A_14 = tpu.memref_squeeze %dma_wait3A_13 : memref<1x1x10000xi32, #tpu.memory_space<hbm>> -> memref<10000xi32, #tpu.memory_space<hbm>>
      %dma_wait3A_15 = arith.constant 0 : i32
      %dma_wait3A_16 = tpu.memref_slice %arg3[%arg0, %arg1, %dma_wait3A_15] : memref<2x16x10000xi32, #tpu.memory_space<hbm>> -> memref<1x1x10000xi32, #tpu.memory_space<hbm>>
      %dma_wait3A_17 = tpu.memref_squeeze %dma_wait3A_16 : memref<1x1x10000xi32, #tpu.memory_space<hbm>> -> memref<10000xi32, #tpu.memory_space<hbm>>
      tpu.wait_dma2 semaphore(%run_scoped3A : memref<!tpu.dma_semaphore, #tpu.memory_space<semaphore_mem>>) src(%dma_wait3A_17 : memref<10000xi32, #tpu.memory_space<hbm>>) dst(%arg7 : memref<10000xi32, #tpu.memory_space<vmem>>)
      tpu.yield
    }) : () -> ()
    "tpu.region"() ({
      %run_scoped3A = tpu.sem_alloc : memref<!tpu.dma_semaphore, #tpu.memory_space<semaphore_mem>>
      %dma_start3A = arith.constant 0 : i32
      %dma_start3A_8 = arith.constant 0 : i32
      %dma_start3A_9 = tpu.memref_slice %arg4[%arg0, %arg1, %dma_start3A, %dma_start3A_8] : memref<2x16x125x80xi32, #tpu.memory_space<hbm>> -> memref<1x1x125x80xi32, #tpu.memory_space<hbm>>
      %dma_start3A_10 = tpu.memref_squeeze %dma_start3A_9 : memref<1x1x125x80xi32, #tpu.memory_space<hbm>> -> memref<125x80xi32, #tpu.memory_space<hbm>>
      %dma_start3A_11 = arith.constant 0 : i32
      %dma_start3A_12 = arith.constant 0 : i32
      %dma_start3A_13 = tpu.memref_slice %arg4[%arg0, %arg1, %dma_start3A_11, %dma_start3A_12] : memref<2x16x125x80xi32, #tpu.memory_space<hbm>> -> memref<1x1x125x80xi32, #tpu.memory_space<hbm>>
      %dma_start3A_14 = tpu.memref_squeeze %dma_start3A_13 : memref<1x1x125x80xi32, #tpu.memory_space<hbm>> -> memref<125x80xi32, #tpu.memory_space<hbm>>
      tpu.enqueue_dma source(%dma_start3A_14 : memref<125x80xi32, #tpu.memory_space<hbm>>) target(%arg8 : memref<125x80xi32, #tpu.memory_space<vmem>>) target_semaphore(%run_scoped3A : memref<!tpu.dma_semaphore, #tpu.memory_space<semaphore_mem>>)
      %dma_wait3A = arith.constant 0 : i32
      %dma_wait3A_15 = arith.constant 0 : i32
      %dma_wait3A_16 = tpu.memref_slice %arg4[%arg0, %arg1, %dma_wait3A, %dma_wait3A_15] : memref<2x16x125x80xi32, #tpu.memory_space<hbm>> -> memref<1x1x125x80xi32, #tpu.memory_space<hbm>>
      %dma_wait3A_17 = tpu.memref_squeeze %dma_wait3A_16 : memref<1x1x125x80xi32, #tpu.memory_space<hbm>> -> memref<125x80xi32, #tpu.memory_space<hbm>>
      %dma_wait3A_18 = arith.constant 0 : i32
      %dma_wait3A_19 = arith.constant 0 : i32
      %dma_wait3A_20 = tpu.memref_slice %arg4[%arg0, %arg1, %dma_wait3A_18, %dma_wait3A_19] : memref<2x16x125x80xi32, #tpu.memory_space<hbm>> -> memref<1x1x125x80xi32, #tpu.memory_space<hbm>>
      %dma_wait3A_21 = tpu.memref_squeeze %dma_wait3A_20 : memref<1x1x125x80xi32, #tpu.memory_space<hbm>> -> memref<125x80xi32, #tpu.memory_space<hbm>>
      tpu.wait_dma2 semaphore(%run_scoped3A : memref<!tpu.dma_semaphore, #tpu.memory_space<semaphore_mem>>) src(%dma_wait3A_21 : memref<125x80xi32, #tpu.memory_space<hbm>>) dst(%arg8 : memref<125x80xi32, #tpu.memory_space<vmem>>)
      tpu.yield
    }) : () -> ()
    "tpu.region"() ({
      %run_scoped3A = tpu.sem_alloc : memref<!tpu.dma_semaphore, #tpu.memory_space<semaphore_mem>>
      tpu.enqueue_dma source(%arg2 : memref<10000xf32, #tpu.memory_space<hbm>>) target(%arg9 : memref<10000xf32, #tpu.memory_space<vmem>>) target_semaphore(%run_scoped3A : memref<!tpu.dma_semaphore, #tpu.memory_space<semaphore_mem>>)
      tpu.wait_dma2 semaphore(%run_scoped3A : memref<!tpu.dma_semaphore, #tpu.memory_space<semaphore_mem>>) src(%arg2 : memref<10000xf32, #tpu.memory_space<hbm>>) dst(%arg9 : memref<10000xf32, #tpu.memory_space<vmem>>)
      tpu.yield
    }) : () -> ()
    "tpu.region"() ({
      %run_scoped3A = tpu.sem_alloc : memref<!tpu.dma_semaphore, #tpu.memory_space<semaphore_mem>>
      %dma_start3A = arith.constant 0 : i32
      %dma_start3A_8 = arith.constant 0 : i32
      %dma_start3A_9 = tpu.memref_slice %arg5[%dma_start3A, %dma_start3A_8] : memref<10240x16xf32, #tpu.memory_space<hbm>> -> memref<80x16xf32, #tpu.memory_space<hbm>>
      %dma_start3A_10 = arith.constant 0 : i32
      %dma_start3A_11 = arith.constant 0 : i32
      %dma_start3A_12 = tpu.memref_slice %arg5[%dma_start3A_10, %dma_start3A_11] : memref<10240x16xf32, #tpu.memory_space<hbm>> -> memref<80x16xf32, #tpu.memory_space<hbm>>
      tpu.enqueue_dma source(%dma_start3A_12 : memref<80x16xf32, #tpu.memory_space<hbm>>) target(%arg10 : memref<80x16xf32, #tpu.memory_space<vmem>>) target_semaphore(%run_scoped3A : memref<!tpu.dma_semaphore, #tpu.memory_space<semaphore_mem>>)
      %dma_wait3A = arith.constant 0 : i32
      %dma_wait3A_13 = arith.constant 0 : i32
      %dma_wait3A_14 = tpu.memref_slice %arg5[%dma_wait3A, %dma_wait3A_13] : memref<10240x16xf32, #tpu.memory_space<hbm>> -> memref<80x16xf32, #tpu.memory_space<hbm>>
      %dma_wait3A_15 = arith.constant 0 : i32
      %dma_wait3A_16 = arith.constant 0 : i32
      %dma_wait3A_17 = tpu.memref_slice %arg5[%dma_wait3A_15, %dma_wait3A_16] : memref<10240x16xf32, #tpu.memory_space<hbm>> -> memref<80x16xf32, #tpu.memory_space<hbm>>
      tpu.wait_dma2 semaphore(%run_scoped3A : memref<!tpu.dma_semaphore, #tpu.memory_space<semaphore_mem>>) src(%dma_wait3A_17 : memref<80x16xf32, #tpu.memory_space<hbm>>) dst(%arg10 : memref<80x16xf32, #tpu.memory_space<vmem>>)
      tpu.yield
    }) : () -> ()
    %mul3A = arith.constant 640 : i32
    %mul3A_0 = arith.muli %arg1, %mul3A : i32
    "tpu.region"() ({
      %run_scoped3A = tpu.sem_alloc : memref<!tpu.dma_semaphore, #tpu.memory_space<semaphore_mem>>
      %dma_start3A = arith.constant 0 : i32
      %dma_start3A_8 = tpu.memref_slice %arg11[%mul3A_0, %dma_start3A] : memref<10240x16xf32, #tpu.memory_space<vmem_shared>> -> memref<640x16xf32, #tpu.memory_space<vmem_shared>>
      %dma_start3A_9 = arith.constant 0 : i32
      %dma_start3A_10 = tpu.memref_slice %arg5[%mul3A_0, %dma_start3A_9] : memref<10240x16xf32, #tpu.memory_space<hbm>> -> memref<640x16xf32, #tpu.memory_space<hbm>>
      tpu.enqueue_dma source(%dma_start3A_10 : memref<640x16xf32, #tpu.memory_space<hbm>>) target(%dma_start3A_8 : memref<640x16xf32, #tpu.memory_space<vmem_shared>>) target_semaphore(%run_scoped3A : memref<!tpu.dma_semaphore, #tpu.memory_space<semaphore_mem>>)
      %dma_wait3A = arith.constant 0 : i32
      %dma_wait3A_11 = tpu.memref_slice %arg11[%mul3A_0, %dma_wait3A] : memref<10240x16xf32, #tpu.memory_space<vmem_shared>> -> memref<640x16xf32, #tpu.memory_space<vmem_shared>>
      %dma_wait3A_12 = arith.constant 0 : i32
      %dma_wait3A_13 = tpu.memref_slice %arg5[%mul3A_0, %dma_wait3A_12] : memref<10240x16xf32, #tpu.memory_space<hbm>> -> memref<640x16xf32, #tpu.memory_space<hbm>>
      tpu.wait_dma2 semaphore(%run_scoped3A : memref<!tpu.dma_semaphore, #tpu.memory_space<semaphore_mem>>) src(%dma_wait3A_13 : memref<640x16xf32, #tpu.memory_space<hbm>>) dst(%dma_wait3A_11 : memref<640x16xf32, #tpu.memory_space<vmem_shared>>)
      tpu.yield
    }) : () -> ()
    %barrier3A = arith.constant 0 : index
    tpu.barrier barrier_id(%barrier3A)
    %iota3A = tpu.iota {dimensions = array<i32: 0>} : vector<16xi32>
    %broadcast_in_dim3A = arith.constant 0 : i32
    %broadcast_in_dim3A_1 = vector.broadcast %broadcast_in_dim3A : i32 to vector<16xi32>
    %scan3A = arith.constant 0 : i32
    %scan3A_2 = arith.constant 0 : i32
    %scan3A_3 = arith.constant 125 : i32
    %scan3A_4 = arith.addi %scan3A_2, %scan3A_3 : i32
    %scan3A_5 = arith.constant 1 : i32
    scf.for %scan3A_8 = %scan3A_2 to %scan3A_4 step %scan3A_5  : i32 {
      %mul3A_9 = arith.constant 80 : i32
      %mul3A_10 = arith.muli %scan3A_8, %mul3A_9 : i32
      %add3A = arith.constant 0 : i32
      %add3A_11 = arith.addi %mul3A_10, %add3A : i32
      %get3A = arith.index_cast %add3A_11 : i32 to index
      %get3A_12 = tpu.vector_load %arg7[%get3A] {strides = array<i32>} : memref<10000xi32, #tpu.memory_space<vmem>>, vector<16xi32>,
      %gather3A = tpu.vector_load_idx %arg9[%get3A_12] : memref<10000xf32, #tpu.memory_space<vmem>>[vector<16xi32>], vector<16xf32>,
      %add3A_13 = arith.constant 0 : i32
      %add3A_14 = vector.broadcast %add3A_13 : i32 to vector<16xi32>
      %add3A_15 = arith.addi %iota3A, %add3A_14 : vector<16xi32>
      tpu.vector_store_idx %arg10[%add3A_15, %broadcast_in_dim3A_1], %gather3A : memref<80x16xf32, #tpu.memory_space<vmem>>[vector<16xi32>, vector<16xi32>], vector<16xf32>,
      %mul3A_16 = arith.constant 80 : i32
      %mul3A_17 = arith.muli %scan3A_8, %mul3A_16 : i32
      %add3A_18 = arith.constant 16 : i32
      %add3A_19 = arith.addi %mul3A_17, %add3A_18 : i32
      %get3A_20 = arith.index_cast %add3A_19 : i32 to index
      %get3A_21 = tpu.vector_load %arg7[%get3A_20] {strides = array<i32>} : memref<10000xi32, #tpu.memory_space<vmem>>, vector<16xi32>,
      %gather3A_22 = tpu.vector_load_idx %arg9[%get3A_21] : memref<10000xf32, #tpu.memory_space<vmem>>[vector<16xi32>], vector<16xf32>,
      %add3A_23 = arith.constant 16 : i32
      %add3A_24 = vector.broadcast %add3A_23 : i32 to vector<16xi32>
      %add3A_25 = arith.addi %iota3A, %add3A_24 : vector<16xi32>
      tpu.vector_store_idx %arg10[%add3A_25, %broadcast_in_dim3A_1], %gather3A_22 : memref<80x16xf32, #tpu.memory_space<vmem>>[vector<16xi32>, vector<16xi32>], vector<16xf32>,
      %mul3A_26 = arith.constant 80 : i32
      %mul3A_27 = arith.muli %scan3A_8, %mul3A_26 : i32
      %add3A_28 = arith.constant 32 : i32
      %add3A_29 = arith.addi %mul3A_27, %add3A_28 : i32
      %get3A_30 = arith.index_cast %add3A_29 : i32 to index
      %get3A_31 = tpu.vector_load %arg7[%get3A_30] {strides = array<i32>} : memref<10000xi32, #tpu.memory_space<vmem>>, vector<16xi32>,
      %gather3A_32 = tpu.vector_load_idx %arg9[%get3A_31] : memref<10000xf32, #tpu.memory_space<vmem>>[vector<16xi32>], vector<16xf32>,
      %add3A_33 = arith.constant 32 : i32
      %add3A_34 = vector.broadcast %add3A_33 : i32 to vector<16xi32>
      %add3A_35 = arith.addi %iota3A, %add3A_34 : vector<16xi32>
      tpu.vector_store_idx %arg10[%add3A_35, %broadcast_in_dim3A_1], %gather3A_32 : memref<80x16xf32, #tpu.memory_space<vmem>>[vector<16xi32>, vector<16xi32>], vector<16xf32>,
      %mul3A_36 = arith.constant 80 : i32
      %mul3A_37 = arith.muli %scan3A_8, %mul3A_36 : i32
      %add3A_38 = arith.constant 48 : i32
      %add3A_39 = arith.addi %mul3A_37, %add3A_38 : i32
      %get3A_40 = arith.index_cast %add3A_39 : i32 to index
      %get3A_41 = tpu.vector_load %arg7[%get3A_40] {strides = array<i32>} : memref<10000xi32, #tpu.memory_space<vmem>>, vector<16xi32>,
      %gather3A_42 = tpu.vector_load_idx %arg9[%get3A_41] : memref<10000xf32, #tpu.memory_space<vmem>>[vector<16xi32>], vector<16xf32>,
      %add3A_43 = arith.constant 48 : i32
      %add3A_44 = vector.broadcast %add3A_43 : i32 to vector<16xi32>
      %add3A_45 = arith.addi %iota3A, %add3A_44 : vector<16xi32>
      tpu.vector_store_idx %arg10[%add3A_45, %broadcast_in_dim3A_1], %gather3A_42 : memref<80x16xf32, #tpu.memory_space<vmem>>[vector<16xi32>, vector<16xi32>], vector<16xf32>,
      %mul3A_46 = arith.constant 80 : i32
      %mul3A_47 = arith.muli %scan3A_8, %mul3A_46 : i32
      %add3A_48 = arith.constant 64 : i32
      %add3A_49 = arith.addi %mul3A_47, %add3A_48 : i32
      %get3A_50 = arith.index_cast %add3A_49 : i32 to index
      %get3A_51 = tpu.vector_load %arg7[%get3A_50] {strides = array<i32>} : memref<10000xi32, #tpu.memory_space<vmem>>, vector<16xi32>,
      %gather3A_52 = tpu.vector_load_idx %arg9[%get3A_51] : memref<10000xf32, #tpu.memory_space<vmem>>[vector<16xi32>], vector<16xf32>,
      %add3A_53 = arith.constant 64 : i32
      %add3A_54 = vector.broadcast %add3A_53 : i32 to vector<16xi32>
      %add3A_55 = arith.addi %iota3A, %add3A_54 : vector<16xi32>
      tpu.vector_store_idx %arg10[%add3A_55, %broadcast_in_dim3A_1], %gather3A_52 : memref<80x16xf32, #tpu.memory_space<vmem>>[vector<16xi32>, vector<16xi32>], vector<16xf32>,
      "tpu.region"() ({
        %run_scoped3A = tpu.sem_alloc : memref<!tpu.dma_semaphore, #tpu.memory_space<semaphore_mem>>
        %dma_start3A = arith.constant 0 : i32
        %dma_start3A_56 = tpu.memref_slice %arg8[%scan3A_8, %dma_start3A] : memref<125x80xi32, #tpu.memory_space<vmem>> -> memref<1x80xi32, #tpu.memory_space<vmem>>
        %dma_start3A_57 = tpu.memref_squeeze %dma_start3A_56 : memref<1x80xi32, #tpu.memory_space<vmem>> -> memref<80xi32, #tpu.memory_space<vmem>>
        %dma_start3A_58 = arith.constant 0 : i32
        %dma_start3A_59 = arith.constant 0 : i32
        %dma_start3A_60 = tpu.memref_slice %arg11[%dma_start3A_58, %dma_start3A_59] : memref<10240x16xf32, #tpu.memory_space<vmem_shared>> -> memref<10240x16xf32, #tpu.memory_space<vmem_shared>>
        tpu.enqueue_indirect_dma source(%arg10 : memref<80x16xf32, #tpu.memory_space<vmem>>) target(%dma_start3A_60 : memref<10240x16xf32, #tpu.memory_space<vmem_shared>>) offsets(%dma_start3A_57 : memref<80xi32, #tpu.memory_space<vmem>>) semaphore(%run_scoped3A : memref<!tpu.dma_semaphore, #tpu.memory_space<semaphore_mem>>) {add = true}
        %dma_wait3A = arith.constant 0 : i32
        %dma_wait3A_61 = tpu.memref_slice %arg8[%scan3A_8, %dma_wait3A] : memref<125x80xi32, #tpu.memory_space<vmem>> -> memref<1x80xi32, #tpu.memory_space<vmem>>
        %dma_wait3A_62 = tpu.memref_squeeze %dma_wait3A_61 : memref<1x80xi32, #tpu.memory_space<vmem>> -> memref<80xi32, #tpu.memory_space<vmem>>
        %dma_wait3A_63 = arith.constant 0 : i32
        %dma_wait3A_64 = arith.constant 0 : i32
        %dma_wait3A_65 = tpu.memref_slice %arg11[%dma_wait3A_63, %dma_wait3A_64] : memref<10240x16xf32, #tpu.memory_space<vmem_shared>> -> memref<10240x16xf32, #tpu.memory_space<vmem_shared>>
        tpu.wait_indirect_dma semaphore(%run_scoped3A : memref<!tpu.dma_semaphore, #tpu.memory_space<semaphore_mem>>) src(%arg10 : memref<80x16xf32, #tpu.memory_space<vmem>>) dst(%dma_wait3A_65 : memref<10240x16xf32, #tpu.memory_space<vmem_shared>>)
        tpu.yield
      }) : () -> ()
    }
    %scan3A_6 = arith.constant 125 : i32
    %barrier3A_7 = arith.constant 0 : index
    tpu.barrier barrier_id(%barrier3A_7)
    "tpu.region"() ({
      %run_scoped3A = tpu.sem_alloc : memref<!tpu.dma_semaphore, #tpu.memory_space<semaphore_mem>>
      %dma_start3A = arith.constant 0 : i32
      %dma_start3A_8 = tpu.memref_slice %arg6[%arg0, %mul3A_0, %dma_start3A] : memref<2x10240x16xf32, #tpu.memory_space<hbm>> -> memref<1x640x16xf32, #tpu.memory_space<hbm>>
      %dma_start3A_9 = tpu.memref_squeeze %dma_start3A_8 : memref<1x640x16xf32, #tpu.memory_space<hbm>> -> memref<640x16xf32, #tpu.memory_space<hbm>>
      %dma_start3A_10 = arith.constant 0 : i32
      %dma_start3A_11 = tpu.memref_slice %arg11[%mul3A_0, %dma_start3A_10] : memref<10240x16xf32, #tpu.memory_space<vmem_shared>> -> memref<640x16xf32, #tpu.memory_space<vmem_shared>>
      tpu.enqueue_dma source(%dma_start3A_11 : memref<640x16xf32, #tpu.memory_space<vmem_shared>>) target(%dma_start3A_9 : memref<640x16xf32, #tpu.memory_space<hbm>>) target_semaphore(%run_scoped3A : memref<!tpu.dma_semaphore, #tpu.memory_space<semaphore_mem>>)
      %dma_wait3A = arith.constant 0 : i32
      %dma_wait3A_12 = tpu.memref_slice %arg6[%arg0, %mul3A_0, %dma_wait3A] : memref<2x10240x16xf32, #tpu.memory_space<hbm>> -> memref<1x640x16xf32, #tpu.memory_space<hbm>>
      %dma_wait3A_13 = tpu.memref_squeeze %dma_wait3A_12 : memref<1x640x16xf32, #tpu.memory_space<hbm>> -> memref<640x16xf32, #tpu.memory_space<hbm>>
      %dma_wait3A_14 = arith.constant 0 : i32
      %dma_wait3A_15 = tpu.memref_slice %arg11[%mul3A_0, %dma_wait3A_14] : memref<10240x16xf32, #tpu.memory_space<vmem_shared>> -> memref<640x16xf32, #tpu.memory_space<vmem_shared>>
      tpu.wait_dma2 semaphore(%run_scoped3A : memref<!tpu.dma_semaphore, #tpu.memory_space<semaphore_mem>>) src(%dma_wait3A_15 : memref<640x16xf32, #tpu.memory_space<vmem_shared>>) dst(%dma_wait3A_13 : memref<640x16xf32, #tpu.memory_space<hbm>>)
      tpu.yield
    }) : () -> ()
    return
  }
}

#map = affine_map<(d0, d1) -> (0, 0, 0, 0)>
#map1 = affine_map<(d0, d1) -> (0, 0)>
#map2 = affine_map<(d0, d1) -> (0, 0, 0)>
module attributes {stable_mosaic.version = 14 : i64} {
  func.func @deg_kernel(%arg0: i32, %arg1: i32, %arg2: memref<2x16x125x80xi32, #tpu.memory_space<hbm>>, %arg3: memref<80x16xf32, #tpu.memory_space<hbm>>, %arg4: memref<10240x16xf32, #tpu.memory_space<hbm>>, %arg5: memref<2x10240x16xf32, #tpu.memory_space<hbm>>, %arg6: memref<125x80xi32, #tpu.memory_space<vmem>>, %arg7: memref<80x16xf32, #tpu.memory_space<vmem>>, %arg8: memref<10240x16xf32, #tpu.memory_space<vmem_shared>>) attributes {dimension_semantics = [#tpu.dimension_semantics<core_parallel>, #tpu.dimension_semantics<subcore_parallel>], iteration_bounds = array<i64: 2, 16>, scalar_prefetch = 0 : i64, scratch_operands = 3 : i64, tpu.core_type = #tpu.core_type<sc_vector_subcore>, window_params = [{transform_indices = #map}, {transform_indices = #map1}, {transform_indices = #map1}, {transform_indices = #map2}]} {
    "tpu.region"() ({
      %run_scoped3A = tpu.sem_alloc : memref<!tpu.dma_semaphore, #tpu.memory_space<semaphore_mem>>
      %dma_start3A = arith.constant 0 : i32
      %dma_start3A_7 = arith.constant 0 : i32
      %dma_start3A_8 = tpu.memref_slice %arg2[%arg0, %arg1, %dma_start3A, %dma_start3A_7] : memref<2x16x125x80xi32, #tpu.memory_space<hbm>> -> memref<1x1x125x80xi32, #tpu.memory_space<hbm>>
      %dma_start3A_9 = tpu.memref_squeeze %dma_start3A_8 : memref<1x1x125x80xi32, #tpu.memory_space<hbm>> -> memref<125x80xi32, #tpu.memory_space<hbm>>
      %dma_start3A_10 = arith.constant 0 : i32
      %dma_start3A_11 = arith.constant 0 : i32
      %dma_start3A_12 = tpu.memref_slice %arg2[%arg0, %arg1, %dma_start3A_10, %dma_start3A_11] : memref<2x16x125x80xi32, #tpu.memory_space<hbm>> -> memref<1x1x125x80xi32, #tpu.memory_space<hbm>>
      %dma_start3A_13 = tpu.memref_squeeze %dma_start3A_12 : memref<1x1x125x80xi32, #tpu.memory_space<hbm>> -> memref<125x80xi32, #tpu.memory_space<hbm>>
      tpu.enqueue_dma source(%dma_start3A_13 : memref<125x80xi32, #tpu.memory_space<hbm>>) target(%arg6 : memref<125x80xi32, #tpu.memory_space<vmem>>) target_semaphore(%run_scoped3A : memref<!tpu.dma_semaphore, #tpu.memory_space<semaphore_mem>>)
      %dma_wait3A = arith.constant 0 : i32
      %dma_wait3A_14 = arith.constant 0 : i32
      %dma_wait3A_15 = tpu.memref_slice %arg2[%arg0, %arg1, %dma_wait3A, %dma_wait3A_14] : memref<2x16x125x80xi32, #tpu.memory_space<hbm>> -> memref<1x1x125x80xi32, #tpu.memory_space<hbm>>
      %dma_wait3A_16 = tpu.memref_squeeze %dma_wait3A_15 : memref<1x1x125x80xi32, #tpu.memory_space<hbm>> -> memref<125x80xi32, #tpu.memory_space<hbm>>
      %dma_wait3A_17 = arith.constant 0 : i32
      %dma_wait3A_18 = arith.constant 0 : i32
      %dma_wait3A_19 = tpu.memref_slice %arg2[%arg0, %arg1, %dma_wait3A_17, %dma_wait3A_18] : memref<2x16x125x80xi32, #tpu.memory_space<hbm>> -> memref<1x1x125x80xi32, #tpu.memory_space<hbm>>
      %dma_wait3A_20 = tpu.memref_squeeze %dma_wait3A_19 : memref<1x1x125x80xi32, #tpu.memory_space<hbm>> -> memref<125x80xi32, #tpu.memory_space<hbm>>
      tpu.wait_dma2 semaphore(%run_scoped3A : memref<!tpu.dma_semaphore, #tpu.memory_space<semaphore_mem>>) src(%dma_wait3A_20 : memref<125x80xi32, #tpu.memory_space<hbm>>) dst(%arg6 : memref<125x80xi32, #tpu.memory_space<vmem>>)
      tpu.yield
    }) : () -> ()
    "tpu.region"() ({
      %run_scoped3A = tpu.sem_alloc : memref<!tpu.dma_semaphore, #tpu.memory_space<semaphore_mem>>
      tpu.enqueue_dma source(%arg3 : memref<80x16xf32, #tpu.memory_space<hbm>>) target(%arg7 : memref<80x16xf32, #tpu.memory_space<vmem>>) target_semaphore(%run_scoped3A : memref<!tpu.dma_semaphore, #tpu.memory_space<semaphore_mem>>)
      tpu.wait_dma2 semaphore(%run_scoped3A : memref<!tpu.dma_semaphore, #tpu.memory_space<semaphore_mem>>) src(%arg3 : memref<80x16xf32, #tpu.memory_space<hbm>>) dst(%arg7 : memref<80x16xf32, #tpu.memory_space<vmem>>)
      tpu.yield
    }) : () -> ()
    %mul3A = arith.constant 640 : i32
    %mul3A_0 = arith.muli %arg1, %mul3A : i32
    "tpu.region"() ({
      %run_scoped3A = tpu.sem_alloc : memref<!tpu.dma_semaphore, #tpu.memory_space<semaphore_mem>>
      %dma_start3A = arith.constant 0 : i32
      %dma_start3A_7 = tpu.memref_slice %arg8[%mul3A_0, %dma_start3A] : memref<10240x16xf32, #tpu.memory_space<vmem_shared>> -> memref<640x16xf32, #tpu.memory_space<vmem_shared>>
      %dma_start3A_8 = arith.constant 0 : i32
      %dma_start3A_9 = tpu.memref_slice %arg4[%mul3A_0, %dma_start3A_8] : memref<10240x16xf32, #tpu.memory_space<hbm>> -> memref<640x16xf32, #tpu.memory_space<hbm>>
      tpu.enqueue_dma source(%dma_start3A_9 : memref<640x16xf32, #tpu.memory_space<hbm>>) target(%dma_start3A_7 : memref<640x16xf32, #tpu.memory_space<vmem_shared>>) target_semaphore(%run_scoped3A : memref<!tpu.dma_semaphore, #tpu.memory_space<semaphore_mem>>)
      %dma_wait3A = arith.constant 0 : i32
      %dma_wait3A_10 = tpu.memref_slice %arg8[%mul3A_0, %dma_wait3A] : memref<10240x16xf32, #tpu.memory_space<vmem_shared>> -> memref<640x16xf32, #tpu.memory_space<vmem_shared>>
      %dma_wait3A_11 = arith.constant 0 : i32
      %dma_wait3A_12 = tpu.memref_slice %arg4[%mul3A_0, %dma_wait3A_11] : memref<10240x16xf32, #tpu.memory_space<hbm>> -> memref<640x16xf32, #tpu.memory_space<hbm>>
      tpu.wait_dma2 semaphore(%run_scoped3A : memref<!tpu.dma_semaphore, #tpu.memory_space<semaphore_mem>>) src(%dma_wait3A_12 : memref<640x16xf32, #tpu.memory_space<hbm>>) dst(%dma_wait3A_10 : memref<640x16xf32, #tpu.memory_space<vmem_shared>>)
      tpu.yield
    }) : () -> ()
    %barrier3A = arith.constant 0 : index
    tpu.barrier barrier_id(%barrier3A)
    %scan3A = arith.constant 0 : i32
    %scan3A_1 = arith.constant 0 : i32
    %scan3A_2 = arith.constant 125 : i32
    %scan3A_3 = arith.addi %scan3A_1, %scan3A_2 : i32
    %scan3A_4 = arith.constant 1 : i32
    scf.for %scan3A_7 = %scan3A_1 to %scan3A_3 step %scan3A_4  : i32 {
      "tpu.region"() ({
        %run_scoped3A = tpu.sem_alloc : memref<!tpu.dma_semaphore, #tpu.memory_space<semaphore_mem>>
        %dma_start3A = arith.constant 0 : i32
        %dma_start3A_8 = tpu.memref_slice %arg6[%scan3A_7, %dma_start3A] : memref<125x80xi32, #tpu.memory_space<vmem>> -> memref<1x80xi32, #tpu.memory_space<vmem>>
        %dma_start3A_9 = tpu.memref_squeeze %dma_start3A_8 : memref<1x80xi32, #tpu.memory_space<vmem>> -> memref<80xi32, #tpu.memory_space<vmem>>
        %dma_start3A_10 = arith.constant 0 : i32
        %dma_start3A_11 = arith.constant 0 : i32
        %dma_start3A_12 = tpu.memref_slice %arg8[%dma_start3A_10, %dma_start3A_11] : memref<10240x16xf32, #tpu.memory_space<vmem_shared>> -> memref<10240x16xf32, #tpu.memory_space<vmem_shared>>
        tpu.enqueue_indirect_dma source(%arg7 : memref<80x16xf32, #tpu.memory_space<vmem>>) target(%dma_start3A_12 : memref<10240x16xf32, #tpu.memory_space<vmem_shared>>) offsets(%dma_start3A_9 : memref<80xi32, #tpu.memory_space<vmem>>) semaphore(%run_scoped3A : memref<!tpu.dma_semaphore, #tpu.memory_space<semaphore_mem>>) {add = true}
        %dma_wait3A = arith.constant 0 : i32
        %dma_wait3A_13 = tpu.memref_slice %arg6[%scan3A_7, %dma_wait3A] : memref<125x80xi32, #tpu.memory_space<vmem>> -> memref<1x80xi32, #tpu.memory_space<vmem>>
        %dma_wait3A_14 = tpu.memref_squeeze %dma_wait3A_13 : memref<1x80xi32, #tpu.memory_space<vmem>> -> memref<80xi32, #tpu.memory_space<vmem>>
        %dma_wait3A_15 = arith.constant 0 : i32
        %dma_wait3A_16 = arith.constant 0 : i32
        %dma_wait3A_17 = tpu.memref_slice %arg8[%dma_wait3A_15, %dma_wait3A_16] : memref<10240x16xf32, #tpu.memory_space<vmem_shared>> -> memref<10240x16xf32, #tpu.memory_space<vmem_shared>>
        tpu.wait_indirect_dma semaphore(%run_scoped3A : memref<!tpu.dma_semaphore, #tpu.memory_space<semaphore_mem>>) src(%arg7 : memref<80x16xf32, #tpu.memory_space<vmem>>) dst(%dma_wait3A_17 : memref<10240x16xf32, #tpu.memory_space<vmem_shared>>)
        tpu.yield
      }) : () -> ()
    }
    %scan3A_5 = arith.constant 125 : i32
    %barrier3A_6 = arith.constant 0 : index
    tpu.barrier barrier_id(%barrier3A_6)
    "tpu.region"() ({
      %run_scoped3A = tpu.sem_alloc : memref<!tpu.dma_semaphore, #tpu.memory_space<semaphore_mem>>
      %dma_start3A = arith.constant 0 : i32
      %dma_start3A_7 = tpu.memref_slice %arg5[%arg0, %mul3A_0, %dma_start3A] : memref<2x10240x16xf32, #tpu.memory_space<hbm>> -> memref<1x640x16xf32, #tpu.memory_space<hbm>>
      %dma_start3A_8 = tpu.memref_squeeze %dma_start3A_7 : memref<1x640x16xf32, #tpu.memory_space<hbm>> -> memref<640x16xf32, #tpu.memory_space<hbm>>
      %dma_start3A_9 = arith.constant 0 : i32
      %dma_start3A_10 = tpu.memref_slice %arg8[%mul3A_0, %dma_start3A_9] : memref<10240x16xf32, #tpu.memory_space<vmem_shared>> -> memref<640x16xf32, #tpu.memory_space<vmem_shared>>
      tpu.enqueue_dma source(%dma_start3A_10 : memref<640x16xf32, #tpu.memory_space<vmem_shared>>) target(%dma_start3A_8 : memref<640x16xf32, #tpu.memory_space<hbm>>) target_semaphore(%run_scoped3A : memref<!tpu.dma_semaphore, #tpu.memory_space<semaphore_mem>>)
      %dma_wait3A = arith.constant 0 : i32
      %dma_wait3A_11 = tpu.memref_slice %arg5[%arg0, %mul3A_0, %dma_wait3A] : memref<2x10240x16xf32, #tpu.memory_space<hbm>> -> memref<1x640x16xf32, #tpu.memory_space<hbm>>
      %dma_wait3A_12 = tpu.memref_squeeze %dma_wait3A_11 : memref<1x640x16xf32, #tpu.memory_space<hbm>> -> memref<640x16xf32, #tpu.memory_space<hbm>>
      %dma_wait3A_13 = arith.constant 0 : i32
      %dma_wait3A_14 = tpu.memref_slice %arg8[%mul3A_0, %dma_wait3A_13] : memref<10240x16xf32, #tpu.memory_space<vmem_shared>> -> memref<640x16xf32, #tpu.memory_space<vmem_shared>>
      tpu.wait_dma2 semaphore(%run_scoped3A : memref<!tpu.dma_semaphore, #tpu.memory_space<semaphore_mem>>) src(%dma_wait3A_14 : memref<640x16xf32, #tpu.memory_space<vmem_shared>>) dst(%dma_wait3A_12 : memref<640x16xf32, #tpu.memory_space<hbm>>)
      tpu.yield
    }) : () -> ()
    return
  }
}

#map = affine_map<(d0, d1) -> (0, 0)>
#map1 = affine_map<(d0, d1) -> (0, 0, 0, 0)>
#map2 = affine_map<(d0, d1) -> (0, 0, 0)>
module attributes {stable_mosaic.version = 14 : i64} {
  func.func @spmm(%arg0: i32, %arg1: i32, %arg2: memref<10000x64xf32, #tpu.memory_space<hbm>>, %arg3: memref<2x16x125x80xi32, #tpu.memory_space<hbm>>, %arg4: memref<2x16x125x80xi32, #tpu.memory_space<hbm>>, %arg5: memref<10240x64xf32, #tpu.memory_space<hbm>>, %arg6: memref<2x10240x64xf32, #tpu.memory_space<hbm>>, %arg7: memref<125x80xi32, #tpu.memory_space<vmem>>, %arg8: memref<125x80xi32, #tpu.memory_space<vmem>>, %arg9: memref<80x64xf32, #tpu.memory_space<vmem>>, %arg10: memref<80x64xf32, #tpu.memory_space<vmem>>, %arg11: memref<80x64xf32, #tpu.memory_space<vmem>>, %arg12: memref<10000x64xf32, #tpu.memory_space<vmem_shared>>, %arg13: memref<10240x64xf32, #tpu.memory_space<vmem_shared>>, %arg14: memref<!tpu.dma_semaphore, #tpu.memory_space<semaphore_mem>>, %arg15: memref<!tpu.dma_semaphore, #tpu.memory_space<semaphore_mem>>, %arg16: memref<!tpu.dma_semaphore, #tpu.memory_space<semaphore_mem>>) attributes {dimension_semantics = [#tpu.dimension_semantics<core_parallel>, #tpu.dimension_semantics<subcore_parallel>], iteration_bounds = array<i64: 2, 16>, scalar_prefetch = 0 : i64, scratch_operands = 10 : i64, tpu.core_type = #tpu.core_type<sc_vector_subcore>, window_params = [{transform_indices = #map}, {transform_indices = #map1}, {transform_indices = #map1}, {transform_indices = #map}, {transform_indices = #map2}]} {
    "tpu.region"() ({
      %run_scoped3A_43 = tpu.sem_alloc : memref<!tpu.dma_semaphore, #tpu.memory_space<semaphore_mem>>
      %dma_start3A_44 = arith.constant 0 : i32
      %dma_start3A_45 = arith.constant 0 : i32
      %dma_start3A_46 = tpu.memref_slice %arg3[%arg0, %arg1, %dma_start3A_44, %dma_start3A_45] : memref<2x16x125x80xi32, #tpu.memory_space<hbm>> -> memref<1x1x125x80xi32, #tpu.memory_space<hbm>>
      %dma_start3A_47 = tpu.memref_squeeze %dma_start3A_46 : memref<1x1x125x80xi32, #tpu.memory_space<hbm>> -> memref<125x80xi32, #tpu.memory_space<hbm>>
      %dma_start3A_48 = arith.constant 0 : i32
      %dma_start3A_49 = arith.constant 0 : i32
      %dma_start3A_50 = tpu.memref_slice %arg3[%arg0, %arg1, %dma_start3A_48, %dma_start3A_49] : memref<2x16x125x80xi32, #tpu.memory_space<hbm>> -> memref<1x1x125x80xi32, #tpu.memory_space<hbm>>
      %dma_start3A_51 = tpu.memref_squeeze %dma_start3A_50 : memref<1x1x125x80xi32, #tpu.memory_space<hbm>> -> memref<125x80xi32, #tpu.memory_space<hbm>>
      tpu.enqueue_dma source(%dma_start3A_51 : memref<125x80xi32, #tpu.memory_space<hbm>>) target(%arg7 : memref<125x80xi32, #tpu.memory_space<vmem>>) target_semaphore(%run_scoped3A_43 : memref<!tpu.dma_semaphore, #tpu.memory_space<semaphore_mem>>)
      %dma_wait3A_52 = arith.constant 0 : i32
      %dma_wait3A_53 = arith.constant 0 : i32
      %dma_wait3A_54 = tpu.memref_slice %arg3[%arg0, %arg1, %dma_wait3A_52, %dma_wait3A_53] : memref<2x16x125x80xi32, #tpu.memory_space<hbm>> -> memref<1x1x125x80xi32, #tpu.memory_space<hbm>>
      %dma_wait3A_55 = tpu.memref_squeeze %dma_wait3A_54 : memref<1x1x125x80xi32, #tpu.memory_space<hbm>> -> memref<125x80xi32, #tpu.memory_space<hbm>>
      %dma_wait3A_56 = arith.constant 0 : i32
      %dma_wait3A_57 = arith.constant 0 : i32
      %dma_wait3A_58 = tpu.memref_slice %arg3[%arg0, %arg1, %dma_wait3A_56, %dma_wait3A_57] : memref<2x16x125x80xi32, #tpu.memory_space<hbm>> -> memref<1x1x125x80xi32, #tpu.memory_space<hbm>>
      %dma_wait3A_59 = tpu.memref_squeeze %dma_wait3A_58 : memref<1x1x125x80xi32, #tpu.memory_space<hbm>> -> memref<125x80xi32, #tpu.memory_space<hbm>>
      tpu.wait_dma2 semaphore(%run_scoped3A_43 : memref<!tpu.dma_semaphore, #tpu.memory_space<semaphore_mem>>) src(%dma_wait3A_59 : memref<125x80xi32, #tpu.memory_space<hbm>>) dst(%arg7 : memref<125x80xi32, #tpu.memory_space<vmem>>)
      tpu.yield
    }) : () -> ()
    "tpu.region"() ({
      %run_scoped3A_43 = tpu.sem_alloc : memref<!tpu.dma_semaphore, #tpu.memory_space<semaphore_mem>>
      %dma_start3A_44 = arith.constant 0 : i32
      %dma_start3A_45 = arith.constant 0 : i32
      %dma_start3A_46 = tpu.memref_slice %arg4[%arg0, %arg1, %dma_start3A_44, %dma_start3A_45] : memref<2x16x125x80xi32, #tpu.memory_space<hbm>> -> memref<1x1x125x80xi32, #tpu.memory_space<hbm>>
      %dma_start3A_47 = tpu.memref_squeeze %dma_start3A_46 : memref<1x1x125x80xi32, #tpu.memory_space<hbm>> -> memref<125x80xi32, #tpu.memory_space<hbm>>
      %dma_start3A_48 = arith.constant 0 : i32
      %dma_start3A_49 = arith.constant 0 : i32
      %dma_start3A_50 = tpu.memref_slice %arg4[%arg0, %arg1, %dma_start3A_48, %dma_start3A_49] : memref<2x16x125x80xi32, #tpu.memory_space<hbm>> -> memref<1x1x125x80xi32, #tpu.memory_space<hbm>>
      %dma_start3A_51 = tpu.memref_squeeze %dma_start3A_50 : memref<1x1x125x80xi32, #tpu.memory_space<hbm>> -> memref<125x80xi32, #tpu.memory_space<hbm>>
      tpu.enqueue_dma source(%dma_start3A_51 : memref<125x80xi32, #tpu.memory_space<hbm>>) target(%arg8 : memref<125x80xi32, #tpu.memory_space<vmem>>) target_semaphore(%run_scoped3A_43 : memref<!tpu.dma_semaphore, #tpu.memory_space<semaphore_mem>>)
      %dma_wait3A_52 = arith.constant 0 : i32
      %dma_wait3A_53 = arith.constant 0 : i32
      %dma_wait3A_54 = tpu.memref_slice %arg4[%arg0, %arg1, %dma_wait3A_52, %dma_wait3A_53] : memref<2x16x125x80xi32, #tpu.memory_space<hbm>> -> memref<1x1x125x80xi32, #tpu.memory_space<hbm>>
      %dma_wait3A_55 = tpu.memref_squeeze %dma_wait3A_54 : memref<1x1x125x80xi32, #tpu.memory_space<hbm>> -> memref<125x80xi32, #tpu.memory_space<hbm>>
      %dma_wait3A_56 = arith.constant 0 : i32
      %dma_wait3A_57 = arith.constant 0 : i32
      %dma_wait3A_58 = tpu.memref_slice %arg4[%arg0, %arg1, %dma_wait3A_56, %dma_wait3A_57] : memref<2x16x125x80xi32, #tpu.memory_space<hbm>> -> memref<1x1x125x80xi32, #tpu.memory_space<hbm>>
      %dma_wait3A_59 = tpu.memref_squeeze %dma_wait3A_58 : memref<1x1x125x80xi32, #tpu.memory_space<hbm>> -> memref<125x80xi32, #tpu.memory_space<hbm>>
      tpu.wait_dma2 semaphore(%run_scoped3A_43 : memref<!tpu.dma_semaphore, #tpu.memory_space<semaphore_mem>>) src(%dma_wait3A_59 : memref<125x80xi32, #tpu.memory_space<hbm>>) dst(%arg8 : memref<125x80xi32, #tpu.memory_space<vmem>>)
      tpu.yield
    }) : () -> ()
    %mul3A = arith.constant 640 : i32
    %mul3A_0 = arith.muli %arg1, %mul3A : i32
    "tpu.region"() ({
      %run_scoped3A_43 = tpu.sem_alloc : memref<!tpu.dma_semaphore, #tpu.memory_space<semaphore_mem>>
      %dma_start3A_44 = arith.constant 0 : i32
      %dma_start3A_45 = tpu.memref_slice %arg13[%mul3A_0, %dma_start3A_44] : memref<10240x64xf32, #tpu.memory_space<vmem_shared>> -> memref<640x64xf32, #tpu.memory_space<vmem_shared>>
      %dma_start3A_46 = arith.constant 0 : i32
      %dma_start3A_47 = tpu.memref_slice %arg5[%mul3A_0, %dma_start3A_46] : memref<10240x64xf32, #tpu.memory_space<hbm>> -> memref<640x64xf32, #tpu.memory_space<hbm>>
      tpu.enqueue_dma source(%dma_start3A_47 : memref<640x64xf32, #tpu.memory_space<hbm>>) target(%dma_start3A_45 : memref<640x64xf32, #tpu.memory_space<vmem_shared>>) target_semaphore(%run_scoped3A_43 : memref<!tpu.dma_semaphore, #tpu.memory_space<semaphore_mem>>)
      %dma_wait3A_48 = arith.constant 0 : i32
      %dma_wait3A_49 = tpu.memref_slice %arg13[%mul3A_0, %dma_wait3A_48] : memref<10240x64xf32, #tpu.memory_space<vmem_shared>> -> memref<640x64xf32, #tpu.memory_space<vmem_shared>>
      %dma_wait3A_50 = arith.constant 0 : i32
      %dma_wait3A_51 = tpu.memref_slice %arg5[%mul3A_0, %dma_wait3A_50] : memref<10240x64xf32, #tpu.memory_space<hbm>> -> memref<640x64xf32, #tpu.memory_space<hbm>>
      tpu.wait_dma2 semaphore(%run_scoped3A_43 : memref<!tpu.dma_semaphore, #tpu.memory_space<semaphore_mem>>) src(%dma_wait3A_51 : memref<640x64xf32, #tpu.memory_space<hbm>>) dst(%dma_wait3A_49 : memref<640x64xf32, #tpu.memory_space<vmem_shared>>)
      tpu.yield
    }) : () -> ()
    %lt3A = arith.constant 10 : i32
    %lt3A_1 = arith.cmpi slt, %arg1, %lt3A : i32
    %convert_element_type3A = arith.extui %lt3A_1 : i1 to i32
    %cond3A = arith.constant 0 : i32
    %cond3A_2 = arith.cmpi ne, %convert_element_type3A, %cond3A : i32
    scf.if %cond3A_2 {
      %mul3A_43 = arith.constant 1000 : i32
      %mul3A_44 = arith.muli %arg1, %mul3A_43 : i32
      "tpu.region"() ({
        %run_scoped3A_45 = tpu.sem_alloc : memref<!tpu.dma_semaphore, #tpu.memory_space<semaphore_mem>>
        %dma_start3A_46 = arith.constant 0 : i32
        %dma_start3A_47 = tpu.memref_slice %arg12[%mul3A_44, %dma_start3A_46] : memref<10000x64xf32, #tpu.memory_space<vmem_shared>> -> memref<1000x64xf32, #tpu.memory_space<vmem_shared>>
        %dma_start3A_48 = arith.constant 0 : i32
        %dma_start3A_49 = tpu.memref_slice %arg2[%mul3A_44, %dma_start3A_48] : memref<10000x64xf32, #tpu.memory_space<hbm>> -> memref<1000x64xf32, #tpu.memory_space<hbm>>
        tpu.enqueue_dma source(%dma_start3A_49 : memref<1000x64xf32, #tpu.memory_space<hbm>>) target(%dma_start3A_47 : memref<1000x64xf32, #tpu.memory_space<vmem_shared>>) target_semaphore(%run_scoped3A_45 : memref<!tpu.dma_semaphore, #tpu.memory_space<semaphore_mem>>)
        %dma_wait3A_50 = arith.constant 0 : i32
        %dma_wait3A_51 = tpu.memref_slice %arg12[%mul3A_44, %dma_wait3A_50] : memref<10000x64xf32, #tpu.memory_space<vmem_shared>> -> memref<1000x64xf32, #tpu.memory_space<vmem_shared>>
        %dma_wait3A_52 = arith.constant 0 : i32
        %dma_wait3A_53 = tpu.memref_slice %arg2[%mul3A_44, %dma_wait3A_52] : memref<10000x64xf32, #tpu.memory_space<hbm>> -> memref<1000x64xf32, #tpu.memory_space<hbm>>
        tpu.wait_dma2 semaphore(%run_scoped3A_45 : memref<!tpu.dma_semaphore, #tpu.memory_space<semaphore_mem>>) src(%dma_wait3A_53 : memref<1000x64xf32, #tpu.memory_space<hbm>>) dst(%dma_wait3A_51 : memref<1000x64xf32, #tpu.memory_space<vmem_shared>>)
        tpu.yield
      }) : () -> ()
    } else {
    }
    %barrier3A = arith.constant 0 : index
    tpu.barrier barrier_id(%barrier3A)
    %dma_start3A = arith.constant 0 : i32
    %dma_start3A_3 = arith.constant 0 : i32
    %dma_start3A_4 = tpu.memref_slice %arg7[%dma_start3A, %dma_start3A_3] : memref<125x80xi32, #tpu.memory_space<vmem>> -> memref<1x80xi32, #tpu.memory_space<vmem>>
    %dma_start3A_5 = tpu.memref_squeeze %dma_start3A_4 : memref<1x80xi32, #tpu.memory_space<vmem>> -> memref<80xi32, #tpu.memory_space<vmem>>
    %dma_start3A_6 = arith.constant 0 : i32
    %dma_start3A_7 = arith.constant 0 : i32
    %dma_start3A_8 = tpu.memref_slice %arg12[%dma_start3A_6, %dma_start3A_7] : memref<10000x64xf32, #tpu.memory_space<vmem_shared>> -> memref<10000x64xf32, #tpu.memory_space<vmem_shared>>
    tpu.enqueue_indirect_dma source(%dma_start3A_8 : memref<10000x64xf32, #tpu.memory_space<vmem_shared>>) target(%arg9 : memref<80x64xf32, #tpu.memory_space<vmem>>) offsets(%dma_start3A_5 : memref<80xi32, #tpu.memory_space<vmem>>) semaphore(%arg14 : memref<!tpu.dma_semaphore, #tpu.memory_space<semaphore_mem>>)
    %dma_start3A_9 = arith.constant 1 : i32
    %dma_start3A_10 = arith.constant 0 : i32
    %dma_start3A_11 = tpu.memref_slice %arg7[%dma_start3A_9, %dma_start3A_10] : memref<125x80xi32, #tpu.memory_space<vmem>> -> memref<1x80xi32, #tpu.memory_space<vmem>>
    %dma_start3A_12 = tpu.memref_squeeze %dma_start3A_11 : memref<1x80xi32, #tpu.memory_space<vmem>> -> memref<80xi32, #tpu.memory_space<vmem>>
    %dma_start3A_13 = arith.constant 0 : i32
    %dma_start3A_14 = arith.constant 0 : i32
    %dma_start3A_15 = tpu.memref_slice %arg12[%dma_start3A_13, %dma_start3A_14] : memref<10000x64xf32, #tpu.memory_space<vmem_shared>> -> memref<10000x64xf32, #tpu.memory_space<vmem_shared>>
    tpu.enqueue_indirect_dma source(%dma_start3A_15 : memref<10000x64xf32, #tpu.memory_space<vmem_shared>>) target(%arg10 : memref<80x64xf32, #tpu.memory_space<vmem>>) offsets(%dma_start3A_12 : memref<80xi32, #tpu.memory_space<vmem>>) semaphore(%arg15 : memref<!tpu.dma_semaphore, #tpu.memory_space<semaphore_mem>>)
    %dma_start3A_16 = arith.constant 2 : i32
    %dma_start3A_17 = arith.constant 0 : i32
    %dma_start3A_18 = tpu.memref_slice %arg7[%dma_start3A_16, %dma_start3A_17] : memref<125x80xi32, #tpu.memory_space<vmem>> -> memref<1x80xi32, #tpu.memory_space<vmem>>
    %dma_start3A_19 = tpu.memref_squeeze %dma_start3A_18 : memref<1x80xi32, #tpu.memory_space<vmem>> -> memref<80xi32, #tpu.memory_space<vmem>>
    %dma_start3A_20 = arith.constant 0 : i32
    %dma_start3A_21 = arith.constant 0 : i32
    %dma_start3A_22 = tpu.memref_slice %arg12[%dma_start3A_20, %dma_start3A_21] : memref<10000x64xf32, #tpu.memory_space<vmem_shared>> -> memref<10000x64xf32, #tpu.memory_space<vmem_shared>>
    tpu.enqueue_indirect_dma source(%dma_start3A_22 : memref<10000x64xf32, #tpu.memory_space<vmem_shared>>) target(%arg11 : memref<80x64xf32, #tpu.memory_space<vmem>>) offsets(%dma_start3A_19 : memref<80xi32, #tpu.memory_space<vmem>>) semaphore(%arg16 : memref<!tpu.dma_semaphore, #tpu.memory_space<semaphore_mem>>)
    %scan3A = arith.constant 0 : i32
    %scan3A_23 = arith.constant 0 : i32
    %scan3A_24 = arith.constant 41 : i32
    %scan3A_25 = arith.addi %scan3A_23, %scan3A_24 : i32
    %scan3A_26 = arith.constant 1 : i32
    scf.for %scan3A_43 = %scan3A_23 to %scan3A_25 step %scan3A_26  : i32 {
      %mul3A_44 = arith.constant 3 : i32
      %mul3A_45 = arith.muli %mul3A_44, %scan3A_43 : i32
      %add3A = arith.constant 0 : i32
      %add3A_46 = arith.addi %mul3A_45, %add3A : i32
      %dma_wait3A_47 = arith.constant 0 : i32
      %dma_wait3A_48 = tpu.memref_slice %arg7[%add3A_46, %dma_wait3A_47] : memref<125x80xi32, #tpu.memory_space<vmem>> -> memref<1x80xi32, #tpu.memory_space<vmem>>
      %dma_wait3A_49 = tpu.memref_squeeze %dma_wait3A_48 : memref<1x80xi32, #tpu.memory_space<vmem>> -> memref<80xi32, #tpu.memory_space<vmem>>
      %dma_wait3A_50 = arith.constant 0 : i32
      %dma_wait3A_51 = arith.constant 0 : i32
      %dma_wait3A_52 = tpu.memref_slice %arg12[%dma_wait3A_50, %dma_wait3A_51] : memref<10000x64xf32, #tpu.memory_space<vmem_shared>> -> memref<10000x64xf32, #tpu.memory_space<vmem_shared>>
      tpu.wait_indirect_dma semaphore(%arg14 : memref<!tpu.dma_semaphore, #tpu.memory_space<semaphore_mem>>) src(%dma_wait3A_52 : memref<10000x64xf32, #tpu.memory_space<vmem_shared>>) dst(%arg9 : memref<80x64xf32, #tpu.memory_space<vmem>>)
      "tpu.region"() ({
        %run_scoped3A_94 = tpu.sem_alloc : memref<!tpu.dma_semaphore, #tpu.memory_space<semaphore_mem>>
        %dma_start3A_95 = arith.constant 0 : i32
        %dma_start3A_96 = tpu.memref_slice %arg8[%add3A_46, %dma_start3A_95] : memref<125x80xi32, #tpu.memory_space<vmem>> -> memref<1x80xi32, #tpu.memory_space<vmem>>
        %dma_start3A_97 = tpu.memref_squeeze %dma_start3A_96 : memref<1x80xi32, #tpu.memory_space<vmem>> -> memref<80xi32, #tpu.memory_space<vmem>>
        %dma_start3A_98 = arith.constant 0 : i32
        %dma_start3A_99 = arith.constant 0 : i32
        %dma_start3A_100 = tpu.memref_slice %arg13[%dma_start3A_98, %dma_start3A_99] : memref<10240x64xf32, #tpu.memory_space<vmem_shared>> -> memref<10240x64xf32, #tpu.memory_space<vmem_shared>>
        tpu.enqueue_indirect_dma source(%arg9 : memref<80x64xf32, #tpu.memory_space<vmem>>) target(%dma_start3A_100 : memref<10240x64xf32, #tpu.memory_space<vmem_shared>>) offsets(%dma_start3A_97 : memref<80xi32, #tpu.memory_space<vmem>>) semaphore(%run_scoped3A_94 : memref<!tpu.dma_semaphore, #tpu.memory_space<semaphore_mem>>) {add = true}
        %dma_wait3A_101 = arith.constant 0 : i32
        %dma_wait3A_102 = tpu.memref_slice %arg8[%add3A_46, %dma_wait3A_101] : memref<125x80xi32, #tpu.memory_space<vmem>> -> memref<1x80xi32, #tpu.memory_space<vmem>>
        %dma_wait3A_103 = tpu.memref_squeeze %dma_wait3A_102 : memref<1x80xi32, #tpu.memory_space<vmem>> -> memref<80xi32, #tpu.memory_space<vmem>>
        %dma_wait3A_104 = arith.constant 0 : i32
        %dma_wait3A_105 = arith.constant 0 : i32
        %dma_wait3A_106 = tpu.memref_slice %arg13[%dma_wait3A_104, %dma_wait3A_105] : memref<10240x64xf32, #tpu.memory_space<vmem_shared>> -> memref<10240x64xf32, #tpu.memory_space<vmem_shared>>
        tpu.wait_indirect_dma semaphore(%run_scoped3A_94 : memref<!tpu.dma_semaphore, #tpu.memory_space<semaphore_mem>>) src(%arg9 : memref<80x64xf32, #tpu.memory_space<vmem>>) dst(%dma_wait3A_106 : memref<10240x64xf32, #tpu.memory_space<vmem_shared>>)
        tpu.yield
      }) : () -> ()
      %add3A_53 = arith.constant 3 : i32
      %add3A_54 = arith.addi %add3A_46, %add3A_53 : i32
      %lt3A_55 = arith.constant 125 : i32
      %lt3A_56 = arith.cmpi slt, %add3A_54, %lt3A_55 : i32
      %convert_element_type3A_57 = arith.extui %lt3A_56 : i1 to i32
      %cond3A_58 = arith.constant 0 : i32
      %cond3A_59 = arith.cmpi ne, %convert_element_type3A_57, %cond3A_58 : i32
      scf.if %cond3A_59 {
        %add3A_94 = arith.constant 3 : i32
        %add3A_95 = arith.addi %add3A_46, %add3A_94 : i32
        %dma_start3A_96 = arith.constant 0 : i32
        %dma_start3A_97 = tpu.memref_slice %arg7[%add3A_95, %dma_start3A_96] : memref<125x80xi32, #tpu.memory_space<vmem>> -> memref<1x80xi32, #tpu.memory_space<vmem>>
        %dma_start3A_98 = tpu.memref_squeeze %dma_start3A_97 : memref<1x80xi32, #tpu.memory_space<vmem>> -> memref<80xi32, #tpu.memory_space<vmem>>
        %dma_start3A_99 = arith.constant 0 : i32
        %dma_start3A_100 = arith.constant 0 : i32
        %dma_start3A_101 = tpu.memref_slice %arg12[%dma_start3A_99, %dma_start3A_100] : memref<10000x64xf32, #tpu.memory_space<vmem_shared>> -> memref<10000x64xf32, #tpu.memory_space<vmem_shared>>
        tpu.enqueue_indirect_dma source(%dma_start3A_101 : memref<10000x64xf32, #tpu.memory_space<vmem_shared>>) target(%arg9 : memref<80x64xf32, #tpu.memory_space<vmem>>) offsets(%dma_start3A_98 : memref<80xi32, #tpu.memory_space<vmem>>) semaphore(%arg14 : memref<!tpu.dma_semaphore, #tpu.memory_space<semaphore_mem>>)
      } else {
      }
      %mul3A_60 = arith.constant 3 : i32
      %mul3A_61 = arith.muli %mul3A_60, %scan3A_43 : i32
      %add3A_62 = arith.constant 1 : i32
      %add3A_63 = arith.addi %mul3A_61, %add3A_62 : i32
      %dma_wait3A_64 = arith.constant 0 : i32
      %dma_wait3A_65 = tpu.memref_slice %arg7[%add3A_63, %dma_wait3A_64] : memref<125x80xi32, #tpu.memory_space<vmem>> -> memref<1x80xi32, #tpu.memory_space<vmem>>
      %dma_wait3A_66 = tpu.memref_squeeze %dma_wait3A_65 : memref<1x80xi32, #tpu.memory_space<vmem>> -> memref<80xi32, #tpu.memory_space<vmem>>
      %dma_wait3A_67 = arith.constant 0 : i32
      %dma_wait3A_68 = arith.constant 0 : i32
      %dma_wait3A_69 = tpu.memref_slice %arg12[%dma_wait3A_67, %dma_wait3A_68] : memref<10000x64xf32, #tpu.memory_space<vmem_shared>> -> memref<10000x64xf32, #tpu.memory_space<vmem_shared>>
      tpu.wait_indirect_dma semaphore(%arg15 : memref<!tpu.dma_semaphore, #tpu.memory_space<semaphore_mem>>) src(%dma_wait3A_69 : memref<10000x64xf32, #tpu.memory_space<vmem_shared>>) dst(%arg10 : memref<80x64xf32, #tpu.memory_space<vmem>>)
      "tpu.region"() ({
        %run_scoped3A_94 = tpu.sem_alloc : memref<!tpu.dma_semaphore, #tpu.memory_space<semaphore_mem>>
        %dma_start3A_95 = arith.constant 0 : i32
        %dma_start3A_96 = tpu.memref_slice %arg8[%add3A_63, %dma_start3A_95] : memref<125x80xi32, #tpu.memory_space<vmem>> -> memref<1x80xi32, #tpu.memory_space<vmem>>
        %dma_start3A_97 = tpu.memref_squeeze %dma_start3A_96 : memref<1x80xi32, #tpu.memory_space<vmem>> -> memref<80xi32, #tpu.memory_space<vmem>>
        %dma_start3A_98 = arith.constant 0 : i32
        %dma_start3A_99 = arith.constant 0 : i32
        %dma_start3A_100 = tpu.memref_slice %arg13[%dma_start3A_98, %dma_start3A_99] : memref<10240x64xf32, #tpu.memory_space<vmem_shared>> -> memref<10240x64xf32, #tpu.memory_space<vmem_shared>>
        tpu.enqueue_indirect_dma source(%arg10 : memref<80x64xf32, #tpu.memory_space<vmem>>) target(%dma_start3A_100 : memref<10240x64xf32, #tpu.memory_space<vmem_shared>>) offsets(%dma_start3A_97 : memref<80xi32, #tpu.memory_space<vmem>>) semaphore(%run_scoped3A_94 : memref<!tpu.dma_semaphore, #tpu.memory_space<semaphore_mem>>) {add = true}
        %dma_wait3A_101 = arith.constant 0 : i32
        %dma_wait3A_102 = tpu.memref_slice %arg8[%add3A_63, %dma_wait3A_101] : memref<125x80xi32, #tpu.memory_space<vmem>> -> memref<1x80xi32, #tpu.memory_space<vmem>>
        %dma_wait3A_103 = tpu.memref_squeeze %dma_wait3A_102 : memref<1x80xi32, #tpu.memory_space<vmem>> -> memref<80xi32, #tpu.memory_space<vmem>>
        %dma_wait3A_104 = arith.constant 0 : i32
        %dma_wait3A_105 = arith.constant 0 : i32
        %dma_wait3A_106 = tpu.memref_slice %arg13[%dma_wait3A_104, %dma_wait3A_105] : memref<10240x64xf32, #tpu.memory_space<vmem_shared>> -> memref<10240x64xf32, #tpu.memory_space<vmem_shared>>
        tpu.wait_indirect_dma semaphore(%run_scoped3A_94 : memref<!tpu.dma_semaphore, #tpu.memory_space<semaphore_mem>>) src(%arg10 : memref<80x64xf32, #tpu.memory_space<vmem>>) dst(%dma_wait3A_106 : memref<10240x64xf32, #tpu.memory_space<vmem_shared>>)
        tpu.yield
      }) : () -> ()
      %add3A_70 = arith.constant 3 : i32
      %add3A_71 = arith.addi %add3A_63, %add3A_70 : i32
      %lt3A_72 = arith.constant 125 : i32
      %lt3A_73 = arith.cmpi slt, %add3A_71, %lt3A_72 : i32
      %convert_element_type3A_74 = arith.extui %lt3A_73 : i1 to i32
      %cond3A_75 = arith.constant 0 : i32
      %cond3A_76 = arith.cmpi ne, %convert_element_type3A_74, %cond3A_75 : i32
      scf.if %cond3A_76 {
        %add3A_94 = arith.constant 3 : i32
        %add3A_95 = arith.addi %add3A_63, %add3A_94 : i32
        %dma_start3A_96 = arith.constant 0 : i32
        %dma_start3A_97 = tpu.memref_slice %arg7[%add3A_95, %dma_start3A_96] : memref<125x80xi32, #tpu.memory_space<vmem>> -> memref<1x80xi32, #tpu.memory_space<vmem>>
        %dma_start3A_98 = tpu.memref_squeeze %dma_start3A_97 : memref<1x80xi32, #tpu.memory_space<vmem>> -> memref<80xi32, #tpu.memory_space<vmem>>
        %dma_start3A_99 = arith.constant 0 : i32
        %dma_start3A_100 = arith.constant 0 : i32
        %dma_start3A_101 = tpu.memref_slice %arg12[%dma_start3A_99, %dma_start3A_100] : memref<10000x64xf32, #tpu.memory_space<vmem_shared>> -> memref<10000x64xf32, #tpu.memory_space<vmem_shared>>
        tpu.enqueue_indirect_dma source(%dma_start3A_101 : memref<10000x64xf32, #tpu.memory_space<vmem_shared>>) target(%arg10 : memref<80x64xf32, #tpu.memory_space<vmem>>) offsets(%dma_start3A_98 : memref<80xi32, #tpu.memory_space<vmem>>) semaphore(%arg15 : memref<!tpu.dma_semaphore, #tpu.memory_space<semaphore_mem>>)
      } else {
      }
      %mul3A_77 = arith.constant 3 : i32
      %mul3A_78 = arith.muli %mul3A_77, %scan3A_43 : i32
      %add3A_79 = arith.constant 2 : i32
      %add3A_80 = arith.addi %mul3A_78, %add3A_79 : i32
      %dma_wait3A_81 = arith.constant 0 : i32
      %dma_wait3A_82 = tpu.memref_slice %arg7[%add3A_80, %dma_wait3A_81] : memref<125x80xi32, #tpu.memory_space<vmem>> -> memref<1x80xi32, #tpu.memory_space<vmem>>
      %dma_wait3A_83 = tpu.memref_squeeze %dma_wait3A_82 : memref<1x80xi32, #tpu.memory_space<vmem>> -> memref<80xi32, #tpu.memory_space<vmem>>
      %dma_wait3A_84 = arith.constant 0 : i32
      %dma_wait3A_85 = arith.constant 0 : i32
      %dma_wait3A_86 = tpu.memref_slice %arg12[%dma_wait3A_84, %dma_wait3A_85] : memref<10000x64xf32, #tpu.memory_space<vmem_shared>> -> memref<10000x64xf32, #tpu.memory_space<vmem_shared>>
      tpu.wait_indirect_dma semaphore(%arg16 : memref<!tpu.dma_semaphore, #tpu.memory_space<semaphore_mem>>) src(%dma_wait3A_86 : memref<10000x64xf32, #tpu.memory_space<vmem_shared>>) dst(%arg11 : memref<80x64xf32, #tpu.memory_space<vmem>>)
      "tpu.region"() ({
        %run_scoped3A_94 = tpu.sem_alloc : memref<!tpu.dma_semaphore, #tpu.memory_space<semaphore_mem>>
        %dma_start3A_95 = arith.constant 0 : i32
        %dma_start3A_96 = tpu.memref_slice %arg8[%add3A_80, %dma_start3A_95] : memref<125x80xi32, #tpu.memory_space<vmem>> -> memref<1x80xi32, #tpu.memory_space<vmem>>
        %dma_start3A_97 = tpu.memref_squeeze %dma_start3A_96 : memref<1x80xi32, #tpu.memory_space<vmem>> -> memref<80xi32, #tpu.memory_space<vmem>>
        %dma_start3A_98 = arith.constant 0 : i32
        %dma_start3A_99 = arith.constant 0 : i32
        %dma_start3A_100 = tpu.memref_slice %arg13[%dma_start3A_98, %dma_start3A_99] : memref<10240x64xf32, #tpu.memory_space<vmem_shared>> -> memref<10240x64xf32, #tpu.memory_space<vmem_shared>>
        tpu.enqueue_indirect_dma source(%arg11 : memref<80x64xf32, #tpu.memory_space<vmem>>) target(%dma_start3A_100 : memref<10240x64xf32, #tpu.memory_space<vmem_shared>>) offsets(%dma_start3A_97 : memref<80xi32, #tpu.memory_space<vmem>>) semaphore(%run_scoped3A_94 : memref<!tpu.dma_semaphore, #tpu.memory_space<semaphore_mem>>) {add = true}
        %dma_wait3A_101 = arith.constant 0 : i32
        %dma_wait3A_102 = tpu.memref_slice %arg8[%add3A_80, %dma_wait3A_101] : memref<125x80xi32, #tpu.memory_space<vmem>> -> memref<1x80xi32, #tpu.memory_space<vmem>>
        %dma_wait3A_103 = tpu.memref_squeeze %dma_wait3A_102 : memref<1x80xi32, #tpu.memory_space<vmem>> -> memref<80xi32, #tpu.memory_space<vmem>>
        %dma_wait3A_104 = arith.constant 0 : i32
        %dma_wait3A_105 = arith.constant 0 : i32
        %dma_wait3A_106 = tpu.memref_slice %arg13[%dma_wait3A_104, %dma_wait3A_105] : memref<10240x64xf32, #tpu.memory_space<vmem_shared>> -> memref<10240x64xf32, #tpu.memory_space<vmem_shared>>
        tpu.wait_indirect_dma semaphore(%run_scoped3A_94 : memref<!tpu.dma_semaphore, #tpu.memory_space<semaphore_mem>>) src(%arg11 : memref<80x64xf32, #tpu.memory_space<vmem>>) dst(%dma_wait3A_106 : memref<10240x64xf32, #tpu.memory_space<vmem_shared>>)
        tpu.yield
      }) : () -> ()
      %add3A_87 = arith.constant 3 : i32
      %add3A_88 = arith.addi %add3A_80, %add3A_87 : i32
      %lt3A_89 = arith.constant 125 : i32
      %lt3A_90 = arith.cmpi slt, %add3A_88, %lt3A_89 : i32
      %convert_element_type3A_91 = arith.extui %lt3A_90 : i1 to i32
      %cond3A_92 = arith.constant 0 : i32
      %cond3A_93 = arith.cmpi ne, %convert_element_type3A_91, %cond3A_92 : i32
      scf.if %cond3A_93 {
        %add3A_94 = arith.constant 3 : i32
        %add3A_95 = arith.addi %add3A_80, %add3A_94 : i32
        %dma_start3A_96 = arith.constant 0 : i32
        %dma_start3A_97 = tpu.memref_slice %arg7[%add3A_95, %dma_start3A_96] : memref<125x80xi32, #tpu.memory_space<vmem>> -> memref<1x80xi32, #tpu.memory_space<vmem>>
        %dma_start3A_98 = tpu.memref_squeeze %dma_start3A_97 : memref<1x80xi32, #tpu.memory_space<vmem>> -> memref<80xi32, #tpu.memory_space<vmem>>
        %dma_start3A_99 = arith.constant 0 : i32
        %dma_start3A_100 = arith.constant 0 : i32
        %dma_start3A_101 = tpu.memref_slice %arg12[%dma_start3A_99, %dma_start3A_100] : memref<10000x64xf32, #tpu.memory_space<vmem_shared>> -> memref<10000x64xf32, #tpu.memory_space<vmem_shared>>
        tpu.enqueue_indirect_dma source(%dma_start3A_101 : memref<10000x64xf32, #tpu.memory_space<vmem_shared>>) target(%arg11 : memref<80x64xf32, #tpu.memory_space<vmem>>) offsets(%dma_start3A_98 : memref<80xi32, #tpu.memory_space<vmem>>) semaphore(%arg16 : memref<!tpu.dma_semaphore, #tpu.memory_space<semaphore_mem>>)
      } else {
      }
    }
    %scan3A_27 = arith.constant 41 : i32
    %dma_wait3A = arith.constant 123 : i32
    %dma_wait3A_28 = arith.constant 0 : i32
    %dma_wait3A_29 = tpu.memref_slice %arg7[%dma_wait3A, %dma_wait3A_28] : memref<125x80xi32, #tpu.memory_space<vmem>> -> memref<1x80xi32, #tpu.memory_space<vmem>>
    %dma_wait3A_30 = tpu.memref_squeeze %dma_wait3A_29 : memref<1x80xi32, #tpu.memory_space<vmem>> -> memref<80xi32, #tpu.memory_space<vmem>>
    %dma_wait3A_31 = arith.constant 0 : i32
    %dma_wait3A_32 = arith.constant 0 : i32
    %dma_wait3A_33 = tpu.memref_slice %arg12[%dma_wait3A_31, %dma_wait3A_32] : memref<10000x64xf32, #tpu.memory_space<vmem_shared>> -> memref<10000x64xf32, #tpu.memory_space<vmem_shared>>
    tpu.wait_indirect_dma semaphore(%arg14 : memref<!tpu.dma_semaphore, #tpu.memory_space<semaphore_mem>>) src(%dma_wait3A_33 : memref<10000x64xf32, #tpu.memory_space<vmem_shared>>) dst(%arg9 : memref<80x64xf32, #tpu.memory_space<vmem>>)
    %run_scoped3A = arith.constant 123 : i32
    "tpu.region"() ({
      %run_scoped3A_43 = tpu.sem_alloc : memref<!tpu.dma_semaphore, #tpu.memory_space<semaphore_mem>>
      %dma_start3A_44 = arith.constant 0 : i32
      %dma_start3A_45 = tpu.memref_slice %arg8[%run_scoped3A, %dma_start3A_44] : memref<125x80xi32, #tpu.memory_space<vmem>> -> memref<1x80xi32, #tpu.memory_space<vmem>>
      %dma_start3A_46 = tpu.memref_squeeze %dma_start3A_45 : memref<1x80xi32, #tpu.memory_space<vmem>> -> memref<80xi32, #tpu.memory_space<vmem>>
      %dma_start3A_47 = arith.constant 0 : i32
      %dma_start3A_48 = arith.constant 0 : i32
      %dma_start3A_49 = tpu.memref_slice %arg13[%dma_start3A_47, %dma_start3A_48] : memref<10240x64xf32, #tpu.memory_space<vmem_shared>> -> memref<10240x64xf32, #tpu.memory_space<vmem_shared>>
      tpu.enqueue_indirect_dma source(%arg9 : memref<80x64xf32, #tpu.memory_space<vmem>>) target(%dma_start3A_49 : memref<10240x64xf32, #tpu.memory_space<vmem_shared>>) offsets(%dma_start3A_46 : memref<80xi32, #tpu.memory_space<vmem>>) semaphore(%run_scoped3A_43 : memref<!tpu.dma_semaphore, #tpu.memory_space<semaphore_mem>>) {add = true}
      %dma_wait3A_50 = arith.constant 0 : i32
      %dma_wait3A_51 = tpu.memref_slice %arg8[%run_scoped3A, %dma_wait3A_50] : memref<125x80xi32, #tpu.memory_space<vmem>> -> memref<1x80xi32, #tpu.memory_space<vmem>>
      %dma_wait3A_52 = tpu.memref_squeeze %dma_wait3A_51 : memref<1x80xi32, #tpu.memory_space<vmem>> -> memref<80xi32, #tpu.memory_space<vmem>>
      %dma_wait3A_53 = arith.constant 0 : i32
      %dma_wait3A_54 = arith.constant 0 : i32
      %dma_wait3A_55 = tpu.memref_slice %arg13[%dma_wait3A_53, %dma_wait3A_54] : memref<10240x64xf32, #tpu.memory_space<vmem_shared>> -> memref<10240x64xf32, #tpu.memory_space<vmem_shared>>
      tpu.wait_indirect_dma semaphore(%run_scoped3A_43 : memref<!tpu.dma_semaphore, #tpu.memory_space<semaphore_mem>>) src(%arg9 : memref<80x64xf32, #tpu.memory_space<vmem>>) dst(%dma_wait3A_55 : memref<10240x64xf32, #tpu.memory_space<vmem_shared>>)
      tpu.yield
    }) : () -> ()
    %dma_wait3A_34 = arith.constant 124 : i32
    %dma_wait3A_35 = arith.constant 0 : i32
    %dma_wait3A_36 = tpu.memref_slice %arg7[%dma_wait3A_34, %dma_wait3A_35] : memref<125x80xi32, #tpu.memory_space<vmem>> -> memref<1x80xi32, #tpu.memory_space<vmem>>
    %dma_wait3A_37 = tpu.memref_squeeze %dma_wait3A_36 : memref<1x80xi32, #tpu.memory_space<vmem>> -> memref<80xi32, #tpu.memory_space<vmem>>
    %dma_wait3A_38 = arith.constant 0 : i32
    %dma_wait3A_39 = arith.constant 0 : i32
    %dma_wait3A_40 = tpu.memref_slice %arg12[%dma_wait3A_38, %dma_wait3A_39] : memref<10000x64xf32, #tpu.memory_space<vmem_shared>> -> memref<10000x64xf32, #tpu.memory_space<vmem_shared>>
    tpu.wait_indirect_dma semaphore(%arg15 : memref<!tpu.dma_semaphore, #tpu.memory_space<semaphore_mem>>) src(%dma_wait3A_40 : memref<10000x64xf32, #tpu.memory_space<vmem_shared>>) dst(%arg10 : memref<80x64xf32, #tpu.memory_space<vmem>>)
    %run_scoped3A_41 = arith.constant 124 : i32
    "tpu.region"() ({
      %run_scoped3A_43 = tpu.sem_alloc : memref<!tpu.dma_semaphore, #tpu.memory_space<semaphore_mem>>
      %dma_start3A_44 = arith.constant 0 : i32
      %dma_start3A_45 = tpu.memref_slice %arg8[%run_scoped3A_41, %dma_start3A_44] : memref<125x80xi32, #tpu.memory_space<vmem>> -> memref<1x80xi32, #tpu.memory_space<vmem>>
      %dma_start3A_46 = tpu.memref_squeeze %dma_start3A_45 : memref<1x80xi32, #tpu.memory_space<vmem>> -> memref<80xi32, #tpu.memory_space<vmem>>
      %dma_start3A_47 = arith.constant 0 : i32
      %dma_start3A_48 = arith.constant 0 : i32
      %dma_start3A_49 = tpu.memref_slice %arg13[%dma_start3A_47, %dma_start3A_48] : memref<10240x64xf32, #tpu.memory_space<vmem_shared>> -> memref<10240x64xf32, #tpu.memory_space<vmem_shared>>
      tpu.enqueue_indirect_dma source(%arg10 : memref<80x64xf32, #tpu.memory_space<vmem>>) target(%dma_start3A_49 : memref<10240x64xf32, #tpu.memory_space<vmem_shared>>) offsets(%dma_start3A_46 : memref<80xi32, #tpu.memory_space<vmem>>) semaphore(%run_scoped3A_43 : memref<!tpu.dma_semaphore, #tpu.memory_space<semaphore_mem>>) {add = true}
      %dma_wait3A_50 = arith.constant 0 : i32
      %dma_wait3A_51 = tpu.memref_slice %arg8[%run_scoped3A_41, %dma_wait3A_50] : memref<125x80xi32, #tpu.memory_space<vmem>> -> memref<1x80xi32, #tpu.memory_space<vmem>>
      %dma_wait3A_52 = tpu.memref_squeeze %dma_wait3A_51 : memref<1x80xi32, #tpu.memory_space<vmem>> -> memref<80xi32, #tpu.memory_space<vmem>>
      %dma_wait3A_53 = arith.constant 0 : i32
      %dma_wait3A_54 = arith.constant 0 : i32
      %dma_wait3A_55 = tpu.memref_slice %arg13[%dma_wait3A_53, %dma_wait3A_54] : memref<10240x64xf32, #tpu.memory_space<vmem_shared>> -> memref<10240x64xf32, #tpu.memory_space<vmem_shared>>
      tpu.wait_indirect_dma semaphore(%run_scoped3A_43 : memref<!tpu.dma_semaphore, #tpu.memory_space<semaphore_mem>>) src(%arg10 : memref<80x64xf32, #tpu.memory_space<vmem>>) dst(%dma_wait3A_55 : memref<10240x64xf32, #tpu.memory_space<vmem_shared>>)
      tpu.yield
    }) : () -> ()
    %barrier3A_42 = arith.constant 0 : index
    tpu.barrier barrier_id(%barrier3A_42)
    "tpu.region"() ({
      %run_scoped3A_43 = tpu.sem_alloc : memref<!tpu.dma_semaphore, #tpu.memory_space<semaphore_mem>>
      %dma_start3A_44 = arith.constant 0 : i32
      %dma_start3A_45 = tpu.memref_slice %arg6[%arg0, %mul3A_0, %dma_start3A_44] : memref<2x10240x64xf32, #tpu.memory_space<hbm>> -> memref<1x640x64xf32, #tpu.memory_space<hbm>>
      %dma_start3A_46 = tpu.memref_squeeze %dma_start3A_45 : memref<1x640x64xf32, #tpu.memory_space<hbm>> -> memref<640x64xf32, #tpu.memory_space<hbm>>
      %dma_start3A_47 = arith.constant 0 : i32
      %dma_start3A_48 = tpu.memref_slice %arg13[%mul3A_0, %dma_start3A_47] : memref<10240x64xf32, #tpu.memory_space<vmem_shared>> -> memref<640x64xf32, #tpu.memory_space<vmem_shared>>
      tpu.enqueue_dma source(%dma_start3A_48 : memref<640x64xf32, #tpu.memory_space<vmem_shared>>) target(%dma_start3A_46 : memref<640x64xf32, #tpu.memory_space<hbm>>) target_semaphore(%run_scoped3A_43 : memref<!tpu.dma_semaphore, #tpu.memory_space<semaphore_mem>>)
      %dma_wait3A_49 = arith.constant 0 : i32
      %dma_wait3A_50 = tpu.memref_slice %arg6[%arg0, %mul3A_0, %dma_wait3A_49] : memref<2x10240x64xf32, #tpu.memory_space<hbm>> -> memref<1x640x64xf32, #tpu.memory_space<hbm>>
      %dma_wait3A_51 = tpu.memref_squeeze %dma_wait3A_50 : memref<1x640x64xf32, #tpu.memory_space<hbm>> -> memref<640x64xf32, #tpu.memory_space<hbm>>
      %dma_wait3A_52 = arith.constant 0 : i32
      %dma_wait3A_53 = tpu.memref_slice %arg13[%mul3A_0, %dma_wait3A_52] : memref<10240x64xf32, #tpu.memory_space<vmem_shared>> -> memref<640x64xf32, #tpu.memory_space<vmem_shared>>
      tpu.wait_dma2 semaphore(%run_scoped3A_43 : memref<!tpu.dma_semaphore, #tpu.memory_space<semaphore_mem>>) src(%dma_wait3A_53 : memref<640x64xf32, #tpu.memory_space<vmem_shared>>) dst(%dma_wait3A_51 : memref<640x64xf32, #tpu.memory_space<hbm>>)
      tpu.yield
    }) : () -> ()
    return
  }
}

#map = affine_map<(d0, d1) -> (0, 0)>
#map1 = affine_map<(d0, d1) -> (0, 0, 0, 0)>
#map2 = affine_map<(d0, d1) -> (0, 0, 0)>
module attributes {stable_mosaic.version = 14 : i64} {
  func.func @spmm(%arg0: i32, %arg1: i32, %arg2: memref<10000x128xf32, #tpu.memory_space<hbm>>, %arg3: memref<2x16x125x80xi32, #tpu.memory_space<hbm>>, %arg4: memref<2x16x125x80xi32, #tpu.memory_space<hbm>>, %arg5: memref<10240x128xf32, #tpu.memory_space<hbm>>, %arg6: memref<2x10000x128xf32, #tpu.memory_space<hbm>>, %arg7: memref<125x80xi32, #tpu.memory_space<vmem>>, %arg8: memref<125x80xi32, #tpu.memory_space<vmem>>, %arg9: memref<80x128xf32, #tpu.memory_space<vmem>>, %arg10: memref<80x128xf32, #tpu.memory_space<vmem>>, %arg11: memref<80x128xf32, #tpu.memory_space<vmem>>, %arg12: memref<10000x128xf32, #tpu.memory_space<vmem_shared>>, %arg13: memref<!tpu.dma_semaphore, #tpu.memory_space<semaphore_mem>>, %arg14: memref<!tpu.dma_semaphore, #tpu.memory_space<semaphore_mem>>, %arg15: memref<!tpu.dma_semaphore, #tpu.memory_space<semaphore_mem>>) attributes {dimension_semantics = [#tpu.dimension_semantics<core_parallel>, #tpu.dimension_semantics<subcore_parallel>], iteration_bounds = array<i64: 2, 16>, scalar_prefetch = 0 : i64, scratch_operands = 9 : i64, tpu.core_type = #tpu.core_type<sc_vector_subcore>, window_params = [{transform_indices = #map}, {transform_indices = #map1}, {transform_indices = #map1}, {transform_indices = #map}, {transform_indices = #map2}]} {
    "tpu.region"() ({
      %run_scoped3A_48 = tpu.sem_alloc : memref<!tpu.dma_semaphore, #tpu.memory_space<semaphore_mem>>
      %dma_start3A_49 = arith.constant 0 : i32
      %dma_start3A_50 = arith.constant 0 : i32
      %dma_start3A_51 = tpu.memref_slice %arg3[%arg0, %arg1, %dma_start3A_49, %dma_start3A_50] : memref<2x16x125x80xi32, #tpu.memory_space<hbm>> -> memref<1x1x125x80xi32, #tpu.memory_space<hbm>>
      %dma_start3A_52 = tpu.memref_squeeze %dma_start3A_51 : memref<1x1x125x80xi32, #tpu.memory_space<hbm>> -> memref<125x80xi32, #tpu.memory_space<hbm>>
      %dma_start3A_53 = arith.constant 0 : i32
      %dma_start3A_54 = arith.constant 0 : i32
      %dma_start3A_55 = tpu.memref_slice %arg3[%arg0, %arg1, %dma_start3A_53, %dma_start3A_54] : memref<2x16x125x80xi32, #tpu.memory_space<hbm>> -> memref<1x1x125x80xi32, #tpu.memory_space<hbm>>
      %dma_start3A_56 = tpu.memref_squeeze %dma_start3A_55 : memref<1x1x125x80xi32, #tpu.memory_space<hbm>> -> memref<125x80xi32, #tpu.memory_space<hbm>>
      tpu.enqueue_dma source(%dma_start3A_56 : memref<125x80xi32, #tpu.memory_space<hbm>>) target(%arg7 : memref<125x80xi32, #tpu.memory_space<vmem>>) target_semaphore(%run_scoped3A_48 : memref<!tpu.dma_semaphore, #tpu.memory_space<semaphore_mem>>)
      %dma_wait3A_57 = arith.constant 0 : i32
      %dma_wait3A_58 = arith.constant 0 : i32
      %dma_wait3A_59 = tpu.memref_slice %arg3[%arg0, %arg1, %dma_wait3A_57, %dma_wait3A_58] : memref<2x16x125x80xi32, #tpu.memory_space<hbm>> -> memref<1x1x125x80xi32, #tpu.memory_space<hbm>>
      %dma_wait3A_60 = tpu.memref_squeeze %dma_wait3A_59 : memref<1x1x125x80xi32, #tpu.memory_space<hbm>> -> memref<125x80xi32, #tpu.memory_space<hbm>>
      %dma_wait3A_61 = arith.constant 0 : i32
      %dma_wait3A_62 = arith.constant 0 : i32
      %dma_wait3A_63 = tpu.memref_slice %arg3[%arg0, %arg1, %dma_wait3A_61, %dma_wait3A_62] : memref<2x16x125x80xi32, #tpu.memory_space<hbm>> -> memref<1x1x125x80xi32, #tpu.memory_space<hbm>>
      %dma_wait3A_64 = tpu.memref_squeeze %dma_wait3A_63 : memref<1x1x125x80xi32, #tpu.memory_space<hbm>> -> memref<125x80xi32, #tpu.memory_space<hbm>>
      tpu.wait_dma2 semaphore(%run_scoped3A_48 : memref<!tpu.dma_semaphore, #tpu.memory_space<semaphore_mem>>) src(%dma_wait3A_64 : memref<125x80xi32, #tpu.memory_space<hbm>>) dst(%arg7 : memref<125x80xi32, #tpu.memory_space<vmem>>)
      tpu.yield
    }) : () -> ()
    "tpu.region"() ({
      %run_scoped3A_48 = tpu.sem_alloc : memref<!tpu.dma_semaphore, #tpu.memory_space<semaphore_mem>>
      %dma_start3A_49 = arith.constant 0 : i32
      %dma_start3A_50 = arith.constant 0 : i32
      %dma_start3A_51 = tpu.memref_slice %arg4[%arg0, %arg1, %dma_start3A_49, %dma_start3A_50] : memref<2x16x125x80xi32, #tpu.memory_space<hbm>> -> memref<1x1x125x80xi32, #tpu.memory_space<hbm>>
      %dma_start3A_52 = tpu.memref_squeeze %dma_start3A_51 : memref<1x1x125x80xi32, #tpu.memory_space<hbm>> -> memref<125x80xi32, #tpu.memory_space<hbm>>
      %dma_start3A_53 = arith.constant 0 : i32
      %dma_start3A_54 = arith.constant 0 : i32
      %dma_start3A_55 = tpu.memref_slice %arg4[%arg0, %arg1, %dma_start3A_53, %dma_start3A_54] : memref<2x16x125x80xi32, #tpu.memory_space<hbm>> -> memref<1x1x125x80xi32, #tpu.memory_space<hbm>>
      %dma_start3A_56 = tpu.memref_squeeze %dma_start3A_55 : memref<1x1x125x80xi32, #tpu.memory_space<hbm>> -> memref<125x80xi32, #tpu.memory_space<hbm>>
      tpu.enqueue_dma source(%dma_start3A_56 : memref<125x80xi32, #tpu.memory_space<hbm>>) target(%arg8 : memref<125x80xi32, #tpu.memory_space<vmem>>) target_semaphore(%run_scoped3A_48 : memref<!tpu.dma_semaphore, #tpu.memory_space<semaphore_mem>>)
      %dma_wait3A_57 = arith.constant 0 : i32
      %dma_wait3A_58 = arith.constant 0 : i32
      %dma_wait3A_59 = tpu.memref_slice %arg4[%arg0, %arg1, %dma_wait3A_57, %dma_wait3A_58] : memref<2x16x125x80xi32, #tpu.memory_space<hbm>> -> memref<1x1x125x80xi32, #tpu.memory_space<hbm>>
      %dma_wait3A_60 = tpu.memref_squeeze %dma_wait3A_59 : memref<1x1x125x80xi32, #tpu.memory_space<hbm>> -> memref<125x80xi32, #tpu.memory_space<hbm>>
      %dma_wait3A_61 = arith.constant 0 : i32
      %dma_wait3A_62 = arith.constant 0 : i32
      %dma_wait3A_63 = tpu.memref_slice %arg4[%arg0, %arg1, %dma_wait3A_61, %dma_wait3A_62] : memref<2x16x125x80xi32, #tpu.memory_space<hbm>> -> memref<1x1x125x80xi32, #tpu.memory_space<hbm>>
      %dma_wait3A_64 = tpu.memref_squeeze %dma_wait3A_63 : memref<1x1x125x80xi32, #tpu.memory_space<hbm>> -> memref<125x80xi32, #tpu.memory_space<hbm>>
      tpu.wait_dma2 semaphore(%run_scoped3A_48 : memref<!tpu.dma_semaphore, #tpu.memory_space<semaphore_mem>>) src(%dma_wait3A_64 : memref<125x80xi32, #tpu.memory_space<hbm>>) dst(%arg8 : memref<125x80xi32, #tpu.memory_space<vmem>>)
      tpu.yield
    }) : () -> ()
    %mul3A = arith.constant 1000 : i32
    %mul3A_0 = arith.muli %arg1, %mul3A : i32
    %lt3A = arith.constant 10 : i32
    %lt3A_1 = arith.cmpi slt, %arg1, %lt3A : i32
    %convert_element_type3A = arith.extui %lt3A_1 : i1 to i32
    %cond3A = arith.constant 0 : i32
    %cond3A_2 = arith.cmpi ne, %convert_element_type3A, %cond3A : i32
    scf.if %cond3A_2 {
      "tpu.region"() ({
        %run_scoped3A_48 = tpu.sem_alloc : memref<!tpu.dma_semaphore, #tpu.memory_space<semaphore_mem>>
        %dma_start3A_49 = arith.constant 0 : i32
        %dma_start3A_50 = tpu.memref_slice %arg12[%mul3A_0, %dma_start3A_49] : memref<10000x128xf32, #tpu.memory_space<vmem_shared>> -> memref<1000x128xf32, #tpu.memory_space<vmem_shared>>
        %dma_start3A_51 = arith.constant 0 : i32
        %dma_start3A_52 = tpu.memref_slice %arg5[%mul3A_0, %dma_start3A_51] : memref<10240x128xf32, #tpu.memory_space<hbm>> -> memref<1000x128xf32, #tpu.memory_space<hbm>>
        tpu.enqueue_dma source(%dma_start3A_52 : memref<1000x128xf32, #tpu.memory_space<hbm>>) target(%dma_start3A_50 : memref<1000x128xf32, #tpu.memory_space<vmem_shared>>) target_semaphore(%run_scoped3A_48 : memref<!tpu.dma_semaphore, #tpu.memory_space<semaphore_mem>>)
        %dma_wait3A_53 = arith.constant 0 : i32
        %dma_wait3A_54 = tpu.memref_slice %arg12[%mul3A_0, %dma_wait3A_53] : memref<10000x128xf32, #tpu.memory_space<vmem_shared>> -> memref<1000x128xf32, #tpu.memory_space<vmem_shared>>
        %dma_wait3A_55 = arith.constant 0 : i32
        %dma_wait3A_56 = tpu.memref_slice %arg5[%mul3A_0, %dma_wait3A_55] : memref<10240x128xf32, #tpu.memory_space<hbm>> -> memref<1000x128xf32, #tpu.memory_space<hbm>>
        tpu.wait_dma2 semaphore(%run_scoped3A_48 : memref<!tpu.dma_semaphore, #tpu.memory_space<semaphore_mem>>) src(%dma_wait3A_56 : memref<1000x128xf32, #tpu.memory_space<hbm>>) dst(%dma_wait3A_54 : memref<1000x128xf32, #tpu.memory_space<vmem_shared>>)
        tpu.yield
      }) : () -> ()
    } else {
    }
    %barrier3A = arith.constant 0 : index
    tpu.barrier barrier_id(%barrier3A)
    %dma_start3A = arith.constant 0 : i32
    %dma_start3A_3 = arith.constant 0 : i32
    %dma_start3A_4 = tpu.memref_slice %arg7[%dma_start3A, %dma_start3A_3] : memref<125x80xi32, #tpu.memory_space<vmem>> -> memref<1x80xi32, #tpu.memory_space<vmem>>
    %dma_start3A_5 = tpu.memref_squeeze %dma_start3A_4 : memref<1x80xi32, #tpu.memory_space<vmem>> -> memref<80xi32, #tpu.memory_space<vmem>>
    %dma_start3A_6 = arith.constant 0 : i32
    %dma_start3A_7 = arith.constant 0 : i32
    %dma_start3A_8 = tpu.memref_slice %arg2[%dma_start3A_6, %dma_start3A_7] : memref<10000x128xf32, #tpu.memory_space<hbm>> -> memref<10000x128xf32, #tpu.memory_space<hbm>>
    tpu.enqueue_indirect_dma source(%dma_start3A_8 : memref<10000x128xf32, #tpu.memory_space<hbm>>) target(%arg9 : memref<80x128xf32, #tpu.memory_space<vmem>>) offsets(%dma_start3A_5 : memref<80xi32, #tpu.memory_space<vmem>>) semaphore(%arg13 : memref<!tpu.dma_semaphore, #tpu.memory_space<semaphore_mem>>)
    %dma_start3A_9 = arith.constant 1 : i32
    %dma_start3A_10 = arith.constant 0 : i32
    %dma_start3A_11 = tpu.memref_slice %arg7[%dma_start3A_9, %dma_start3A_10] : memref<125x80xi32, #tpu.memory_space<vmem>> -> memref<1x80xi32, #tpu.memory_space<vmem>>
    %dma_start3A_12 = tpu.memref_squeeze %dma_start3A_11 : memref<1x80xi32, #tpu.memory_space<vmem>> -> memref<80xi32, #tpu.memory_space<vmem>>
    %dma_start3A_13 = arith.constant 0 : i32
    %dma_start3A_14 = arith.constant 0 : i32
    %dma_start3A_15 = tpu.memref_slice %arg2[%dma_start3A_13, %dma_start3A_14] : memref<10000x128xf32, #tpu.memory_space<hbm>> -> memref<10000x128xf32, #tpu.memory_space<hbm>>
    tpu.enqueue_indirect_dma source(%dma_start3A_15 : memref<10000x128xf32, #tpu.memory_space<hbm>>) target(%arg10 : memref<80x128xf32, #tpu.memory_space<vmem>>) offsets(%dma_start3A_12 : memref<80xi32, #tpu.memory_space<vmem>>) semaphore(%arg14 : memref<!tpu.dma_semaphore, #tpu.memory_space<semaphore_mem>>)
    %dma_start3A_16 = arith.constant 2 : i32
    %dma_start3A_17 = arith.constant 0 : i32
    %dma_start3A_18 = tpu.memref_slice %arg7[%dma_start3A_16, %dma_start3A_17] : memref<125x80xi32, #tpu.memory_space<vmem>> -> memref<1x80xi32, #tpu.memory_space<vmem>>
    %dma_start3A_19 = tpu.memref_squeeze %dma_start3A_18 : memref<1x80xi32, #tpu.memory_space<vmem>> -> memref<80xi32, #tpu.memory_space<vmem>>
    %dma_start3A_20 = arith.constant 0 : i32
    %dma_start3A_21 = arith.constant 0 : i32
    %dma_start3A_22 = tpu.memref_slice %arg2[%dma_start3A_20, %dma_start3A_21] : memref<10000x128xf32, #tpu.memory_space<hbm>> -> memref<10000x128xf32, #tpu.memory_space<hbm>>
    tpu.enqueue_indirect_dma source(%dma_start3A_22 : memref<10000x128xf32, #tpu.memory_space<hbm>>) target(%arg11 : memref<80x128xf32, #tpu.memory_space<vmem>>) offsets(%dma_start3A_19 : memref<80xi32, #tpu.memory_space<vmem>>) semaphore(%arg15 : memref<!tpu.dma_semaphore, #tpu.memory_space<semaphore_mem>>)
    %scan3A = arith.constant 0 : i32
    %scan3A_23 = arith.constant 0 : i32
    %scan3A_24 = arith.constant 41 : i32
    %scan3A_25 = arith.addi %scan3A_23, %scan3A_24 : i32
    %scan3A_26 = arith.constant 1 : i32
    scf.for %scan3A_48 = %scan3A_23 to %scan3A_25 step %scan3A_26  : i32 {
      %mul3A_49 = arith.constant 3 : i32
      %mul3A_50 = arith.muli %mul3A_49, %scan3A_48 : i32
      %add3A = arith.constant 0 : i32
      %add3A_51 = arith.addi %mul3A_50, %add3A : i32
      %dma_wait3A_52 = arith.constant 0 : i32
      %dma_wait3A_53 = tpu.memref_slice %arg7[%add3A_51, %dma_wait3A_52] : memref<125x80xi32, #tpu.memory_space<vmem>> -> memref<1x80xi32, #tpu.memory_space<vmem>>
      %dma_wait3A_54 = tpu.memref_squeeze %dma_wait3A_53 : memref<1x80xi32, #tpu.memory_space<vmem>> -> memref<80xi32, #tpu.memory_space<vmem>>
      %dma_wait3A_55 = arith.constant 0 : i32
      %dma_wait3A_56 = arith.constant 0 : i32
      %dma_wait3A_57 = tpu.memref_slice %arg2[%dma_wait3A_55, %dma_wait3A_56] : memref<10000x128xf32, #tpu.memory_space<hbm>> -> memref<10000x128xf32, #tpu.memory_space<hbm>>
      tpu.wait_indirect_dma semaphore(%arg13 : memref<!tpu.dma_semaphore, #tpu.memory_space<semaphore_mem>>) src(%dma_wait3A_57 : memref<10000x128xf32, #tpu.memory_space<hbm>>) dst(%arg9 : memref<80x128xf32, #tpu.memory_space<vmem>>)
      "tpu.region"() ({
        %run_scoped3A_99 = tpu.sem_alloc : memref<!tpu.dma_semaphore, #tpu.memory_space<semaphore_mem>>
        %dma_start3A_100 = arith.constant 0 : i32
        %dma_start3A_101 = tpu.memref_slice %arg8[%add3A_51, %dma_start3A_100] : memref<125x80xi32, #tpu.memory_space<vmem>> -> memref<1x80xi32, #tpu.memory_space<vmem>>
        %dma_start3A_102 = tpu.memref_squeeze %dma_start3A_101 : memref<1x80xi32, #tpu.memory_space<vmem>> -> memref<80xi32, #tpu.memory_space<vmem>>
        %dma_start3A_103 = arith.constant 0 : i32
        %dma_start3A_104 = arith.constant 0 : i32
        %dma_start3A_105 = tpu.memref_slice %arg12[%dma_start3A_103, %dma_start3A_104] : memref<10000x128xf32, #tpu.memory_space<vmem_shared>> -> memref<10000x128xf32, #tpu.memory_space<vmem_shared>>
        tpu.enqueue_indirect_dma source(%arg9 : memref<80x128xf32, #tpu.memory_space<vmem>>) target(%dma_start3A_105 : memref<10000x128xf32, #tpu.memory_space<vmem_shared>>) offsets(%dma_start3A_102 : memref<80xi32, #tpu.memory_space<vmem>>) semaphore(%run_scoped3A_99 : memref<!tpu.dma_semaphore, #tpu.memory_space<semaphore_mem>>) {add = true}
        %dma_wait3A_106 = arith.constant 0 : i32
        %dma_wait3A_107 = tpu.memref_slice %arg8[%add3A_51, %dma_wait3A_106] : memref<125x80xi32, #tpu.memory_space<vmem>> -> memref<1x80xi32, #tpu.memory_space<vmem>>
        %dma_wait3A_108 = tpu.memref_squeeze %dma_wait3A_107 : memref<1x80xi32, #tpu.memory_space<vmem>> -> memref<80xi32, #tpu.memory_space<vmem>>
        %dma_wait3A_109 = arith.constant 0 : i32
        %dma_wait3A_110 = arith.constant 0 : i32
        %dma_wait3A_111 = tpu.memref_slice %arg12[%dma_wait3A_109, %dma_wait3A_110] : memref<10000x128xf32, #tpu.memory_space<vmem_shared>> -> memref<10000x128xf32, #tpu.memory_space<vmem_shared>>
        tpu.wait_indirect_dma semaphore(%run_scoped3A_99 : memref<!tpu.dma_semaphore, #tpu.memory_space<semaphore_mem>>) src(%arg9 : memref<80x128xf32, #tpu.memory_space<vmem>>) dst(%dma_wait3A_111 : memref<10000x128xf32, #tpu.memory_space<vmem_shared>>)
        tpu.yield
      }) : () -> ()
      %add3A_58 = arith.constant 3 : i32
      %add3A_59 = arith.addi %add3A_51, %add3A_58 : i32
      %lt3A_60 = arith.constant 125 : i32
      %lt3A_61 = arith.cmpi slt, %add3A_59, %lt3A_60 : i32
      %convert_element_type3A_62 = arith.extui %lt3A_61 : i1 to i32
      %cond3A_63 = arith.constant 0 : i32
      %cond3A_64 = arith.cmpi ne, %convert_element_type3A_62, %cond3A_63 : i32
      scf.if %cond3A_64 {
        %add3A_99 = arith.constant 3 : i32
        %add3A_100 = arith.addi %add3A_51, %add3A_99 : i32
        %dma_start3A_101 = arith.constant 0 : i32
        %dma_start3A_102 = tpu.memref_slice %arg7[%add3A_100, %dma_start3A_101] : memref<125x80xi32, #tpu.memory_space<vmem>> -> memref<1x80xi32, #tpu.memory_space<vmem>>
        %dma_start3A_103 = tpu.memref_squeeze %dma_start3A_102 : memref<1x80xi32, #tpu.memory_space<vmem>> -> memref<80xi32, #tpu.memory_space<vmem>>
        %dma_start3A_104 = arith.constant 0 : i32
        %dma_start3A_105 = arith.constant 0 : i32
        %dma_start3A_106 = tpu.memref_slice %arg2[%dma_start3A_104, %dma_start3A_105] : memref<10000x128xf32, #tpu.memory_space<hbm>> -> memref<10000x128xf32, #tpu.memory_space<hbm>>
        tpu.enqueue_indirect_dma source(%dma_start3A_106 : memref<10000x128xf32, #tpu.memory_space<hbm>>) target(%arg9 : memref<80x128xf32, #tpu.memory_space<vmem>>) offsets(%dma_start3A_103 : memref<80xi32, #tpu.memory_space<vmem>>) semaphore(%arg13 : memref<!tpu.dma_semaphore, #tpu.memory_space<semaphore_mem>>)
      } else {
      }
      %mul3A_65 = arith.constant 3 : i32
      %mul3A_66 = arith.muli %mul3A_65, %scan3A_48 : i32
      %add3A_67 = arith.constant 1 : i32
      %add3A_68 = arith.addi %mul3A_66, %add3A_67 : i32
      %dma_wait3A_69 = arith.constant 0 : i32
      %dma_wait3A_70 = tpu.memref_slice %arg7[%add3A_68, %dma_wait3A_69] : memref<125x80xi32, #tpu.memory_space<vmem>> -> memref<1x80xi32, #tpu.memory_space<vmem>>
      %dma_wait3A_71 = tpu.memref_squeeze %dma_wait3A_70 : memref<1x80xi32, #tpu.memory_space<vmem>> -> memref<80xi32, #tpu.memory_space<vmem>>
      %dma_wait3A_72 = arith.constant 0 : i32
      %dma_wait3A_73 = arith.constant 0 : i32
      %dma_wait3A_74 = tpu.memref_slice %arg2[%dma_wait3A_72, %dma_wait3A_73] : memref<10000x128xf32, #tpu.memory_space<hbm>> -> memref<10000x128xf32, #tpu.memory_space<hbm>>
      tpu.wait_indirect_dma semaphore(%arg14 : memref<!tpu.dma_semaphore, #tpu.memory_space<semaphore_mem>>) src(%dma_wait3A_74 : memref<10000x128xf32, #tpu.memory_space<hbm>>) dst(%arg10 : memref<80x128xf32, #tpu.memory_space<vmem>>)
      "tpu.region"() ({
        %run_scoped3A_99 = tpu.sem_alloc : memref<!tpu.dma_semaphore, #tpu.memory_space<semaphore_mem>>
        %dma_start3A_100 = arith.constant 0 : i32
        %dma_start3A_101 = tpu.memref_slice %arg8[%add3A_68, %dma_start3A_100] : memref<125x80xi32, #tpu.memory_space<vmem>> -> memref<1x80xi32, #tpu.memory_space<vmem>>
        %dma_start3A_102 = tpu.memref_squeeze %dma_start3A_101 : memref<1x80xi32, #tpu.memory_space<vmem>> -> memref<80xi32, #tpu.memory_space<vmem>>
        %dma_start3A_103 = arith.constant 0 : i32
        %dma_start3A_104 = arith.constant 0 : i32
        %dma_start3A_105 = tpu.memref_slice %arg12[%dma_start3A_103, %dma_start3A_104] : memref<10000x128xf32, #tpu.memory_space<vmem_shared>> -> memref<10000x128xf32, #tpu.memory_space<vmem_shared>>
        tpu.enqueue_indirect_dma source(%arg10 : memref<80x128xf32, #tpu.memory_space<vmem>>) target(%dma_start3A_105 : memref<10000x128xf32, #tpu.memory_space<vmem_shared>>) offsets(%dma_start3A_102 : memref<80xi32, #tpu.memory_space<vmem>>) semaphore(%run_scoped3A_99 : memref<!tpu.dma_semaphore, #tpu.memory_space<semaphore_mem>>) {add = true}
        %dma_wait3A_106 = arith.constant 0 : i32
        %dma_wait3A_107 = tpu.memref_slice %arg8[%add3A_68, %dma_wait3A_106] : memref<125x80xi32, #tpu.memory_space<vmem>> -> memref<1x80xi32, #tpu.memory_space<vmem>>
        %dma_wait3A_108 = tpu.memref_squeeze %dma_wait3A_107 : memref<1x80xi32, #tpu.memory_space<vmem>> -> memref<80xi32, #tpu.memory_space<vmem>>
        %dma_wait3A_109 = arith.constant 0 : i32
        %dma_wait3A_110 = arith.constant 0 : i32
        %dma_wait3A_111 = tpu.memref_slice %arg12[%dma_wait3A_109, %dma_wait3A_110] : memref<10000x128xf32, #tpu.memory_space<vmem_shared>> -> memref<10000x128xf32, #tpu.memory_space<vmem_shared>>
        tpu.wait_indirect_dma semaphore(%run_scoped3A_99 : memref<!tpu.dma_semaphore, #tpu.memory_space<semaphore_mem>>) src(%arg10 : memref<80x128xf32, #tpu.memory_space<vmem>>) dst(%dma_wait3A_111 : memref<10000x128xf32, #tpu.memory_space<vmem_shared>>)
        tpu.yield
      }) : () -> ()
      %add3A_75 = arith.constant 3 : i32
      %add3A_76 = arith.addi %add3A_68, %add3A_75 : i32
      %lt3A_77 = arith.constant 125 : i32
      %lt3A_78 = arith.cmpi slt, %add3A_76, %lt3A_77 : i32
      %convert_element_type3A_79 = arith.extui %lt3A_78 : i1 to i32
      %cond3A_80 = arith.constant 0 : i32
      %cond3A_81 = arith.cmpi ne, %convert_element_type3A_79, %cond3A_80 : i32
      scf.if %cond3A_81 {
        %add3A_99 = arith.constant 3 : i32
        %add3A_100 = arith.addi %add3A_68, %add3A_99 : i32
        %dma_start3A_101 = arith.constant 0 : i32
        %dma_start3A_102 = tpu.memref_slice %arg7[%add3A_100, %dma_start3A_101] : memref<125x80xi32, #tpu.memory_space<vmem>> -> memref<1x80xi32, #tpu.memory_space<vmem>>
        %dma_start3A_103 = tpu.memref_squeeze %dma_start3A_102 : memref<1x80xi32, #tpu.memory_space<vmem>> -> memref<80xi32, #tpu.memory_space<vmem>>
        %dma_start3A_104 = arith.constant 0 : i32
        %dma_start3A_105 = arith.constant 0 : i32
        %dma_start3A_106 = tpu.memref_slice %arg2[%dma_start3A_104, %dma_start3A_105] : memref<10000x128xf32, #tpu.memory_space<hbm>> -> memref<10000x128xf32, #tpu.memory_space<hbm>>
        tpu.enqueue_indirect_dma source(%dma_start3A_106 : memref<10000x128xf32, #tpu.memory_space<hbm>>) target(%arg10 : memref<80x128xf32, #tpu.memory_space<vmem>>) offsets(%dma_start3A_103 : memref<80xi32, #tpu.memory_space<vmem>>) semaphore(%arg14 : memref<!tpu.dma_semaphore, #tpu.memory_space<semaphore_mem>>)
      } else {
      }
      %mul3A_82 = arith.constant 3 : i32
      %mul3A_83 = arith.muli %mul3A_82, %scan3A_48 : i32
      %add3A_84 = arith.constant 2 : i32
      %add3A_85 = arith.addi %mul3A_83, %add3A_84 : i32
      %dma_wait3A_86 = arith.constant 0 : i32
      %dma_wait3A_87 = tpu.memref_slice %arg7[%add3A_85, %dma_wait3A_86] : memref<125x80xi32, #tpu.memory_space<vmem>> -> memref<1x80xi32, #tpu.memory_space<vmem>>
      %dma_wait3A_88 = tpu.memref_squeeze %dma_wait3A_87 : memref<1x80xi32, #tpu.memory_space<vmem>> -> memref<80xi32, #tpu.memory_space<vmem>>
      %dma_wait3A_89 = arith.constant 0 : i32
      %dma_wait3A_90 = arith.constant 0 : i32
      %dma_wait3A_91 = tpu.memref_slice %arg2[%dma_wait3A_89, %dma_wait3A_90] : memref<10000x128xf32, #tpu.memory_space<hbm>> -> memref<10000x128xf32, #tpu.memory_space<hbm>>
      tpu.wait_indirect_dma semaphore(%arg15 : memref<!tpu.dma_semaphore, #tpu.memory_space<semaphore_mem>>) src(%dma_wait3A_91 : memref<10000x128xf32, #tpu.memory_space<hbm>>) dst(%arg11 : memref<80x128xf32, #tpu.memory_space<vmem>>)
      "tpu.region"() ({
        %run_scoped3A_99 = tpu.sem_alloc : memref<!tpu.dma_semaphore, #tpu.memory_space<semaphore_mem>>
        %dma_start3A_100 = arith.constant 0 : i32
        %dma_start3A_101 = tpu.memref_slice %arg8[%add3A_85, %dma_start3A_100] : memref<125x80xi32, #tpu.memory_space<vmem>> -> memref<1x80xi32, #tpu.memory_space<vmem>>
        %dma_start3A_102 = tpu.memref_squeeze %dma_start3A_101 : memref<1x80xi32, #tpu.memory_space<vmem>> -> memref<80xi32, #tpu.memory_space<vmem>>
        %dma_start3A_103 = arith.constant 0 : i32
        %dma_start3A_104 = arith.constant 0 : i32
        %dma_start3A_105 = tpu.memref_slice %arg12[%dma_start3A_103, %dma_start3A_104] : memref<10000x128xf32, #tpu.memory_space<vmem_shared>> -> memref<10000x128xf32, #tpu.memory_space<vmem_shared>>
        tpu.enqueue_indirect_dma source(%arg11 : memref<80x128xf32, #tpu.memory_space<vmem>>) target(%dma_start3A_105 : memref<10000x128xf32, #tpu.memory_space<vmem_shared>>) offsets(%dma_start3A_102 : memref<80xi32, #tpu.memory_space<vmem>>) semaphore(%run_scoped3A_99 : memref<!tpu.dma_semaphore, #tpu.memory_space<semaphore_mem>>) {add = true}
        %dma_wait3A_106 = arith.constant 0 : i32
        %dma_wait3A_107 = tpu.memref_slice %arg8[%add3A_85, %dma_wait3A_106] : memref<125x80xi32, #tpu.memory_space<vmem>> -> memref<1x80xi32, #tpu.memory_space<vmem>>
        %dma_wait3A_108 = tpu.memref_squeeze %dma_wait3A_107 : memref<1x80xi32, #tpu.memory_space<vmem>> -> memref<80xi32, #tpu.memory_space<vmem>>
        %dma_wait3A_109 = arith.constant 0 : i32
        %dma_wait3A_110 = arith.constant 0 : i32
        %dma_wait3A_111 = tpu.memref_slice %arg12[%dma_wait3A_109, %dma_wait3A_110] : memref<10000x128xf32, #tpu.memory_space<vmem_shared>> -> memref<10000x128xf32, #tpu.memory_space<vmem_shared>>
        tpu.wait_indirect_dma semaphore(%run_scoped3A_99 : memref<!tpu.dma_semaphore, #tpu.memory_space<semaphore_mem>>) src(%arg11 : memref<80x128xf32, #tpu.memory_space<vmem>>) dst(%dma_wait3A_111 : memref<10000x128xf32, #tpu.memory_space<vmem_shared>>)
        tpu.yield
      }) : () -> ()
      %add3A_92 = arith.constant 3 : i32
      %add3A_93 = arith.addi %add3A_85, %add3A_92 : i32
      %lt3A_94 = arith.constant 125 : i32
      %lt3A_95 = arith.cmpi slt, %add3A_93, %lt3A_94 : i32
      %convert_element_type3A_96 = arith.extui %lt3A_95 : i1 to i32
      %cond3A_97 = arith.constant 0 : i32
      %cond3A_98 = arith.cmpi ne, %convert_element_type3A_96, %cond3A_97 : i32
      scf.if %cond3A_98 {
        %add3A_99 = arith.constant 3 : i32
        %add3A_100 = arith.addi %add3A_85, %add3A_99 : i32
        %dma_start3A_101 = arith.constant 0 : i32
        %dma_start3A_102 = tpu.memref_slice %arg7[%add3A_100, %dma_start3A_101] : memref<125x80xi32, #tpu.memory_space<vmem>> -> memref<1x80xi32, #tpu.memory_space<vmem>>
        %dma_start3A_103 = tpu.memref_squeeze %dma_start3A_102 : memref<1x80xi32, #tpu.memory_space<vmem>> -> memref<80xi32, #tpu.memory_space<vmem>>
        %dma_start3A_104 = arith.constant 0 : i32
        %dma_start3A_105 = arith.constant 0 : i32
        %dma_start3A_106 = tpu.memref_slice %arg2[%dma_start3A_104, %dma_start3A_105] : memref<10000x128xf32, #tpu.memory_space<hbm>> -> memref<10000x128xf32, #tpu.memory_space<hbm>>
        tpu.enqueue_indirect_dma source(%dma_start3A_106 : memref<10000x128xf32, #tpu.memory_space<hbm>>) target(%arg11 : memref<80x128xf32, #tpu.memory_space<vmem>>) offsets(%dma_start3A_103 : memref<80xi32, #tpu.memory_space<vmem>>) semaphore(%arg15 : memref<!tpu.dma_semaphore, #tpu.memory_space<semaphore_mem>>)
      } else {
      }
    }
    %scan3A_27 = arith.constant 41 : i32
    %dma_wait3A = arith.constant 123 : i32
    %dma_wait3A_28 = arith.constant 0 : i32
    %dma_wait3A_29 = tpu.memref_slice %arg7[%dma_wait3A, %dma_wait3A_28] : memref<125x80xi32, #tpu.memory_space<vmem>> -> memref<1x80xi32, #tpu.memory_space<vmem>>
    %dma_wait3A_30 = tpu.memref_squeeze %dma_wait3A_29 : memref<1x80xi32, #tpu.memory_space<vmem>> -> memref<80xi32, #tpu.memory_space<vmem>>
    %dma_wait3A_31 = arith.constant 0 : i32
    %dma_wait3A_32 = arith.constant 0 : i32
    %dma_wait3A_33 = tpu.memref_slice %arg2[%dma_wait3A_31, %dma_wait3A_32] : memref<10000x128xf32, #tpu.memory_space<hbm>> -> memref<10000x128xf32, #tpu.memory_space<hbm>>
    tpu.wait_indirect_dma semaphore(%arg13 : memref<!tpu.dma_semaphore, #tpu.memory_space<semaphore_mem>>) src(%dma_wait3A_33 : memref<10000x128xf32, #tpu.memory_space<hbm>>) dst(%arg9 : memref<80x128xf32, #tpu.memory_space<vmem>>)
    %run_scoped3A = arith.constant 123 : i32
    "tpu.region"() ({
      %run_scoped3A_48 = tpu.sem_alloc : memref<!tpu.dma_semaphore, #tpu.memory_space<semaphore_mem>>
      %dma_start3A_49 = arith.constant 0 : i32
      %dma_start3A_50 = tpu.memref_slice %arg8[%run_scoped3A, %dma_start3A_49] : memref<125x80xi32, #tpu.memory_space<vmem>> -> memref<1x80xi32, #tpu.memory_space<vmem>>
      %dma_start3A_51 = tpu.memref_squeeze %dma_start3A_50 : memref<1x80xi32, #tpu.memory_space<vmem>> -> memref<80xi32, #tpu.memory_space<vmem>>
      %dma_start3A_52 = arith.constant 0 : i32
      %dma_start3A_53 = arith.constant 0 : i32
      %dma_start3A_54 = tpu.memref_slice %arg12[%dma_start3A_52, %dma_start3A_53] : memref<10000x128xf32, #tpu.memory_space<vmem_shared>> -> memref<10000x128xf32, #tpu.memory_space<vmem_shared>>
      tpu.enqueue_indirect_dma source(%arg9 : memref<80x128xf32, #tpu.memory_space<vmem>>) target(%dma_start3A_54 : memref<10000x128xf32, #tpu.memory_space<vmem_shared>>) offsets(%dma_start3A_51 : memref<80xi32, #tpu.memory_space<vmem>>) semaphore(%run_scoped3A_48 : memref<!tpu.dma_semaphore, #tpu.memory_space<semaphore_mem>>) {add = true}
      %dma_wait3A_55 = arith.constant 0 : i32
      %dma_wait3A_56 = tpu.memref_slice %arg8[%run_scoped3A, %dma_wait3A_55] : memref<125x80xi32, #tpu.memory_space<vmem>> -> memref<1x80xi32, #tpu.memory_space<vmem>>
      %dma_wait3A_57 = tpu.memref_squeeze %dma_wait3A_56 : memref<1x80xi32, #tpu.memory_space<vmem>> -> memref<80xi32, #tpu.memory_space<vmem>>
      %dma_wait3A_58 = arith.constant 0 : i32
      %dma_wait3A_59 = arith.constant 0 : i32
      %dma_wait3A_60 = tpu.memref_slice %arg12[%dma_wait3A_58, %dma_wait3A_59] : memref<10000x128xf32, #tpu.memory_space<vmem_shared>> -> memref<10000x128xf32, #tpu.memory_space<vmem_shared>>
      tpu.wait_indirect_dma semaphore(%run_scoped3A_48 : memref<!tpu.dma_semaphore, #tpu.memory_space<semaphore_mem>>) src(%arg9 : memref<80x128xf32, #tpu.memory_space<vmem>>) dst(%dma_wait3A_60 : memref<10000x128xf32, #tpu.memory_space<vmem_shared>>)
      tpu.yield
    }) : () -> ()
    %dma_wait3A_34 = arith.constant 124 : i32
    %dma_wait3A_35 = arith.constant 0 : i32
    %dma_wait3A_36 = tpu.memref_slice %arg7[%dma_wait3A_34, %dma_wait3A_35] : memref<125x80xi32, #tpu.memory_space<vmem>> -> memref<1x80xi32, #tpu.memory_space<vmem>>
    %dma_wait3A_37 = tpu.memref_squeeze %dma_wait3A_36 : memref<1x80xi32, #tpu.memory_space<vmem>> -> memref<80xi32, #tpu.memory_space<vmem>>
    %dma_wait3A_38 = arith.constant 0 : i32
    %dma_wait3A_39 = arith.constant 0 : i32
    %dma_wait3A_40 = tpu.memref_slice %arg2[%dma_wait3A_38, %dma_wait3A_39] : memref<10000x128xf32, #tpu.memory_space<hbm>> -> memref<10000x128xf32, #tpu.memory_space<hbm>>
    tpu.wait_indirect_dma semaphore(%arg14 : memref<!tpu.dma_semaphore, #tpu.memory_space<semaphore_mem>>) src(%dma_wait3A_40 : memref<10000x128xf32, #tpu.memory_space<hbm>>) dst(%arg10 : memref<80x128xf32, #tpu.memory_space<vmem>>)
    %run_scoped3A_41 = arith.constant 124 : i32
    "tpu.region"() ({
      %run_scoped3A_48 = tpu.sem_alloc : memref<!tpu.dma_semaphore, #tpu.memory_space<semaphore_mem>>
      %dma_start3A_49 = arith.constant 0 : i32
      %dma_start3A_50 = tpu.memref_slice %arg8[%run_scoped3A_41, %dma_start3A_49] : memref<125x80xi32, #tpu.memory_space<vmem>> -> memref<1x80xi32, #tpu.memory_space<vmem>>
      %dma_start3A_51 = tpu.memref_squeeze %dma_start3A_50 : memref<1x80xi32, #tpu.memory_space<vmem>> -> memref<80xi32, #tpu.memory_space<vmem>>
      %dma_start3A_52 = arith.constant 0 : i32
      %dma_start3A_53 = arith.constant 0 : i32
      %dma_start3A_54 = tpu.memref_slice %arg12[%dma_start3A_52, %dma_start3A_53] : memref<10000x128xf32, #tpu.memory_space<vmem_shared>> -> memref<10000x128xf32, #tpu.memory_space<vmem_shared>>
      tpu.enqueue_indirect_dma source(%arg10 : memref<80x128xf32, #tpu.memory_space<vmem>>) target(%dma_start3A_54 : memref<10000x128xf32, #tpu.memory_space<vmem_shared>>) offsets(%dma_start3A_51 : memref<80xi32, #tpu.memory_space<vmem>>) semaphore(%run_scoped3A_48 : memref<!tpu.dma_semaphore, #tpu.memory_space<semaphore_mem>>) {add = true}
      %dma_wait3A_55 = arith.constant 0 : i32
      %dma_wait3A_56 = tpu.memref_slice %arg8[%run_scoped3A_41, %dma_wait3A_55] : memref<125x80xi32, #tpu.memory_space<vmem>> -> memref<1x80xi32, #tpu.memory_space<vmem>>
      %dma_wait3A_57 = tpu.memref_squeeze %dma_wait3A_56 : memref<1x80xi32, #tpu.memory_space<vmem>> -> memref<80xi32, #tpu.memory_space<vmem>>
      %dma_wait3A_58 = arith.constant 0 : i32
      %dma_wait3A_59 = arith.constant 0 : i32
      %dma_wait3A_60 = tpu.memref_slice %arg12[%dma_wait3A_58, %dma_wait3A_59] : memref<10000x128xf32, #tpu.memory_space<vmem_shared>> -> memref<10000x128xf32, #tpu.memory_space<vmem_shared>>
      tpu.wait_indirect_dma semaphore(%run_scoped3A_48 : memref<!tpu.dma_semaphore, #tpu.memory_space<semaphore_mem>>) src(%arg10 : memref<80x128xf32, #tpu.memory_space<vmem>>) dst(%dma_wait3A_60 : memref<10000x128xf32, #tpu.memory_space<vmem_shared>>)
      tpu.yield
    }) : () -> ()
    %barrier3A_42 = arith.constant 0 : index
    tpu.barrier barrier_id(%barrier3A_42)
    %lt3A_43 = arith.constant 10 : i32
    %lt3A_44 = arith.cmpi slt, %arg1, %lt3A_43 : i32
    %convert_element_type3A_45 = arith.extui %lt3A_44 : i1 to i32
    %cond3A_46 = arith.constant 0 : i32
    %cond3A_47 = arith.cmpi ne, %convert_element_type3A_45, %cond3A_46 : i32
    scf.if %cond3A_47 {
      "tpu.region"() ({
        %run_scoped3A_48 = tpu.sem_alloc : memref<!tpu.dma_semaphore, #tpu.memory_space<semaphore_mem>>
        %dma_start3A_49 = arith.constant 0 : i32
        %dma_start3A_50 = tpu.memref_slice %arg6[%arg0, %mul3A_0, %dma_start3A_49] : memref<2x10000x128xf32, #tpu.memory_space<hbm>> -> memref<1x1000x128xf32, #tpu.memory_space<hbm>>
        %dma_start3A_51 = tpu.memref_squeeze %dma_start3A_50 : memref<1x1000x128xf32, #tpu.memory_space<hbm>> -> memref<1000x128xf32, #tpu.memory_space<hbm>>
        %dma_start3A_52 = arith.constant 0 : i32
        %dma_start3A_53 = tpu.memref_slice %arg12[%mul3A_0, %dma_start3A_52] : memref<10000x128xf32, #tpu.memory_space<vmem_shared>> -> memref<1000x128xf32, #tpu.memory_space<vmem_shared>>
        tpu.enqueue_dma source(%dma_start3A_53 : memref<1000x128xf32, #tpu.memory_space<vmem_shared>>) target(%dma_start3A_51 : memref<1000x128xf32, #tpu.memory_space<hbm>>) target_semaphore(%run_scoped3A_48 : memref<!tpu.dma_semaphore, #tpu.memory_space<semaphore_mem>>)
        %dma_wait3A_54 = arith.constant 0 : i32
        %dma_wait3A_55 = tpu.memref_slice %arg6[%arg0, %mul3A_0, %dma_wait3A_54] : memref<2x10000x128xf32, #tpu.memory_space<hbm>> -> memref<1x1000x128xf32, #tpu.memory_space<hbm>>
        %dma_wait3A_56 = tpu.memref_squeeze %dma_wait3A_55 : memref<1x1000x128xf32, #tpu.memory_space<hbm>> -> memref<1000x128xf32, #tpu.memory_space<hbm>>
        %dma_wait3A_57 = arith.constant 0 : i32
        %dma_wait3A_58 = tpu.memref_slice %arg12[%mul3A_0, %dma_wait3A_57] : memref<10000x128xf32, #tpu.memory_space<vmem_shared>> -> memref<1000x128xf32, #tpu.memory_space<vmem_shared>>
        tpu.wait_dma2 semaphore(%run_scoped3A_48 : memref<!tpu.dma_semaphore, #tpu.memory_space<semaphore_mem>>) src(%dma_wait3A_58 : memref<1000x128xf32, #tpu.memory_space<vmem_shared>>) dst(%dma_wait3A_56 : memref<1000x128xf32, #tpu.memory_space<hbm>>)
        tpu.yield
      }) : () -> ()
    } else {
    }
    return
  }
}

module attributes {stable_mosaic.version = 14 : i64} {
  func.func @_t1a_body(%arg0: i32, %arg1: memref<1000x128xf32, #tpu.memory_space<vmem>>, %arg2: memref<128x128xf32, #tpu.memory_space<vmem>>, %arg3: memref<1x128xf32, #tpu.memory_space<vmem>>, %arg4: memref<128x128xf32, #tpu.memory_space<vmem>>, %arg5: memref<1000x128xf32, #tpu.memory_space<vmem>>, %arg6: memref<1000x128xf32, #tpu.memory_space<vmem>>) attributes {dimension_semantics = [#tpu.dimension_semantics<arbitrary>], iteration_bounds = array<i64: 10>, scalar_prefetch = 0 : i64, scratch_operands = 0 : i64, tpu.core_type = #tpu.core_type<tc>, window_params = [{transform_indices = @transform_0, window_bounds = array<i64: 1000, 128>}, {pipeline_mode = #tpu.pipeline_mode<synchronous>, transform_indices = @transform_1, window_bounds = array<i64: 128, 128>}, {pipeline_mode = #tpu.pipeline_mode<synchronous>, transform_indices = @transform_2, window_bounds = array<i64: 1, 128>}, {pipeline_mode = #tpu.pipeline_mode<synchronous>, transform_indices = @transform_3, window_bounds = array<i64: 128, 128>}, {transform_indices = @transform_4, window_bounds = array<i64: 1000, 128>}, {transform_indices = @transform_5, window_bounds = array<i64: 1000, 128>}]} {
    %get3A = arith.constant 0 : index
    %get3A_0 = arith.constant 0 : index
    %get3A_1 = vector.load %arg1[%get3A, %get3A_0] : memref<1000x128xf32, #tpu.memory_space<vmem>>, vector<1000x128xf32>
    %get3A_2 = arith.constant 0 : index
    %get3A_3 = arith.constant 0 : index
    %get3A_4 = vector.load %arg2[%get3A_2, %get3A_3] : memref<128x128xf32, #tpu.memory_space<vmem>>, vector<128x128xf32>
    %dot_general3A = arith.constant dense<0.000000e+00> : vector<1000x128xf32>
    %dot_general3A_5 = tpu.matmul %get3A_1, %get3A_4, %dot_general3A {dimension_numbers = #tpu.dot_dimension_numbers<[1], [0], [0], [1], [0, 0, 1, 1], [], []>, transpose_lhs_hint = false} : vector<1000x128xf32>, vector<128x128xf32>, vector<1000x128xf32> -> vector<1000x128xf32>
    %get3A_6 = arith.constant 0 : index
    %get3A_7 = arith.constant 0 : index
    %get3A_8 = vector.load %arg3[%get3A_6, %get3A_7] : memref<1x128xf32, #tpu.memory_space<vmem>>, vector<1x128xf32>
    %add3A = vector.broadcast %get3A_8 : vector<1x128xf32> to vector<1000x128xf32>
    %add3A_9 = arith.addf %dot_general3A_5, %add3A : vector<1000x128xf32>
    %max3A = arith.constant 0.000000e+00 : f32
    %max3A_10 = vector.broadcast %max3A : f32 to vector<1000x128xf32>
    %max3A_11 = arith.maximumf %add3A_9, %max3A_10 : vector<1000x128xf32>
    %swap3A = arith.constant 0 : index
    %swap3A_12 = arith.constant 0 : index
    %swap3A_13 = vector.load %arg5[%swap3A, %swap3A_12] : memref<1000x128xf32, #tpu.memory_space<vmem>>, vector<1000x128xf32>
    tpu.vector_store %arg5[%swap3A, %swap3A_12], %max3A_11 {strides = array<i32>} : memref<1000x128xf32, #tpu.memory_space<vmem>>, vector<1000x128xf32>,
    %get3A_14 = arith.constant 0 : index
    %get3A_15 = arith.constant 0 : index
    %get3A_16 = vector.load %arg4[%get3A_14, %get3A_15] : memref<128x128xf32, #tpu.memory_space<vmem>>, vector<128x128xf32>
    %dot_general3A_17 = arith.constant dense<0.000000e+00> : vector<1000x128xf32>
    %dot_general3A_18 = tpu.matmul %get3A_1, %get3A_16, %dot_general3A_17 {dimension_numbers = #tpu.dot_dimension_numbers<[1], [0], [0], [1], [0, 0, 1, 1], [], []>, transpose_lhs_hint = false} : vector<1000x128xf32>, vector<128x128xf32>, vector<1000x128xf32> -> vector<1000x128xf32>
    %swap3A_19 = arith.constant 0 : index
    %swap3A_20 = arith.constant 0 : index
    %swap3A_21 = vector.load %arg6[%swap3A_19, %swap3A_20] : memref<1000x128xf32, #tpu.memory_space<vmem>>, vector<1000x128xf32>
    tpu.vector_store %arg6[%swap3A_19, %swap3A_20], %dot_general3A_18 {strides = array<i32>} : memref<1000x128xf32, #tpu.memory_space<vmem>>, vector<1000x128xf32>,
    return
  }
  func.func @transform_0(%arg0: i32) -> (i32, i32) {
    %c0_i32 = arith.constant 0 : i32
    %c0_i32_0 = arith.constant 0 : i32
    return %arg0, %c0_i32 : i32, i32
  }
  func.func @transform_1(%arg0: i32) -> (i32, i32) {
    %c0_i32 = arith.constant 0 : i32
    %c0_i32_0 = arith.constant 0 : i32
    %c0_i32_1 = arith.constant 0 : i32
    return %c0_i32, %c0_i32_0 : i32, i32
  }
  func.func @transform_2(%arg0: i32) -> (i32, i32) {
    %c0_i32 = arith.constant 0 : i32
    %c0_i32_0 = arith.constant 0 : i32
    %c0_i32_1 = arith.constant 0 : i32
    return %c0_i32, %c0_i32_0 : i32, i32
  }
  func.func @transform_3(%arg0: i32) -> (i32, i32) {
    %c0_i32 = arith.constant 0 : i32
    %c0_i32_0 = arith.constant 0 : i32
    %c0_i32_1 = arith.constant 0 : i32
    return %c0_i32, %c0_i32_0 : i32, i32
  }
  func.func @transform_4(%arg0: i32) -> (i32, i32) {
    %c0_i32 = arith.constant 0 : i32
    %c0_i32_0 = arith.constant 0 : i32
    return %arg0, %c0_i32 : i32, i32
  }
  func.func @transform_5(%arg0: i32) -> (i32, i32) {
    %c0_i32 = arith.constant 0 : i32
    %c0_i32_0 = arith.constant 0 : i32
    return %arg0, %c0_i32 : i32, i32
  }
}

module attributes {stable_mosaic.version = 14 : i64} {
  func.func @_t1b_body(%arg0: i32, %arg1: memref<1000x128xf32, #tpu.memory_space<vmem>>, %arg2: memref<2x1000x16xf32, #tpu.memory_space<vmem>>, %arg3: memref<1000x128xf32, #tpu.memory_space<vmem>>) attributes {dimension_semantics = [#tpu.dimension_semantics<arbitrary>], iteration_bounds = array<i64: 10>, scalar_prefetch = 0 : i64, scratch_operands = 0 : i64, tpu.core_type = #tpu.core_type<tc>, window_params = [{transform_indices = @transform_0, window_bounds = array<i64: 1000, 128>}, {transform_indices = @transform_1, window_bounds = array<i64: 2, 1000, 16>}, {transform_indices = @transform_2, window_bounds = array<i64: 1000, 128>}]} {
    %get3A = arith.constant 0 : index
    %get3A_0 = arith.constant 0 : index
    %get3A_1 = vector.load %arg1[%get3A, %get3A_0] : memref<1000x128xf32, #tpu.memory_space<vmem>>, vector<1000x128xf32>
    %get3A_2 = arith.constant 0 : index
    %get3A_3 = arith.constant 0 : index
    %get3A_4 = arith.constant 0 : index
    %get3A_5 = vector.load %arg2[%get3A_2, %get3A_3, %get3A_4] : memref<2x1000x16xf32, #tpu.memory_space<vmem>>, vector<2x1000x16xf32>
    %slice3A = vector.extract_strided_slice %get3A_5 {offsets = [0, 0, 0], sizes = [1, 1000, 1], strides = [1, 1, 1]} : vector<2x1000x16xf32> to vector<1x1000x1xf32>
    %squeeze3A = vector.shape_cast %slice3A : vector<1x1000x1xf32> to vector<1000x1xf32>
    %slice3A_6 = vector.extract_strided_slice %get3A_5 {offsets = [1, 0, 0], sizes = [1, 1000, 1], strides = [1, 1, 1]} : vector<2x1000x16xf32> to vector<1x1000x1xf32>
    %squeeze3A_7 = vector.shape_cast %slice3A_6 : vector<1x1000x1xf32> to vector<1000x1xf32>
    %add3A = arith.addf %squeeze3A, %squeeze3A_7 : vector<1000x1xf32>
    %gt3A = arith.constant 0.000000e+00 : f32
    %gt3A_8 = vector.broadcast %gt3A : f32 to vector<1000x1xf32>
    %gt3A_9 = arith.cmpf ogt, %add3A, %gt3A_8 : vector<1000x1xf32>
    %rsqrt3A = math.rsqrt %add3A : vector<1000x1xf32>
    %jit3A = arith.constant 0.000000e+00 : f32
    %broadcast_in_dim3A = vector.broadcast %jit3A : f32 to vector<1000x1xf32>
    %select_n3A = arith.select %gt3A_9, %rsqrt3A, %broadcast_in_dim3A : vector<1000x1xi1>, vector<1000x1xf32>
    %mul3A = vector.broadcast %select_n3A : vector<1000x1xf32> to vector<1000x128xf32>
    %mul3A_10 = arith.mulf %get3A_1, %mul3A : vector<1000x128xf32>
    %swap3A = arith.constant 0 : index
    %swap3A_11 = arith.constant 0 : index
    %swap3A_12 = vector.load %arg3[%swap3A, %swap3A_11] : memref<1000x128xf32, #tpu.memory_space<vmem>>, vector<1000x128xf32>
    tpu.vector_store %arg3[%swap3A, %swap3A_11], %mul3A_10 {strides = array<i32>} : memref<1000x128xf32, #tpu.memory_space<vmem>>, vector<1000x128xf32>,
    return
  }
  func.func @transform_0(%arg0: i32) -> (i32, i32) {
    %c0_i32 = arith.constant 0 : i32
    %c0_i32_0 = arith.constant 0 : i32
    return %arg0, %c0_i32 : i32, i32
  }
  func.func @transform_1(%arg0: i32) -> (i32, i32, i32) {
    %c0_i32 = arith.constant 0 : i32
    %c0_i32_0 = arith.constant 0 : i32
    %c0_i32_1 = arith.constant 0 : i32
    return %c0_i32, %arg0, %c0_i32_0 : i32, i32, i32
  }
  func.func @transform_2(%arg0: i32) -> (i32, i32) {
    %c0_i32 = arith.constant 0 : i32
    %c0_i32_0 = arith.constant 0 : i32
    return %arg0, %c0_i32 : i32, i32
  }
}

module attributes {stable_mosaic.version = 14 : i64} {
  func.func @_t2_body(%arg0: i32, %arg1: memref<1000x128xf32, #tpu.memory_space<vmem>>, %arg2: memref<2x1000x128xf32, #tpu.memory_space<vmem>>, %arg3: memref<2x1000x16xf32, #tpu.memory_space<vmem>>, %arg4: memref<1x128xf32, #tpu.memory_space<vmem>>, %arg5: memref<128x64xf32, #tpu.memory_space<vmem>>, %arg6: memref<128x64xf32, #tpu.memory_space<vmem>>, %arg7: memref<1x64xf32, #tpu.memory_space<vmem>>, %arg8: memref<128x64xf32, #tpu.memory_space<vmem>>, %arg9: memref<128x64xf32, #tpu.memory_space<vmem>>, %arg10: memref<1000x64xf32, #tpu.memory_space<vmem>>, %arg11: memref<1000x64xf32, #tpu.memory_space<vmem>>) attributes {dimension_semantics = [#tpu.dimension_semantics<arbitrary>], iteration_bounds = array<i64: 10>, scalar_prefetch = 0 : i64, scratch_operands = 0 : i64, tpu.core_type = #tpu.core_type<tc>, window_params = [{transform_indices = @transform_0, window_bounds = array<i64: 1000, 128>}, {transform_indices = @transform_1, window_bounds = array<i64: 2, 1000, 128>}, {transform_indices = @transform_2, window_bounds = array<i64: 2, 1000, 16>}, {pipeline_mode = #tpu.pipeline_mode<synchronous>, transform_indices = @transform_3, window_bounds = array<i64: 1, 128>}, {pipeline_mode = #tpu.pipeline_mode<synchronous>, transform_indices = @transform_4, window_bounds = array<i64: 128, 64>}, {pipeline_mode = #tpu.pipeline_mode<synchronous>, transform_indices = @transform_5, window_bounds = array<i64: 128, 64>}, {pipeline_mode = #tpu.pipeline_mode<synchronous>, transform_indices = @transform_6, window_bounds = array<i64: 1, 64>}, {pipeline_mode = #tpu.pipeline_mode<synchronous>, transform_indices = @transform_7, window_bounds = array<i64: 128, 64>}, {pipeline_mode = #tpu.pipeline_mode<synchronous>, transform_indices = @transform_8, window_bounds = array<i64: 128, 64>}, {transform_indices = @transform_9, window_bounds = array<i64: 1000, 64>}, {transform_indices = @transform_10, window_bounds = array<i64: 1000, 64>}]} {
    %get3A = arith.constant 0 : index
    %get3A_0 = arith.constant 0 : index
    %get3A_1 = arith.constant 0 : index
    %get3A_2 = vector.load %arg3[%get3A, %get3A_0, %get3A_1] : memref<2x1000x16xf32, #tpu.memory_space<vmem>>, vector<2x1000x16xf32>
    %slice3A = vector.extract_strided_slice %get3A_2 {offsets = [0, 0, 0], sizes = [1, 1000, 1], strides = [1, 1, 1]} : vector<2x1000x16xf32> to vector<1x1000x1xf32>
    %squeeze3A = vector.shape_cast %slice3A : vector<1x1000x1xf32> to vector<1000x1xf32>
    %slice3A_3 = vector.extract_strided_slice %get3A_2 {offsets = [1, 0, 0], sizes = [1, 1000, 1], strides = [1, 1, 1]} : vector<2x1000x16xf32> to vector<1x1000x1xf32>
    %squeeze3A_4 = vector.shape_cast %slice3A_3 : vector<1x1000x1xf32> to vector<1000x1xf32>
    %add3A = arith.addf %squeeze3A, %squeeze3A_4 : vector<1000x1xf32>
    %gt3A = arith.constant 0.000000e+00 : f32
    %gt3A_5 = vector.broadcast %gt3A : f32 to vector<1000x1xf32>
    %gt3A_6 = arith.cmpf ogt, %add3A, %gt3A_5 : vector<1000x1xf32>
    %rsqrt3A = math.rsqrt %add3A : vector<1000x1xf32>
    %jit3A = arith.constant 0.000000e+00 : f32
    %broadcast_in_dim3A = vector.broadcast %jit3A : f32 to vector<1000x1xf32>
    %select_n3A = arith.select %gt3A_6, %rsqrt3A, %broadcast_in_dim3A : vector<1000x1xi1>, vector<1000x1xf32>
    %get3A_7 = arith.constant 0 : index
    %get3A_8 = arith.constant 0 : index
    %get3A_9 = arith.constant 0 : index
    %get3A_10 = vector.load %arg2[%get3A_7, %get3A_8, %get3A_9] : memref<2x1000x128xf32, #tpu.memory_space<vmem>>, vector<1x1000x128xf32>
    %get3A_11 = vector.shape_cast %get3A_10 : vector<1x1000x128xf32> to vector<1000x128xf32>
    %get3A_12 = arith.constant 1 : index
    %get3A_13 = arith.constant 0 : index
    %get3A_14 = arith.constant 0 : index
    %get3A_15 = vector.load %arg2[%get3A_12, %get3A_13, %get3A_14] : memref<2x1000x128xf32, #tpu.memory_space<vmem>>, vector<1x1000x128xf32>
    %get3A_16 = vector.shape_cast %get3A_15 : vector<1x1000x128xf32> to vector<1000x128xf32>
    %add3A_17 = arith.addf %get3A_11, %get3A_16 : vector<1000x128xf32>
    %mul3A = vector.broadcast %select_n3A : vector<1000x1xf32> to vector<1000x128xf32>
    %mul3A_18 = arith.mulf %mul3A, %add3A_17 : vector<1000x128xf32>
    %get3A_19 = arith.constant 0 : index
    %get3A_20 = arith.constant 0 : index
    %get3A_21 = vector.load %arg4[%get3A_19, %get3A_20] : memref<1x128xf32, #tpu.memory_space<vmem>>, vector<1x128xf32>
    %add3A_22 = vector.broadcast %get3A_21 : vector<1x128xf32> to vector<1000x128xf32>
    %add3A_23 = arith.addf %mul3A_18, %add3A_22 : vector<1000x128xf32>
    %max3A = arith.constant 0.000000e+00 : f32
    %max3A_24 = vector.broadcast %max3A : f32 to vector<1000x128xf32>
    %max3A_25 = arith.maximumf %add3A_23, %max3A_24 : vector<1000x128xf32>
    %get3A_26 = arith.constant 0 : index
    %get3A_27 = arith.constant 0 : index
    %get3A_28 = vector.load %arg1[%get3A_26, %get3A_27] : memref<1000x128xf32, #tpu.memory_space<vmem>>, vector<1000x128xf32>
    %get3A_29 = arith.constant 0 : index
    %get3A_30 = arith.constant 0 : index
    %get3A_31 = vector.load %arg5[%get3A_29, %get3A_30] : memref<128x64xf32, #tpu.memory_space<vmem>>, vector<128x64xf32>
    %dot_general3A = arith.constant dense<0.000000e+00> : vector<1000x64xf32>
    %dot_general3A_32 = tpu.matmul %get3A_28, %get3A_31, %dot_general3A {dimension_numbers = #tpu.dot_dimension_numbers<[1], [0], [0], [1], [0, 0, 1, 1], [], []>, transpose_lhs_hint = false} : vector<1000x128xf32>, vector<128x64xf32>, vector<1000x64xf32> -> vector<1000x64xf32>
    %get3A_33 = arith.constant 0 : index
    %get3A_34 = arith.constant 0 : index
    %get3A_35 = vector.load %arg6[%get3A_33, %get3A_34] : memref<128x64xf32, #tpu.memory_space<vmem>>, vector<128x64xf32>
    %dot_general3A_36 = arith.constant dense<0.000000e+00> : vector<1000x64xf32>
    %dot_general3A_37 = tpu.matmul %max3A_25, %get3A_35, %dot_general3A_36 {dimension_numbers = #tpu.dot_dimension_numbers<[1], [0], [0], [1], [0, 0, 1, 1], [], []>, transpose_lhs_hint = false} : vector<1000x128xf32>, vector<128x64xf32>, vector<1000x64xf32> -> vector<1000x64xf32>
    %add3A_38 = arith.addf %dot_general3A_32, %dot_general3A_37 : vector<1000x64xf32>
    %get3A_39 = arith.constant 0 : index
    %get3A_40 = arith.constant 0 : index
    %get3A_41 = vector.load %arg7[%get3A_39, %get3A_40] : memref<1x64xf32, #tpu.memory_space<vmem>>, vector<1x64xf32>
    %add3A_42 = vector.broadcast %get3A_41 : vector<1x64xf32> to vector<1000x64xf32>
    %add3A_43 = arith.addf %add3A_38, %add3A_42 : vector<1000x64xf32>
    %max3A_44 = arith.constant 0.000000e+00 : f32
    %max3A_45 = vector.broadcast %max3A_44 : f32 to vector<1000x64xf32>
    %max3A_46 = arith.maximumf %add3A_43, %max3A_45 : vector<1000x64xf32>
    %swap3A = arith.constant 0 : index
    %swap3A_47 = arith.constant 0 : index
    %swap3A_48 = vector.load %arg10[%swap3A, %swap3A_47] : memref<1000x64xf32, #tpu.memory_space<vmem>>, vector<1000x64xf32>
    tpu.vector_store %arg10[%swap3A, %swap3A_47], %max3A_46 {strides = array<i32>} : memref<1000x64xf32, #tpu.memory_space<vmem>>, vector<1000x64xf32>,
    %get3A_49 = arith.constant 0 : index
    %get3A_50 = arith.constant 0 : index
    %get3A_51 = vector.load %arg8[%get3A_49, %get3A_50] : memref<128x64xf32, #tpu.memory_space<vmem>>, vector<128x64xf32>
    %dot_general3A_52 = arith.constant dense<0.000000e+00> : vector<1000x64xf32>
    %dot_general3A_53 = tpu.matmul %get3A_28, %get3A_51, %dot_general3A_52 {dimension_numbers = #tpu.dot_dimension_numbers<[1], [0], [0], [1], [0, 0, 1, 1], [], []>, transpose_lhs_hint = false} : vector<1000x128xf32>, vector<128x64xf32>, vector<1000x64xf32> -> vector<1000x64xf32>
    %get3A_54 = arith.constant 0 : index
    %get3A_55 = arith.constant 0 : index
    %get3A_56 = vector.load %arg9[%get3A_54, %get3A_55] : memref<128x64xf32, #tpu.memory_space<vmem>>, vector<128x64xf32>
    %dot_general3A_57 = arith.constant dense<0.000000e+00> : vector<1000x64xf32>
    %dot_general3A_58 = tpu.matmul %max3A_25, %get3A_56, %dot_general3A_57 {dimension_numbers = #tpu.dot_dimension_numbers<[1], [0], [0], [1], [0, 0, 1, 1], [], []>, transpose_lhs_hint = false} : vector<1000x128xf32>, vector<128x64xf32>, vector<1000x64xf32> -> vector<1000x64xf32>
    %add3A_59 = arith.addf %dot_general3A_53, %dot_general3A_58 : vector<1000x64xf32>
    %mul3A_60 = vector.broadcast %select_n3A : vector<1000x1xf32> to vector<1000x64xf32>
    %mul3A_61 = arith.mulf %add3A_59, %mul3A_60 : vector<1000x64xf32>
    %swap3A_62 = arith.constant 0 : index
    %swap3A_63 = arith.constant 0 : index
    %swap3A_64 = vector.load %arg11[%swap3A_62, %swap3A_63] : memref<1000x64xf32, #tpu.memory_space<vmem>>, vector<1000x64xf32>
    tpu.vector_store %arg11[%swap3A_62, %swap3A_63], %mul3A_61 {strides = array<i32>} : memref<1000x64xf32, #tpu.memory_space<vmem>>, vector<1000x64xf32>,
    return
  }
  func.func @transform_0(%arg0: i32) -> (i32, i32) {
    %c0_i32 = arith.constant 0 : i32
    %c0_i32_0 = arith.constant 0 : i32
    return %arg0, %c0_i32 : i32, i32
  }
  func.func @transform_1(%arg0: i32) -> (i32, i32, i32) {
    %c0_i32 = arith.constant 0 : i32
    %c0_i32_0 = arith.constant 0 : i32
    %c0_i32_1 = arith.constant 0 : i32
    return %c0_i32, %arg0, %c0_i32_0 : i32, i32, i32
  }
  func.func @transform_2(%arg0: i32) -> (i32, i32, i32) {
    %c0_i32 = arith.constant 0 : i32
    %c0_i32_0 = arith.constant 0 : i32
    %c0_i32_1 = arith.constant 0 : i32
    return %c0_i32, %arg0, %c0_i32_0 : i32, i32, i32
  }
  func.func @transform_3(%arg0: i32) -> (i32, i32) {
    %c0_i32 = arith.constant 0 : i32
    %c0_i32_0 = arith.constant 0 : i32
    %c0_i32_1 = arith.constant 0 : i32
    return %c0_i32, %c0_i32_0 : i32, i32
  }
  func.func @transform_4(%arg0: i32) -> (i32, i32) {
    %c0_i32 = arith.constant 0 : i32
    %c0_i32_0 = arith.constant 0 : i32
    %c0_i32_1 = arith.constant 0 : i32
    return %c0_i32, %c0_i32_0 : i32, i32
  }
  func.func @transform_5(%arg0: i32) -> (i32, i32) {
    %c0_i32 = arith.constant 0 : i32
    %c0_i32_0 = arith.constant 0 : i32
    %c0_i32_1 = arith.constant 0 : i32
    return %c0_i32, %c0_i32_0 : i32, i32
  }
  func.func @transform_6(%arg0: i32) -> (i32, i32) {
    %c0_i32 = arith.constant 0 : i32
    %c0_i32_0 = arith.constant 0 : i32
    %c0_i32_1 = arith.constant 0 : i32
    return %c0_i32, %c0_i32_0 : i32, i32
  }
  func.func @transform_7(%arg0: i32) -> (i32, i32) {
    %c0_i32 = arith.constant 0 : i32
    %c0_i32_0 = arith.constant 0 : i32
    %c0_i32_1 = arith.constant 0 : i32
    return %c0_i32, %c0_i32_0 : i32, i32
  }
  func.func @transform_8(%arg0: i32) -> (i32, i32) {
    %c0_i32 = arith.constant 0 : i32
    %c0_i32_0 = arith.constant 0 : i32
    %c0_i32_1 = arith.constant 0 : i32
    return %c0_i32, %c0_i32_0 : i32, i32
  }
  func.func @transform_9(%arg0: i32) -> (i32, i32) {
    %c0_i32 = arith.constant 0 : i32
    %c0_i32_0 = arith.constant 0 : i32
    return %arg0, %c0_i32 : i32, i32
  }
  func.func @transform_10(%arg0: i32) -> (i32, i32) {
    %c0_i32 = arith.constant 0 : i32
    %c0_i32_0 = arith.constant 0 : i32
    return %arg0, %c0_i32 : i32, i32
  }
}

module attributes {stable_mosaic.version = 14 : i64} {
  func.func @_t3_body(%arg0: i32, %arg1: memref<1000x64xf32, #tpu.memory_space<vmem>>, %arg2: memref<2x1000x64xf32, #tpu.memory_space<vmem>>, %arg3: memref<2x1000x16xf32, #tpu.memory_space<vmem>>, %arg4: memref<1x64xf32, #tpu.memory_space<vmem>>, %arg5: memref<64x16xf32, #tpu.memory_space<vmem>>, %arg6: memref<1x16xf32, #tpu.memory_space<vmem>>, %arg7: memref<64x1xf32, #tpu.memory_space<vmem>>, %arg8: memref<1000x16xf32, #tpu.memory_space<vmem>>, %arg9: memref<1000x1xf32, #tpu.memory_space<vmem>>) attributes {dimension_semantics = [#tpu.dimension_semantics<arbitrary>], iteration_bounds = array<i64: 10>, scalar_prefetch = 0 : i64, scratch_operands = 0 : i64, tpu.core_type = #tpu.core_type<tc>, window_params = [{transform_indices = @transform_0, window_bounds = array<i64: 1000, 64>}, {transform_indices = @transform_1, window_bounds = array<i64: 2, 1000, 64>}, {transform_indices = @transform_2, window_bounds = array<i64: 2, 1000, 16>}, {pipeline_mode = #tpu.pipeline_mode<synchronous>, transform_indices = @transform_3, window_bounds = array<i64: 1, 64>}, {pipeline_mode = #tpu.pipeline_mode<synchronous>, transform_indices = @transform_4, window_bounds = array<i64: 64, 16>}, {pipeline_mode = #tpu.pipeline_mode<synchronous>, transform_indices = @transform_5, window_bounds = array<i64: 1, 16>}, {pipeline_mode = #tpu.pipeline_mode<synchronous>, transform_indices = @transform_6, window_bounds = array<i64: 64, 1>}, {transform_indices = @transform_7, window_bounds = array<i64: 1000, 16>}, {transform_indices = @transform_8, window_bounds = array<i64: 1000, 1>}]} {
    %get3A = arith.constant 0 : index
    %get3A_0 = arith.constant 0 : index
    %get3A_1 = arith.constant 0 : index
    %get3A_2 = vector.load %arg3[%get3A, %get3A_0, %get3A_1] : memref<2x1000x16xf32, #tpu.memory_space<vmem>>, vector<2x1000x16xf32>
    %slice3A = vector.extract_strided_slice %get3A_2 {offsets = [0, 0, 0], sizes = [1, 1000, 1], strides = [1, 1, 1]} : vector<2x1000x16xf32> to vector<1x1000x1xf32>
    %squeeze3A = vector.shape_cast %slice3A : vector<1x1000x1xf32> to vector<1000x1xf32>
    %slice3A_3 = vector.extract_strided_slice %get3A_2 {offsets = [1, 0, 0], sizes = [1, 1000, 1], strides = [1, 1, 1]} : vector<2x1000x16xf32> to vector<1x1000x1xf32>
    %squeeze3A_4 = vector.shape_cast %slice3A_3 : vector<1x1000x1xf32> to vector<1000x1xf32>
    %add3A = arith.addf %squeeze3A, %squeeze3A_4 : vector<1000x1xf32>
    %gt3A = arith.constant 0.000000e+00 : f32
    %gt3A_5 = vector.broadcast %gt3A : f32 to vector<1000x1xf32>
    %gt3A_6 = arith.cmpf ogt, %add3A, %gt3A_5 : vector<1000x1xf32>
    %rsqrt3A = math.rsqrt %add3A : vector<1000x1xf32>
    %jit3A = arith.constant 0.000000e+00 : f32
    %broadcast_in_dim3A = vector.broadcast %jit3A : f32 to vector<1000x1xf32>
    %select_n3A = arith.select %gt3A_6, %rsqrt3A, %broadcast_in_dim3A : vector<1000x1xi1>, vector<1000x1xf32>
    %get3A_7 = arith.constant 0 : index
    %get3A_8 = arith.constant 0 : index
    %get3A_9 = arith.constant 0 : index
    %get3A_10 = vector.load %arg2[%get3A_7, %get3A_8, %get3A_9] : memref<2x1000x64xf32, #tpu.memory_space<vmem>>, vector<1x1000x64xf32>
    %get3A_11 = vector.shape_cast %get3A_10 : vector<1x1000x64xf32> to vector<1000x64xf32>
    %get3A_12 = arith.constant 1 : index
    %get3A_13 = arith.constant 0 : index
    %get3A_14 = arith.constant 0 : index
    %get3A_15 = vector.load %arg2[%get3A_12, %get3A_13, %get3A_14] : memref<2x1000x64xf32, #tpu.memory_space<vmem>>, vector<1x1000x64xf32>
    %get3A_16 = vector.shape_cast %get3A_15 : vector<1x1000x64xf32> to vector<1000x64xf32>
    %add3A_17 = arith.addf %get3A_11, %get3A_16 : vector<1000x64xf32>
    %mul3A = vector.broadcast %select_n3A : vector<1000x1xf32> to vector<1000x64xf32>
    %mul3A_18 = arith.mulf %mul3A, %add3A_17 : vector<1000x64xf32>
    %get3A_19 = arith.constant 0 : index
    %get3A_20 = arith.constant 0 : index
    %get3A_21 = vector.load %arg4[%get3A_19, %get3A_20] : memref<1x64xf32, #tpu.memory_space<vmem>>, vector<1x64xf32>
    %add3A_22 = vector.broadcast %get3A_21 : vector<1x64xf32> to vector<1000x64xf32>
    %add3A_23 = arith.addf %mul3A_18, %add3A_22 : vector<1000x64xf32>
    %max3A = arith.constant 0.000000e+00 : f32
    %max3A_24 = vector.broadcast %max3A : f32 to vector<1000x64xf32>
    %max3A_25 = arith.maximumf %add3A_23, %max3A_24 : vector<1000x64xf32>
    %get3A_26 = arith.constant 0 : index
    %get3A_27 = arith.constant 0 : index
    %get3A_28 = vector.load %arg1[%get3A_26, %get3A_27] : memref<1000x64xf32, #tpu.memory_space<vmem>>, vector<1000x64xf32>
    %add3A_29 = arith.addf %get3A_28, %max3A_25 : vector<1000x64xf32>
    %get3A_30 = arith.constant 0 : index
    %get3A_31 = arith.constant 0 : index
    %get3A_32 = vector.load %arg5[%get3A_30, %get3A_31] : memref<64x16xf32, #tpu.memory_space<vmem>>, vector<64x16xf32>
    %dot_general3A = arith.constant dense<0.000000e+00> : vector<1000x16xf32>
    %dot_general3A_33 = tpu.matmul %add3A_29, %get3A_32, %dot_general3A {dimension_numbers = #tpu.dot_dimension_numbers<[1], [0], [0], [1], [0, 0, 1, 1], [], []>, transpose_lhs_hint = false} : vector<1000x64xf32>, vector<64x16xf32>, vector<1000x16xf32> -> vector<1000x16xf32>
    %get3A_34 = arith.constant 0 : index
    %get3A_35 = arith.constant 0 : index
    %get3A_36 = vector.load %arg6[%get3A_34, %get3A_35] : memref<1x16xf32, #tpu.memory_space<vmem>>, vector<1x16xf32>
    %add3A_37 = vector.broadcast %get3A_36 : vector<1x16xf32> to vector<1000x16xf32>
    %add3A_38 = arith.addf %dot_general3A_33, %add3A_37 : vector<1000x16xf32>
    %swap3A = arith.constant 0 : index
    %swap3A_39 = arith.constant 0 : index
    %swap3A_40 = vector.load %arg8[%swap3A, %swap3A_39] : memref<1000x16xf32, #tpu.memory_space<vmem>>, vector<1000x16xf32>
    tpu.vector_store %arg8[%swap3A, %swap3A_39], %add3A_38 {strides = array<i32>} : memref<1000x16xf32, #tpu.memory_space<vmem>>, vector<1000x16xf32>,
    %get3A_41 = arith.constant 0 : index
    %get3A_42 = arith.constant 0 : index
    %get3A_43 = vector.load %arg7[%get3A_41, %get3A_42] : memref<64x1xf32, #tpu.memory_space<vmem>>, vector<64x1xf32>
    %dot_general3A_44 = arith.constant dense<0.000000e+00> : vector<1000x1xf32>
    %dot_general3A_45 = tpu.matmul %add3A_29, %get3A_43, %dot_general3A_44 {dimension_numbers = #tpu.dot_dimension_numbers<[1], [0], [0], [1], [0, 0, 1, 1], [], []>, transpose_lhs_hint = false} : vector<1000x64xf32>, vector<64x1xf32>, vector<1000x1xf32> -> vector<1000x1xf32>
    %mul3A_46 = arith.mulf %dot_general3A_45, %select_n3A : vector<1000x1xf32>
    %swap3A_47 = arith.constant 0 : index
    %swap3A_48 = arith.constant 0 : index
    %swap3A_49 = vector.load %arg9[%swap3A_47, %swap3A_48] : memref<1000x1xf32, #tpu.memory_space<vmem>>, vector<1000x1xf32>
    tpu.vector_store %arg9[%swap3A_47, %swap3A_48], %mul3A_46 {strides = array<i32>} : memref<1000x1xf32, #tpu.memory_space<vmem>>, vector<1000x1xf32>,
    return
  }
  func.func @transform_0(%arg0: i32) -> (i32, i32) {
    %c0_i32 = arith.constant 0 : i32
    %c0_i32_0 = arith.constant 0 : i32
    return %arg0, %c0_i32 : i32, i32
  }
  func.func @transform_1(%arg0: i32) -> (i32, i32, i32) {
    %c0_i32 = arith.constant 0 : i32
    %c0_i32_0 = arith.constant 0 : i32
    %c0_i32_1 = arith.constant 0 : i32
    return %c0_i32, %arg0, %c0_i32_0 : i32, i32, i32
  }
  func.func @transform_2(%arg0: i32) -> (i32, i32, i32) {
    %c0_i32 = arith.constant 0 : i32
    %c0_i32_0 = arith.constant 0 : i32
    %c0_i32_1 = arith.constant 0 : i32
    return %c0_i32, %arg0, %c0_i32_0 : i32, i32, i32
  }
  func.func @transform_3(%arg0: i32) -> (i32, i32) {
    %c0_i32 = arith.constant 0 : i32
    %c0_i32_0 = arith.constant 0 : i32
    %c0_i32_1 = arith.constant 0 : i32
    return %c0_i32, %c0_i32_0 : i32, i32
  }
  func.func @transform_4(%arg0: i32) -> (i32, i32) {
    %c0_i32 = arith.constant 0 : i32
    %c0_i32_0 = arith.constant 0 : i32
    %c0_i32_1 = arith.constant 0 : i32
    return %c0_i32, %c0_i32_0 : i32, i32
  }
  func.func @transform_5(%arg0: i32) -> (i32, i32) {
    %c0_i32 = arith.constant 0 : i32
    %c0_i32_0 = arith.constant 0 : i32
    %c0_i32_1 = arith.constant 0 : i32
    return %c0_i32, %c0_i32_0 : i32, i32
  }
  func.func @transform_6(%arg0: i32) -> (i32, i32) {
    %c0_i32 = arith.constant 0 : i32
    %c0_i32_0 = arith.constant 0 : i32
    %c0_i32_1 = arith.constant 0 : i32
    return %c0_i32, %c0_i32_0 : i32, i32
  }
  func.func @transform_7(%arg0: i32) -> (i32, i32) {
    %c0_i32 = arith.constant 0 : i32
    %c0_i32_0 = arith.constant 0 : i32
    return %arg0, %c0_i32 : i32, i32
  }
  func.func @transform_8(%arg0: i32) -> (i32, i32) {
    %c0_i32 = arith.constant 0 : i32
    %c0_i32_0 = arith.constant 0 : i32
    return %arg0, %c0_i32 : i32, i32
  }
}

module attributes {stable_mosaic.version = 14 : i64} {
  func.func @_t4_body(%arg0: i32, %arg1: memref<1000x16xf32, #tpu.memory_space<vmem>>, %arg2: memref<2x1000x16xf32, #tpu.memory_space<vmem>>, %arg3: memref<2x1000x16xf32, #tpu.memory_space<vmem>>, %arg4: memref<1x16xf32, #tpu.memory_space<vmem>>, %arg5: memref<1000x16xf32, #tpu.memory_space<vmem>>) attributes {dimension_semantics = [#tpu.dimension_semantics<arbitrary>], iteration_bounds = array<i64: 10>, scalar_prefetch = 0 : i64, scratch_operands = 0 : i64, tpu.core_type = #tpu.core_type<tc>, window_params = [{transform_indices = @transform_0, window_bounds = array<i64: 1000, 16>}, {transform_indices = @transform_1, window_bounds = array<i64: 2, 1000, 16>}, {transform_indices = @transform_2, window_bounds = array<i64: 2, 1000, 16>}, {pipeline_mode = #tpu.pipeline_mode<synchronous>, transform_indices = @transform_3, window_bounds = array<i64: 1, 16>}, {transform_indices = @transform_4, window_bounds = array<i64: 1000, 16>}]} {
    %get3A = arith.constant 0 : index
    %get3A_0 = arith.constant 0 : index
    %get3A_1 = arith.constant 0 : index
    %get3A_2 = vector.load %arg3[%get3A, %get3A_0, %get3A_1] : memref<2x1000x16xf32, #tpu.memory_space<vmem>>, vector<2x1000x16xf32>
    %slice3A = vector.extract_strided_slice %get3A_2 {offsets = [0, 0, 0], sizes = [1, 1000, 1], strides = [1, 1, 1]} : vector<2x1000x16xf32> to vector<1x1000x1xf32>
    %squeeze3A = vector.shape_cast %slice3A : vector<1x1000x1xf32> to vector<1000x1xf32>
    %slice3A_3 = vector.extract_strided_slice %get3A_2 {offsets = [1, 0, 0], sizes = [1, 1000, 1], strides = [1, 1, 1]} : vector<2x1000x16xf32> to vector<1x1000x1xf32>
    %squeeze3A_4 = vector.shape_cast %slice3A_3 : vector<1x1000x1xf32> to vector<1000x1xf32>
    %add3A = arith.addf %squeeze3A, %squeeze3A_4 : vector<1000x1xf32>
    %gt3A = arith.constant 0.000000e+00 : f32
    %gt3A_5 = vector.broadcast %gt3A : f32 to vector<1000x1xf32>
    %gt3A_6 = arith.cmpf ogt, %add3A, %gt3A_5 : vector<1000x1xf32>
    %rsqrt3A = math.rsqrt %add3A : vector<1000x1xf32>
    %jit3A = arith.constant 0.000000e+00 : f32
    %broadcast_in_dim3A = vector.broadcast %jit3A : f32 to vector<1000x1xf32>
    %select_n3A = arith.select %gt3A_6, %rsqrt3A, %broadcast_in_dim3A : vector<1000x1xi1>, vector<1000x1xf32>
    %get3A_7 = arith.constant 0 : index
    %get3A_8 = arith.constant 0 : index
    %get3A_9 = arith.constant 0 : index
    %get3A_10 = vector.load %arg2[%get3A_7, %get3A_8, %get3A_9] : memref<2x1000x16xf32, #tpu.memory_space<vmem>>, vector<1x1000x16xf32>
    %get3A_11 = vector.shape_cast %get3A_10 : vector<1x1000x16xf32> to vector<1000x16xf32>
    %get3A_12 = arith.constant 1 : index
    %get3A_13 = arith.constant 0 : index
    %get3A_14 = arith.constant 0 : index
    %get3A_15 = vector.load %arg2[%get3A_12, %get3A_13, %get3A_14] : memref<2x1000x16xf32, #tpu.memory_space<vmem>>, vector<1x1000x16xf32>
    %get3A_16 = vector.shape_cast %get3A_15 : vector<1x1000x16xf32> to vector<1000x16xf32>
    %add3A_17 = arith.addf %get3A_11, %get3A_16 : vector<1000x16xf32>
    %get3A_18 = arith.constant 0 : index
    %get3A_19 = arith.constant 0 : index
    %get3A_20 = vector.load %arg1[%get3A_18, %get3A_19] : memref<1000x16xf32, #tpu.memory_space<vmem>>, vector<1000x16xf32>
    %mul3A = vector.broadcast %select_n3A : vector<1000x1xf32> to vector<1000x16xf32>
    %mul3A_21 = arith.mulf %mul3A, %add3A_17 : vector<1000x16xf32>
    %add3A_22 = arith.addf %get3A_20, %mul3A_21 : vector<1000x16xf32>
    %get3A_23 = arith.constant 0 : index
    %get3A_24 = arith.constant 0 : index
    %get3A_25 = vector.load %arg4[%get3A_23, %get3A_24] : memref<1x16xf32, #tpu.memory_space<vmem>>, vector<1x16xf32>
    %add3A_26 = vector.broadcast %get3A_25 : vector<1x16xf32> to vector<1000x16xf32>
    %add3A_27 = arith.addf %add3A_22, %add3A_26 : vector<1000x16xf32>
    %swap3A = arith.constant 0 : index
    %swap3A_28 = arith.constant 0 : index
    %swap3A_29 = vector.load %arg5[%swap3A, %swap3A_28] : memref<1000x16xf32, #tpu.memory_space<vmem>>, vector<1000x16xf32>
    tpu.vector_store %arg5[%swap3A, %swap3A_28], %add3A_27 {strides = array<i32>} : memref<1000x16xf32, #tpu.memory_space<vmem>>, vector<1000x16xf32>,
    return
  }
  func.func @transform_0(%arg0: i32) -> (i32, i32) {
    %c0_i32 = arith.constant 0 : i32
    %c0_i32_0 = arith.constant 0 : i32
    return %arg0, %c0_i32 : i32, i32
  }
  func.func @transform_1(%arg0: i32) -> (i32, i32, i32) {
    %c0_i32 = arith.constant 0 : i32
    %c0_i32_0 = arith.constant 0 : i32
    %c0_i32_1 = arith.constant 0 : i32
    return %c0_i32, %arg0, %c0_i32_0 : i32, i32, i32
  }
  func.func @transform_2(%arg0: i32) -> (i32, i32, i32) {
    %c0_i32 = arith.constant 0 : i32
    %c0_i32_0 = arith.constant 0 : i32
    %c0_i32_1 = arith.constant 0 : i32
    return %c0_i32, %arg0, %c0_i32_0 : i32, i32, i32
  }
  func.func @transform_3(%arg0: i32) -> (i32, i32) {
    %c0_i32 = arith.constant 0 : i32
    %c0_i32_0 = arith.constant 0 : i32
    %c0_i32_1 = arith.constant 0 : i32
    return %c0_i32, %c0_i32_0 : i32, i32
  }
  func.func @transform_4(%arg0: i32) -> (i32, i32) {
    %c0_i32 = arith.constant 0 : i32
    %c0_i32_0 = arith.constant 0 : i32
    return %arg0, %c0_i32 : i32, i32
  }
}

</mosaic_0001>

<sc_bundles>
// kernel: kernel.11.cloned.1.call-start
scs
__scs_entry_jumppad:
0x0: {  	(pc) =	sbr.rel $0x88, $3  }
0x1: {  	(tag) =	ssettag $0x0;
	lr =	simm.s32 $0x1  }
0x2: {  	[smem:$0x3F93] =	sst lr;
	_ =	strace $0xD0000000  }
0x3: {  	_ = 	snop  }
0x4: {  	_ = 	snop  }
0x5: {  	_ = 	snop  }
0x6: {  	_ = 	snop  }
0x7: {  	_ = 	snop  }
__scs_overlays_trampoline_lowered:
0x8: {  	[smem:$0x3FA2] =	sst s0  }
0x9: {  	[smem:$0x3FA3] =	sst s1  }
0xa: {  	[smem:$0x3FA4] =	sst s2  }
0xb: {  	[smem:$0x3FA5] =	sst s3  }
0xc: {  	[smem:$0x3FA6] =	sst s4  }
0xd: {  	[smem:$0x3FA7] =	sst s5  }
0xe: {  	[smem:$0x3FA8] =	sst s6  }
0xf: {  	[smem:$0x3FA9] =	sst s7  }
0x10: {  	[smem:$0x3FAA] =	sst s8  }
0x11: {  	[smem:$0x3FAB] =	sst s9;
	s0 =	simm.s32 @!p0 $0x0  }
0x12: {  	s1 =	sld [smem:$0x3F91];
	s0 =	simm.s32 @p0 $0x1  }
0x13: {  	[smem:$0x3FAC] =	sst s0;
	s0 =	simm.s32 @!p1 $0x0  }
0x14: {  	s2 =	sld [smem:$0x3F90];
	s0 =	simm.s32 @p1 $0x1  }
0x15: {  	[smem:$0x3FAD] =	sst s0;
	s0 =	simm.s32 @!p2 $0x0  }
0x16: {  	s3 =	sld [smem:$0x3FDB];
	s0 =	simm.s32 @p2 $0x1  }
0x17: {  	s4 =	simm.s32 $0x1BF5;
	[smem:$0x3FAF] =	sst s0  }
0x18: {  	s0 =	sld [smem:$0x3F92];
	_ =	swait.ge [sflag:s4], $0x0  }
0x19: {  	s7 =	sld [smem:$0x3F93]  }
0x1a: {  	s8 =	sadd.s32 $0xFFFFE003, lr  }
0x1b: {  	s9 =	sadd.s32 $0xFFFFFEF7, lr;
	s5 =	simm.s32 $0xFFFFFFFF;
	p2 =	slt.u32 s8, $0xFFFFF086  }
0x1c: {  	p1 =	slt.u32 s9, $0xF7A;
	s5 =	simm.s32 @!p2 $0x0  }
0x1d: {  	s5 =	simm.s32 @p1 $0x1;
	p0 =	seq.s32 s7, s2  }
0x1e: {  	s7 =	smul.u32 @!p0 $0xF7A, s2;
	p2 =	seq.s32 @!p0 s5, $0x0  }
0x1f: {  	s9 =	smul.u32 $0xF7A, s1;
	s8 =	simm.s32 @!p0 $0x1BF5;
	p2 =	por !p2, p0  }
0x20: {  	[sflag:s8] =	ssyncset.s32 @!p0 $0xFFFFF086;
	s6 =	sadd.s32 @!p0 s3, s7;
	s7 =	simm.s32 @!p0 $0x108  }
0x21: {  	s3 =	sadd.s32 s3, s9;
	s6 =	sadd.s32 @!p0 $0x88, s6;
	s7 =	simm.s32 @p2 $0x1082  }
0x22: {  	[simem:s7], [sflag:s8] =	dma.local @!p0 [hbm:s6], $0xF7A  }
0x23: {  	s9 =	sor.u32 $0xD0000000, s2;
	s6 =	simm.s32 $0x108;
	_ =	swait.ge @!p0 [sflag:s8], $0x0  }
0x24: {  	s3 =	sadd.s32 $0x88, s3;
	s6 =	simm.s32 @!p1 $0x1082;
	[sflag:s4] =	ssyncset.s32 $0xFFFFF086  }
0x25: {  	[simem:s6], [sflag:s4] =	dma.local [hbm:s3], $0xF7A  }
0x26: {  	[smem:$0x3F93] =	sst s1;
	(tag) =	ssettag s2;
	_ =	strace s9  }
0x27: {  	s1 =	sld [smem:$0x3FA3]  }
0x28: {  	s2 =	sld [smem:$0x3FA4]  }
0x29: {  	s4 =	sld [smem:$0x3FA6]  }
0x2a: {  	p0 =	seq.s32 s5, $0x0;
	s5 =	sld [smem:$0x3FA7]  }
0x2b: {  	s6 =	sld [smem:$0x3FA8]  }
0x2c: {  	s7 =	sld [smem:$0x3FA9]  }
0x2d: {  	s3 =	simm.s32 $0x108;
	s8 =	sld [smem:$0x3FAA]  }
0x2e: {  	s3 =	simm.s32 @!p0 $0x1082;
	s9 =	sld [smem:$0x3FAB]  }
0x2f: {  	lr =	sadd.s32 s0, s3;
	s0 =	sld [smem:$0x3FA2]  }
0x30: {  	s3 =	sld [smem:$0x3FA5]  }
0x31: {  	[smem:$0x3FAE] =	sst s10  }
0x32: {  	s10 =	sld [smem:$0x3FAC];
	_ =	sdelay $0x3  }
0x33: {  	p0 =	seq.s32 s10, $0x1;
	s10 =	sld [smem:$0x3FAE];
	_ =	sdelay $0x3  }
0x34: {  	[smem:$0x3FAE] =	sst s10  }
0x35: {  	s10 =	sld [smem:$0x3FAD];
	_ =	sdelay $0x3  }
0x36: {  	p1 =	seq.s32 s10, $0x1;
	s10 =	sld [smem:$0x3FAE];
	_ =	sdelay $0x3  }
0x37: {  	[smem:$0x3FAE] =	sst s10  }
0x38: {  	s10 =	sld [smem:$0x3FAF]  }
0x39: {  	_ = 	snop;
	(pc) =	sbr.ind lr, $3  }
0x3a: {  	_ = 	snop  }
0x3b: {  	_ = 	snop  }
0x3c: {  	p2 =	seq.s32 s10, $0x1;
	s10 =	sld [smem:$0x3FAE]  }
0x3d: {  	_ =	shalt  }
0x3e: {  	_ =	shalt  }
0x3f: {  	_ =	shalt  }
0x40: {  	_ =	shalt  }
0x41: {  	_ =	shalt  }
0x42: {  	_ =	shalt  }
0x43: {  	_ =	shalt  }
0x44: {  	_ =	shalt  }
0x45: {  	_ =	shalt  }
0x46: {  	_ =	shalt  }
0x47: {  	_ =	shalt  }
0x48: {  	_ =	shalt  }
0x49: {  	_ =	shalt  }
0x4a: {  	_ =	shalt  }
0x4b: {  	_ =	shalt  }
0x4c: {  	_ =	shalt  }
0x4d: {  	_ =	shalt  }
0x4e: {  	_ =	shalt  }
0x4f: {  	_ =	shalt  }
0x50: {  	_ =	shalt  }
0x51: {  	_ =	shalt  }
0x52: {  	_ =	shalt  }
0x53: {  	_ =	shalt  }
0x54: {  	_ =	shalt  }
0x55: {  	_ =	shalt  }
0x56: {  	_ =	shalt  }
0x57: {  	_ =	shalt  }
0x58: {  	_ =	shalt  }
0x59: {  	_ =	shalt  }
0x5a: {  	_ =	shalt  }
0x5b: {  	_ =	shalt  }
0x5c: {  	_ =	shalt  }
0x5d: {  	_ =	shalt  }
0x5e: {  	_ =	shalt  }
0x5f: {  	_ =	shalt  }
0x60: {  	_ =	shalt  }
0x61: {  	_ =	shalt  }
0x62: {  	_ =	shalt  }
0x63: {  	_ =	shalt  }
0x64: {  	_ =	shalt  }
0x65: {  	_ =	shalt  }
0x66: {  	_ =	shalt  }
0x67: {  	_ =	shalt  }
0x68: {  	_ =	shalt  }
0x69: {  	_ =	shalt  }
0x6a: {  	_ =	shalt  }
0x6b: {  	_ =	shalt  }
0x6c: {  	_ =	shalt  }
0x6d: {  	_ =	shalt  }
0x6e: {  	_ =	shalt  }
0x6f: {  	_ =	shalt  }
0x70: {  	_ =	shalt  }
0x71: {  	_ =	shalt  }
0x72: {  	_ =	shalt  }
0x73: {  	_ =	shalt  }
0x74: {  	_ =	shalt  }
0x75: {  	_ =	shalt  }
0x76: {  	_ =	shalt  }
0x77: {  	_ =	shalt  }
0x78: {  	_ =	shalt  }
0x79: {  	_ =	shalt  }
0x7a: {  	_ =	shalt  }
0x7b: {  	_ =	shalt  }
0x7c: {  	_ =	shalt  }
0x7d: {  	_ =	shalt  }
0x7e: {  	_ =	shalt  }
0x7f: {  	_ =	shalt  }
0x80: {  	_ =	shalt  }
0x81: {  	_ =	shalt  }
0x82: {  	_ =	shalt  }
0x83: {  	_ =	shalt  }
0x84: {  	_ =	shalt  }
0x85: {  	_ =	shalt  }
0x86: {  	_ =	shalt  }
0x87: {  	_ =	shalt  }
.Lfunc_end0:
.L_simem_size_0:
called_computation_lowered:
.L_overlay_start_0:
0x88: {  	s2 =	sld [smem:$0x3FD9]  }
0x89: {  	s3 =	sld [smem:$0x3FFE];
	_ =	sdelay $0x1  }
0x8a: {  	s1 =	srdreg.scid  }
0x8b: {  	s0 =	sand.u32 $0x1, s1  }
0x8c: {  	s17 =	sshll.u32 s0, $0xA;
	s2 =	sadd.s32 s3, s2  }
0x8d: {  	s2 =	sadd.s32 s2, s17  }
0x8e: {  	[smem:$0x3FBA] =	sst s2  }
0x8f: {  	_ = 	snop  }
0x90: {  	s2 =	sld [smem:$0x3FD0];
	(tm) =	ssettm $0x1  }
0x91: {  	s18 =	sld [smem:$0x3FFB];
	_ =	sdelay $0x3  }
0x92: {  	_ =	strace s18  }
0x93: {  	s3 =	sld [smem:$0x3FFC];
	_ =	sdelay $0x3  }
0x94: {  	_ =	strace s3  }
0x95: {  	s3 =	sld [smem:$0x3FFD];
	_ =	sdelay $0x3  }
0x96: {  	_ =	strace s3  }
0x97: {  	_ =	strace $0x8FFFFFFF  }
0x98: {  	s19 =	sld [smem:$0x3FDB];
	_ =	sdelay $0x1  }
0x99: {  	s4 =	simm.s32 $_scs_section_size  }
0x9a: {  	s5 =	simm.s32 $_size__tile_overlayer_lowered;
	s6 =	simm.s32 $_tile_overlayer_lowered  }
0x9b: {  	s22 =	simm.s32 $0x1BFF;
	s21 =	sshll.u32 s6, $0x1;
	s3 =	sadd.s32 s4, s19  }
0x9c: {  	s7 =	simm.s32 $0x0;
	s20 =	sshll.u32 s5, $0x1;
	s5 =	sadd.s32 s21, s3  }
0x9d: {  	[timem:s7], [sflag:s22] =	dma.local [hbm:s5], s20  }
0x9e: {  	_ =	swait.ge [sflag:s22], s20  }
0x9f: {  	s4 =	ssub.s32 $0x0, s20;
	[sflag:s22] =	ssyncset.done $0x0  }
0xa0: {  	[sflag:s22] =	ssyncadd.s32 s4;
	_ =	sdelay $0x1  }
0xa1: {  	s23 =	simm.s32 $0x1B8B  }
0xa2: {  	_ =	swait.ge [sflag:s23], $0x1  }
0xa3: {  	[sflag:s23] =	ssyncset.done $0x0  }
0xa4: {  	s25 =	simm.s32 $0x1B8E;
	s24 =	sld [smem:$0x3FFE];
	[sflag:s23] =	ssyncadd.s32 $0xFFFFFFFF  }
0xa5: {  	s26 =	simm.s32 $execute0_lowered;
	[smem:$0x3FD2] =	sst s25  }
0xa6: {  	s5 =	sshll.u32 s26, $0x1;
	_ =	strace $0x80000046;
	[dreg:$0x1] =	wrdreg $0xFFFFFFFF  }
0xa7: {  	s28 =	simm.s32 $_size_execute0_lowered;
	s3 =	sadd.s32 s3, s5;
	[dreg:$0x0] =	wrdreg $0x0  }
0xa8: {  	s5 =	sshll.u32 s28, $0x1;
	[dreg:$0x2] =	wrdreg s3  }
0xa9: {  	[dreg:$0x3] =	wrdreg s5  }
0xaa: {  	[dreg:$0x4] =	wrdreg $0xC0  }
0xab: {  	_ =	task [dreg:s7], $0x5FFFF  }
0xac: {  	[dreg:$0x1] =	wrdreg $0xFFFFFFFF  }
0xad: {  	[dreg:$0x0] =	wrdreg $0x60  }
0xae: {  	[dreg:$0x2] =	wrdreg s24  }
0xaf: {  	[dreg:$0x3] =	wrdreg s2  }
0xb0: {  	[dreg:$0x4] =	wrdreg $0x2C100  }
0xb1: {  	[dreg:$0x5] =	wrdreg $0x9  }
0xb2: {  	_ =	task.clear_ibuf [dreg:s7], $0x6FFFF;
	_ =	strace $0x90000046  }
0xb3: {  	s29 =	simm.s32 $0x9;
	_ =	strace $0x80000048  }
0xb4: {  	_ =	swait.ge [sflag:s29], $0x1  }
0xb5: {  	[sflag:s29] =	ssyncadd.s32 $0xFFFFFFFF  }
0xb6: {  	_ =	strace $0x90000048  }
0xb7: {  	_ =	sfence  }
0xb8: {  	s30 =	sld [smem:$0x0];
	_ =	sdelay $0x2  }
0xb9: {  	s31 =	sshll.u32 s1, $0xD;
	s1 =	sshrl.u32 s1, $0x2  }
0xba: {  	s3 =	sand.u32 $0x4000, s31;
	s1 =	sadd.s32 s1, s30  }
0xbb: {  	s0 =	sor.u32 s3, s0;
	s1 =	sshll.u32 s1, $0x11  }
0xbc: {  	s0 =	sor.u32 s1, s0  }
0xbd: {  	s0 =	sadd.s32 $0x8F2B, s0  }
0xbe: {  	[sflag:s0] =	ssyncadd.remote.s32 $0x1  }
0xbf: {  	_ =	sfence.sel $0xFFFF  }
0xc0: {  	[dreg:$0x0] =	wrdreg $0xFFFFFFFF;
	(pc) =	sbr.abs _section_cstart, $3  }
0xc1: {  	[dreg:$0x1] =	wrdreg $0xFFFFFFFF  }
0xc2: {  	_ =	task.clear_ibuf [dreg:s7], $0x2FFFF;
	_ =	strace $0x9FFFFFFF  }
0xc3: {  	(tm) =	ssettm $0x7FFFFFFF  }
tec
execute0_lowered:
.L_overlay_start_1:
0x0: {  	(tag) =	ssettag $0x1  }
0x1: {  	s5 =	rddreg [dreg:$0x0]  }
0x2: {  	s0 =	srdreg.scid;
	s2 =	rddreg [dreg:$0x1]  }
0x3: {  	s3 =	rddreg [dreg:$0x2];
	s6 =	sand.u32 $0x1, s0  }
0x4: {  	s0 =	stileid.u32;
	s7 =	smul.u32 $0x27100, s6  }
0x5: {  	s1 =	rddreg [dreg:$0x3];
	s4 =	simm.s32 $0x0;
	s8 =	smul.u32 $0x2710, s0  }
0x6: {  	s13 =	simm.s32 $0x50;
	s14 =	simm.s32 $0x0;
	s9 =	smul.u32 $0x2800, s0  }
0x7: {  	[smem:$0x7FF] =	sst s4;
	s30 =	smul.u32 $0x28000, s6;
	s6 =	ssub.s32 $0x2, s6  }
0x8: {  	_ =	strace $0x80000047;
	s31 =	sshll.u32 s0, $0x6;
	s11 =	sshrl.u32 s6, $0x1  }
0x9: {  	s7 =	sadd.s32 s8, s7;
	s8 =	sadd.s32 s9, s30;
	s10 =	sshrl.u32 s9, $0x3  }
0xa: {  	s11 =	ssub.s32 s6, s11;
	s12 =	sadd.s32 s9, s3;
	s9 =	simm.s32 $0x1  }
0xb: {  	s7 =	sshrl.u32 s7, $0x3;
	s8 =	sshrl.u32 s8, $0x3;
	s10 =	sadd.s32 s10, s5  }
0xc: {  	s12 =	sshrl.u32 s12, $0x3;
	s7 =	sadd.s32 s7, s5;
	s8 =	sadd.s32 s8, s5  }
0xd: {  	s6 =	sadd.s32 $0x17200, s10;
	s10 =	simm.s32 $0x2710;
	s5 =	sadd.s32 $0xD400, s7  }
0xe: {  	s7 =	sadd.s32 $0x1C200, s8;
	s8 =	smax.u32 s11, $0x1;
	s11 =	sor.u32 $0x1C01, s31  }
.LBB2_1:
0xf: {  	[tilespmem:s4], [sflag:$0x1] =	stream.linear.gather [hbm4b:s5+s4], $0x2710, $0x38;
	[tilespmem:$0x5410] =	vst v63  }
0x10: {  	_ =	swait.ge [sflag:s9], $0x2710  }
0x11: {  	[sflag:s9] =	ssyncset.done $0x0  }
0x12: {  	[sflag:s9] =	ssyncadd.s32 $0xFFFFD8F0  }
0x13: {  	[tilespmem:s10], [sflag:$0x1] =	stream.linear.gather [hbm4b:s2+s4], $0x500, $0x38;
	[tilespmem:$0x5410] =	vst v63  }
0x14: {  	_ =	swait.ge [sflag:s9], $0x500  }
0x15: {  	[sflag:s9] =	ssyncset.done $0x0  }
0x16: {  	[sflag:s9] =	ssyncadd.s32 $0xFFFFFB00  }
0x17: {  	[spmem:s12], [sflag:s11] =	dma.local [hbm:s6], $0x500  }
0x18: {  	_ =	swait.ge [sflag:s9], $0x500  }
0x19: {  	[sflag:s9] =	ssyncset.done $0x0  }
0x1a: {  	[sflag:s9] =	ssyncadd.s32 $0xFFFFFB00  }
0x1b: {  	s15 =	simm.s32 $0x0;
	[bflag:$0x0] =	sbarrier.arrive $0xFFFF  }
0x1c: {  	[spmem:s3] =	stream.indirect.scatter.add.f32 [tilespmem:s10], [sflag:$0x1], $0x10, s15, s13, $0xb8;
	[tilespmem:$0x5410] =	vst v63  }
0x1d: {  	_ =	swait.ge [sflag:s9], $0x500  }
0x1e: {  	s15 =	simm.s32 $0x140;
	[sflag:s9] =	ssyncset.done $0x0  }
.LBB2_2:
0x1f: {  	s16 =	sshra.s32 s15, $0x2;
	[sflag:s9] =	ssyncadd.s32 $0xFFFFFB00;
	p0 =	sne.s32 s15, $0x9B00  }
0x20: {  	[spmem:s3] =	stream.indirect.scatter.add.f32 [tilespmem:s10], [sflag:$0x1], $0x10, s16, s13, $0xb8;
	[tilespmem:$0x5410] =	vst v63  }
.Ltmp0:
0x21: {  	_ = 	snop;
	(pc) =	sbr.rel @p0 .LBB2_2-.Ltmp0, $4  }
0x22: {  	_ = 	snop  }
0x23: {  	s15 =	sadd.s32 $0x140, s15  }
0x24: {  	_ =	swait.ge [sflag:s9], $0x500  }
0x25: {  	[sflag:s9] =	ssyncset.done $0x0  }
0x26: {  	s14 =	sadd.s32 $0x1, s14  }
0x27: {  	[sflag:s9] =	ssyncadd.s32 $0xFFFFFB00;
	p0 =	sne.s32 s14, s8  }
.Ltmp1:
0x28: {  	[bflag:$0x0] =	sbarrier.arrive $0xFFFF;
	(pc) =	sbr.rel @p0 .LBB2_1-.Ltmp1, $4  }
0x29: {  	[hbm:s7], [sflag:s11] =	dma.local [spmem:s12], $0x500  }
0x2a: {  	_ =	swait.ge [sflag:s9], $0x500  }
0x2b: {  	[sflag:s9] =	ssyncset.done $0x0  }
0x2c: {  	[sflag:s9] =	ssyncadd.s32 $0xFFFFFB00  }
0x2d: {  	_ =	sfence.sel $0x180000  }
0x2e: {  	[bflag:$0x0] =	sbarrier.arrive $0xFFFF  }
0x2f: {  	p0 =	sne.s32 s0, $0x0;
	_ =	strace $0x90000047  }
0x30: {  	s0 =	sadd.s32 @!p0 $0x100000, s1;
	[bflag:$0x2] =	sbarrier.arrive $0xFFFF  }
0x31: {  	[sflag:s0] =	ssyncadd.tile.s32 @!p0 $0x1;
	_ =	shalt  }
.Lfunc_end2:
_tile_overlayer_lowered:
.L_overlay_start_2:
0x32: {  	(tag) =	ssettag $0x2  }
0x33: {  	s0 =	rddreg [dreg:$0x0];
	s2 =	stileid.u32  }
0x34: {  	s1 =	rddreg [dreg:$0x1];
	p0 =	sne.s32 s2, $0x0  }
0x35: {  	s3 =	rddreg [dreg:$0x2];
	[bflag:$0x3] =	sbarrier.arrive $0xFFFF;
	s2 =	simm.s32 @!p0 $0x1C01  }
0x36: {  	[timem:s3], [sflag:s2] =	dma.local @!p0 [hbm:s0], s1  }
0x37: {  	s0 =	simm.s32 @!p0 $0x1  }
0x38: {  	_ =	swait.ge @!p0 [sflag:s0], s1  }
0x39: {  	s1 =	ssub.s32 @!p0 $0x0, s1;
	[sflag:s0] =	ssyncset.done @!p0 $0x0  }
0x3a: {  	[sflag:s0] =	ssyncadd.s32 @!p0 s1  }
0x3b: {  	[bflag:$0x3] =	sbarrier.arrive $0xFFFF  }
0x3c: {  	_ =	shalt  }

// kernel: kernel.14.cloned.1.call-start
scs
__scs_entry_jumppad:
0x0: {  	(pc) =	sbr.rel $0x88, $3  }
0x1: {  	(tag) =	ssettag $0x0;
	lr =	simm.s32 $0x1  }
0x2: {  	[smem:$0x3F93] =	sst lr;
	_ =	strace $0xD0000000  }
0x3: {  	_ = 	snop  }
0x4: {  	_ = 	snop  }
0x5: {  	_ = 	snop  }
0x6: {  	_ = 	snop  }
0x7: {  	_ = 	snop  }
__scs_overlays_trampoline_lowered:
0x8: {  	[smem:$0x3FA2] =	sst s0  }
0x9: {  	[smem:$0x3FA3] =	sst s1  }
0xa: {  	[smem:$0x3FA4] =	sst s2  }
0xb: {  	[smem:$0x3FA5] =	sst s3  }
0xc: {  	[smem:$0x3FA6] =	sst s4  }
0xd: {  	[smem:$0x3FA7] =	sst s5  }
0xe: {  	[smem:$0x3FA8] =	sst s6  }
0xf: {  	[smem:$0x3FA9] =	sst s7  }
0x10: {  	[smem:$0x3FAA] =	sst s8  }
0x11: {  	[smem:$0x3FAB] =	sst s9;
	s0 =	simm.s32 @!p0 $0x0  }
0x12: {  	s1 =	sld [smem:$0x3F91];
	s0 =	simm.s32 @p0 $0x1  }
0x13: {  	[smem:$0x3FAC] =	sst s0;
	s0 =	simm.s32 @!p1 $0x0  }
0x14: {  	s2 =	sld [smem:$0x3F90];
	s0 =	simm.s32 @p1 $0x1  }
0x15: {  	[smem:$0x3FAD] =	sst s0;
	s0 =	simm.s32 @!p2 $0x0  }
0x16: {  	s3 =	sld [smem:$0x3FDB];
	s0 =	simm.s32 @p2 $0x1  }
0x17: {  	s4 =	simm.s32 $0x1BF5;
	[smem:$0x3FAF] =	sst s0  }
0x18: {  	s0 =	sld [smem:$0x3F92];
	_ =	swait.ge [sflag:s4], $0x0  }
0x19: {  	s7 =	sld [smem:$0x3F93]  }
0x1a: {  	s8 =	sadd.s32 $0xFFFFE003, lr  }
0x1b: {  	s9 =	sadd.s32 $0xFFFFFEF7, lr;
	s5 =	simm.s32 $0xFFFFFFFF;
	p2 =	slt.u32 s8, $0xFFFFF086  }
0x1c: {  	p1 =	slt.u32 s9, $0xF7A;
	s5 =	simm.s32 @!p2 $0x0  }
0x1d: {  	s5 =	simm.s32 @p1 $0x1;
	p0 =	seq.s32 s7, s2  }
0x1e: {  	s7 =	smul.u32 @!p0 $0xF7A, s2;
	p2 =	seq.s32 @!p0 s5, $0x0  }
0x1f: {  	s9 =	smul.u32 $0xF7A, s1;
	s8 =	simm.s32 @!p0 $0x1BF5;
	p2 =	por !p2, p0  }
0x20: {  	[sflag:s8] =	ssyncset.s32 @!p0 $0xFFFFF086;
	s6 =	sadd.s32 @!p0 s3, s7;
	s7 =	simm.s32 @!p0 $0x108  }
0x21: {  	s3 =	sadd.s32 s3, s9;
	s6 =	sadd.s32 @!p0 $0x88, s6;
	s7 =	simm.s32 @p2 $0x1082  }
0x22: {  	[simem:s7], [sflag:s8] =	dma.local @!p0 [hbm:s6], $0xF7A  }
0x23: {  	s9 =	sor.u32 $0xD0000000, s2;
	s6 =	simm.s32 $0x108;
	_ =	swait.ge @!p0 [sflag:s8], $0x0  }
0x24: {  	s3 =	sadd.s32 $0x88, s3;
	s6 =	simm.s32 @!p1 $0x1082;
	[sflag:s4] =	ssyncset.s32 $0xFFFFF086  }
0x25: {  	[simem:s6], [sflag:s4] =	dma.local [hbm:s3], $0xF7A  }
0x26: {  	[smem:$0x3F93] =	sst s1;
	(tag) =	ssettag s2;
	_ =	strace s9  }
0x27: {  	s1 =	sld [smem:$0x3FA3]  }
0x28: {  	s2 =	sld [smem:$0x3FA4]  }
0x29: {  	s4 =	sld [smem:$0x3FA6]  }
0x2a: {  	p0 =	seq.s32 s5, $0x0;
	s5 =	sld [smem:$0x3FA7]  }
0x2b: {  	s6 =	sld [smem:$0x3FA8]  }
0x2c: {  	s7 =	sld [smem:$0x3FA9]  }
0x2d: {  	s3 =	simm.s32 $0x108;
	s8 =	sld [smem:$0x3FAA]  }
0x2e: {  	s3 =	simm.s32 @!p0 $0x1082;
	s9 =	sld [smem:$0x3FAB]  }
0x2f: {  	lr =	sadd.s32 s0, s3;
	s0 =	sld [smem:$0x3FA2]  }
0x30: {  	s3 =	sld [smem:$0x3FA5]  }
0x31: {  	[smem:$0x3FAE] =	sst s10  }
0x32: {  	s10 =	sld [smem:$0x3FAC];
	_ =	sdelay $0x3  }
0x33: {  	p0 =	seq.s32 s10, $0x1;
	s10 =	sld [smem:$0x3FAE];
	_ =	sdelay $0x3  }
0x34: {  	[smem:$0x3FAE] =	sst s10  }
0x35: {  	s10 =	sld [smem:$0x3FAD];
	_ =	sdelay $0x3  }
0x36: {  	p1 =	seq.s32 s10, $0x1;
	s10 =	sld [smem:$0x3FAE];
	_ =	sdelay $0x3  }
0x37: {  	[smem:$0x3FAE] =	sst s10  }
0x38: {  	s10 =	sld [smem:$0x3FAF]  }
0x39: {  	_ = 	snop;
	(pc) =	sbr.ind lr, $3  }
0x3a: {  	_ = 	snop  }
0x3b: {  	_ = 	snop  }
0x3c: {  	p2 =	seq.s32 s10, $0x1;
	s10 =	sld [smem:$0x3FAE]  }
0x3d: {  	_ =	shalt  }
0x3e: {  	_ =	shalt  }
0x3f: {  	_ =	shalt  }
0x40: {  	_ =	shalt  }
0x41: {  	_ =	shalt  }
0x42: {  	_ =	shalt  }
0x43: {  	_ =	shalt  }
0x44: {  	_ =	shalt  }
0x45: {  	_ =	shalt  }
0x46: {  	_ =	shalt  }
0x47: {  	_ =	shalt  }
0x48: {  	_ =	shalt  }
0x49: {  	_ =	shalt  }
0x4a: {  	_ =	shalt  }
0x4b: {  	_ =	shalt  }
0x4c: {  	_ =	shalt  }
0x4d: {  	_ =	shalt  }
0x4e: {  	_ =	shalt  }
0x4f: {  	_ =	shalt  }
0x50: {  	_ =	shalt  }
0x51: {  	_ =	shalt  }
0x52: {  	_ =	shalt  }
0x53: {  	_ =	shalt  }
0x54: {  	_ =	shalt  }
0x55: {  	_ =	shalt  }
0x56: {  	_ =	shalt  }
0x57: {  	_ =	shalt  }
0x58: {  	_ =	shalt  }
0x59: {  	_ =	shalt  }
0x5a: {  	_ =	shalt  }
0x5b: {  	_ =	shalt  }
0x5c: {  	_ =	shalt  }
0x5d: {  	_ =	shalt  }
0x5e: {  	_ =	shalt  }
0x5f: {  	_ =	shalt  }
0x60: {  	_ =	shalt  }
0x61: {  	_ =	shalt  }
0x62: {  	_ =	shalt  }
0x63: {  	_ =	shalt  }
0x64: {  	_ =	shalt  }
0x65: {  	_ =	shalt  }
0x66: {  	_ =	shalt  }
0x67: {  	_ =	shalt  }
0x68: {  	_ =	shalt  }
0x69: {  	_ =	shalt  }
0x6a: {  	_ =	shalt  }
0x6b: {  	_ =	shalt  }
0x6c: {  	_ =	shalt  }
0x6d: {  	_ =	shalt  }
0x6e: {  	_ =	shalt  }
0x6f: {  	_ =	shalt  }
0x70: {  	_ =	shalt  }
0x71: {  	_ =	shalt  }
0x72: {  	_ =	shalt  }
0x73: {  	_ =	shalt  }
0x74: {  	_ =	shalt  }
0x75: {  	_ =	shalt  }
0x76: {  	_ =	shalt  }
0x77: {  	_ =	shalt  }
0x78: {  	_ =	shalt  }
0x79: {  	_ =	shalt  }
0x7a: {  	_ =	shalt  }
0x7b: {  	_ =	shalt  }
0x7c: {  	_ =	shalt  }
0x7d: {  	_ =	shalt  }
0x7e: {  	_ =	shalt  }
0x7f: {  	_ =	shalt  }
0x80: {  	_ =	shalt  }
0x81: {  	_ =	shalt  }
0x82: {  	_ =	shalt  }
0x83: {  	_ =	shalt  }
0x84: {  	_ =	shalt  }
0x85: {  	_ =	shalt  }
0x86: {  	_ =	shalt  }
0x87: {  	_ =	shalt  }
.Lfunc_end0:
.L_simem_size_0:
called_computation.1_lowered:
.L_overlay_start_0:
0x88: {  	s2 =	sld [smem:$0x3FD9]  }
0x89: {  	s3 =	sld [smem:$0x3FFE];
	_ =	sdelay $0x1  }
0x8a: {  	s1 =	srdreg.scid  }
0x8b: {  	s0 =	sand.u32 $0x1, s1  }
0x8c: {  	s16 =	sshll.u32 s0, $0xA;
	s2 =	sadd.s32 s3, s2  }
0x8d: {  	s2 =	sadd.s32 s2, s16  }
0x8e: {  	[smem:$0x3FBA] =	sst s2  }
0x8f: {  	_ = 	snop  }
0x90: {  	(tm) =	ssettm $0x1  }
0x91: {  	s17 =	sld [smem:$0x3FFB];
	_ =	sdelay $0x3  }
0x92: {  	_ =	strace s17  }
0x93: {  	s2 =	sld [smem:$0x3FFC];
	_ =	sdelay $0x3  }
0x94: {  	_ =	strace s2  }
0x95: {  	s2 =	sld [smem:$0x3FFD];
	_ =	sdelay $0x3  }
0x96: {  	_ =	strace s2  }
0x97: {  	_ =	strace $0x8FFFFFFF  }
0x98: {  	s18 =	sld [smem:$0x3FDB];
	_ =	sdelay $0x1  }
0x99: {  	s19 =	simm.s32 $_scs_section_size  }
0x9a: {  	s4 =	simm.s32 $_size__tile_overlayer_lowered;
	s5 =	simm.s32 $_tile_overlayer_lowered  }
0x9b: {  	s22 =	simm.s32 $0x1BFF;
	s21 =	sshll.u32 s5, $0x1;
	s2 =	sadd.s32 s19, s18  }
0x9c: {  	s6 =	simm.s32 $0x0;
	s20 =	sshll.u32 s4, $0x1;
	s4 =	sadd.s32 s21, s2  }
0x9d: {  	[timem:s6], [sflag:s22] =	dma.local [hbm:s4], s20  }
0x9e: {  	_ =	swait.ge [sflag:s22], s20  }
0x9f: {  	s3 =	ssub.s32 $0x0, s20;
	[sflag:s22] =	ssyncset.done $0x0  }
0xa0: {  	[sflag:s22] =	ssyncadd.s32 s3;
	_ =	sdelay $0x1  }
0xa1: {  	s23 =	simm.s32 $0x1B8B  }
0xa2: {  	_ =	swait.ge [sflag:s23], $0x1  }
0xa3: {  	[sflag:s23] =	ssyncset.done $0x0  }
0xa4: {  	s25 =	simm.s32 $0x1B8E;
	s24 =	sld [smem:$0x3FFE];
	[sflag:s23] =	ssyncadd.s32 $0xFFFFFFFF  }
0xa5: {  	s26 =	simm.s32 $execute0_lowered;
	[smem:$0x3FD2] =	sst s25  }
0xa6: {  	s4 =	sshll.u32 s26, $0x1;
	_ =	strace $0x80000049;
	[dreg:$0x1] =	wrdreg $0xFFFFFFFF  }
0xa7: {  	s28 =	simm.s32 $_size_execute0_lowered;
	s2 =	sadd.s32 s2, s4;
	[dreg:$0x0] =	wrdreg $0x0  }
0xa8: {  	s4 =	sshll.u32 s28, $0x1;
	[dreg:$0x2] =	wrdreg s2  }
0xa9: {  	[dreg:$0x3] =	wrdreg s4  }
0xaa: {  	[dreg:$0x4] =	wrdreg $0xC0  }
0xab: {  	_ =	task [dreg:s6], $0x5FFFF  }
0xac: {  	[dreg:$0x1] =	wrdreg $0xFFFFFFFF  }
0xad: {  	[dreg:$0x0] =	wrdreg $0x60  }
0xae: {  	[dreg:$0x2] =	wrdreg s24  }
0xaf: {  	[dreg:$0x3] =	wrdreg $0xC6200  }
0xb0: {  	[dreg:$0x4] =	wrdreg $0x9  }
0xb1: {  	_ =	task.clear_ibuf [dreg:s6], $0x5FFFF;
	_ =	strace $0x90000049  }
0xb2: {  	s29 =	simm.s32 $0x9;
	_ =	strace $0x8000004B  }
0xb3: {  	_ =	swait.ge [sflag:s29], $0x1  }
0xb4: {  	[sflag:s29] =	ssyncadd.s32 $0xFFFFFFFF  }
0xb5: {  	_ =	strace $0x9000004B  }
0xb6: {  	_ =	sfence  }
0xb7: {  	s30 =	sld [smem:$0x0];
	_ =	sdelay $0x2  }
0xb8: {  	s31 =	sshll.u32 s1, $0xD;
	s1 =	sshrl.u32 s1, $0x2  }
0xb9: {  	s3 =	sand.u32 $0x4000, s31;
	s1 =	sadd.s32 s1, s30  }
0xba: {  	s0 =	sor.u32 s3, s0;
	s1 =	sshll.u32 s1, $0x11  }
0xbb: {  	s0 =	sor.u32 s1, s0  }
0xbc: {  	s0 =	sadd.s32 $0x8F2B, s0  }
0xbd: {  	[sflag:s0] =	ssyncadd.remote.s32 $0x1  }
0xbe: {  	_ =	sfence.sel $0xFFFF  }
0xbf: {  	[dreg:$0x0] =	wrdreg $0xFFFFFFFF;
	(pc) =	sbr.abs _section_cstart, $3  }
0xc0: {  	[dreg:$0x1] =	wrdreg $0xFFFFFFFF  }
0xc1: {  	_ =	task.clear_ibuf [dreg:s6], $0x2FFFF;
	_ =	strace $0x9FFFFFFF  }
0xc2: {  	(tm) =	ssettm $0x7FFFFFFF  }
0xc3: {  	_ =	shalt  }
tec
execute0_lowered:
.L_overlay_start_1:
0x0: {  	(tag) =	ssettag $0x1  }
0x1: {  	s1 =	rddreg [dreg:$0x0]  }
0x2: {  	s0 =	srdreg.scid;
	s2 =	rddreg [dreg:$0x1];
	s3 =	simm.s32 $0x0  }
0x3: {  	s11 =	simm.s32 $0x2710;
	s14 =	simm.s32 $0x50;
	s15 =	simm.s32 $0x4E20  }
0x4: {  	s16 =	simm.s32 $0x7620;
	s17 =	simm.s32 $0xA0;
	s18 =	simm.s32 $0x9E20  }
0x5: {  	s19 =	simm.s32 $0x1;
	s20 =	simm.s32 $0x2;
	s21 =	simm.s32 $0x3  }
0x6: {  	s22 =	simm.s32 $0x4C90;
	s23 =	simm.s32 $0x2670;
	s5 =	sand.u32 $0x1, s0  }
0x7: {  	s24 =	simm.s32 $0x4CE0;
	s0 =	stileid.u32;
	s4 =	smul.u32 $0x27100, s5  }
0x8: {  	s25 =	simm.s32 $0x26C0;
	s26 =	simm.s32 $0x4D30;
	s6 =	smul.u32 $0x2710, s0  }
0x9: {  	s28 =	simm.s32 $0x4D80;
	s29 =	simm.s32 $0x4DD0;
	s7 =	smul.u32 $0x1F400, s0  }
0xa: {  	s30 =	simm.s32 $0x0;
	[smem:$0x7FF] =	sst s3;
	s8 =	smul.u32 $0x138800, s5  }
0xb: {  	_ =	strace $0x8000004A;
	s5 =	ssub.s32 $0x2, s5;
	p0 =	sgt.u32 s0, $0x9  }
0xc: {  	s10 =	sshrl.u32 s5, $0x1;
	s4 =	sadd.s32 s6, s4;
	s9 =	sshrl.u32 s7, $0x3  }
0xd: {  	s8 =	sadd.s32 s7, s8;
	s10 =	ssub.s32 s5, s10;
	s13 =	sadd.s32 s7, s2  }
0xe: {  	s6 =	sshrl.u32 s4, $0x3;
	s4 =	sadd.s32 $0x9D400, s1;
	s9 =	sadd.s32 s9, s1  }
0xf: {  	s8 =	sshrl.u32 s8, $0x3;
	s13 =	sshrl.u32 @!p0 s13, $0x3;
	s6 =	sadd.s32 s6, s1  }
0x10: {  	s1 =	sadd.s32 s8, s1;
	s7 =	sadd.s32 $0xC4600, s9;
	s9 =	smax.u32 s10, $0x1  }
0x11: {  	s10 =	simm.s32 $0x4;
	s8 =	sadd.s32 $0xEC600, s1;
	s1 =	sshll.u32 @!p0 s0, $0x6  }
0x12: {  	s5 =	sadd.s32 $0x3600, s6;
	s6 =	sadd.s32 $0xD400, s6;
	s12 =	sor.u32 @!p0 $0x1C04, s1  }
.LBB2_1:
0x13: {  	[tilespmem:s3], [sflag:$0x4] =	stream.linear.gather [hbm4b:s5+s3], $0x2710, $0x38;
	[tilespmem:$0x1FEA0] =	vst v63  }
0x14: {  	_ =	swait.ge [sflag:s10], $0x2710  }
0x15: {  	[sflag:s10] =	ssyncset.done $0x0  }
0x16: {  	[sflag:s10] =	ssyncadd.s32 $0xFFFFD8F0  }
0x17: {  	[tilespmem:s11], [sflag:$0x4] =	stream.linear.gather [hbm4b:s6+s3], $0x2710, $0x38;
	[tilespmem:$0x1FEA0] =	vst v63  }
0x18: {  	_ =	swait.ge [sflag:s10], $0x2710  }
0x19: {  	[sflag:s10] =	ssyncset.done $0x0  }
0x1a: {  	s1 =	simm.s32 @!p0 $0x4;
	[sflag:s10] =	ssyncadd.s32 $0xFFFFD8F0  }
0x1b: {  	[spmem:s13], [sflag:s12] =	dma.local @!p0 [hbm:s7], $0x3E80  }
0x1c: {  	_ =	swait.ge @!p0 [sflag:s1], $0x3E80  }
0x1d: {  	[sflag:s1] =	ssyncset.done @!p0 $0x0  }
0x1e: {  	[sflag:s1] =	ssyncadd.s32 @!p0 $0xFFFFC180  }
0x1f: {  	[bflag:$0x0] =	sbarrier.arrive $0xFFFF  }
0x20: {  	[tilespmem:s15], [sflag:$0x1] =	stream.indirect.gather [hbm4b:s4+s14], $0x80, s3, s14, $0xb8;
	[tilespmem:$0x1FEA0] =	vst v63  }
0x21: {  	_ = 	snop  }
0x22: {  	[tilespmem:s16], [sflag:$0x2] =	stream.indirect.gather [hbm4b:s4+s14], $0x80, s14, s14, $0xb8;
	[tilespmem:$0x1FEA0] =	vst v63  }
0x23: {  	_ = 	snop  }
0x24: {  	[tilespmem:s18], [sflag:$0x3] =	stream.indirect.gather [hbm4b:s4+s14], $0x80, s17, s14, $0xb8;
	[tilespmem:$0x1FEA0] =	vst v63  }
0x25: {  	_ =	swait.ge [sflag:s19], $0x2800  }
0x26: {  	[sflag:s19] =	ssyncset.done $0x0  }
0x27: {  	s0 =	simm.s32 $0x2710;
	[sflag:s19] =	ssyncadd.s32 $0xFFFFD800  }
0x28: {  	[spmem:s2] =	stream.indirect.scatter.add.f32 [tilespmem:s15], [sflag:$0x4], $0x80, s0, s14, $0xb8;
	[tilespmem:$0x1FEA0] =	vst v63  }
0x29: {  	_ =	swait.ge [sflag:s10], $0x2800  }
0x2a: {  	[sflag:s10] =	ssyncset.done $0x0  }
0x2b: {  	s0 =	simm.s32 $0xF0;
	[sflag:s10] =	ssyncadd.s32 $0xFFFFD800  }
0x2c: {  	[tilespmem:s15], [sflag:$0x1] =	stream.indirect.gather [hbm4b:s4+s14], $0x80, s0, s14, $0xb8;
	[tilespmem:$0x1FEA0] =	vst v63  }
0x2d: {  	_ =	swait.ge [sflag:s20], $0x2800  }
0x2e: {  	[sflag:s20] =	ssyncset.done $0x0  }
0x2f: {  	s0 =	simm.s32 $0x2760;
	[sflag:s20] =	ssyncadd.s32 $0xFFFFD800  }
0x30: {  	[spmem:s2] =	stream.indirect.scatter.add.f32 [tilespmem:s16], [sflag:$0x4], $0x80, s0, s14, $0xb8;
	[tilespmem:$0x1FEA0] =	vst v63  }
0x31: {  	_ =	swait.ge [sflag:s10], $0x2800  }
0x32: {  	[sflag:s10] =	ssyncset.done $0x0  }
0x33: {  	s0 =	simm.s32 $0x140;
	[sflag:s10] =	ssyncadd.s32 $0xFFFFD800  }
0x34: {  	[tilespmem:s16], [sflag:$0x2] =	stream.indirect.gather [hbm4b:s4+s14], $0x80, s0, s14, $0xb8;
	[tilespmem:$0x1FEA0] =	vst v63  }
0x35: {  	_ =	swait.ge [sflag:s21], $0x2800  }
0x36: {  	[sflag:s21] =	ssyncset.done $0x0  }
0x37: {  	s0 =	simm.s32 $0x27B0;
	[sflag:s21] =	ssyncadd.s32 $0xFFFFD800  }
0x38: {  	[spmem:s2] =	stream.indirect.scatter.add.f32 [tilespmem:s18], [sflag:$0x4], $0x80, s0, s14, $0xb8;
	[tilespmem:$0x1FEA0] =	vst v63  }
0x39: {  	_ =	swait.ge [sflag:s10], $0x2800  }
0x3a: {  	[sflag:s10] =	ssyncset.done $0x0  }
0x3b: {  	s31 =	simm.s32 $0x3C0;
	s1 =	simm.s32 $0x190;
	[sflag:s10] =	ssyncadd.s32 $0xFFFFD800  }
.LBB2_2:
0x3c: {  	[tilespmem:s18], [sflag:$0x3] =	stream.indirect.gather [hbm4b:s4+s14], $0x80, s1, s14, $0xb8;
	[tilespmem:$0x1FEA0] =	vst v63  }
0x3d: {  	s1 =	smov.u32 s31  }
0x3e: {  	p1 =	sne.s32 s31, $0x9240;
	s31 =	sadd.s32 $0x3C0, s31;
	_ =	swait.ge [sflag:s19], $0x2800  }
0x3f: {  	s1 =	sshra.s32 s1, $0x2;
	[sflag:s19] =	ssyncset.done $0x0  }
0x40: {  	s0 =	sadd.s32 $0x2710, s1;
	[sflag:s19] =	ssyncadd.s32 $0xFFFFD800  }
0x41: {  	[spmem:s2] =	stream.indirect.scatter.add.f32 [tilespmem:s15], [sflag:$0x4], $0x80, s0, s14, $0xb8;
	[tilespmem:$0x1FEA0] =	vst v63  }
0x42: {  	_ =	swait.ge [sflag:s10], $0x2800  }
0x43: {  	[sflag:s10] =	ssyncset.done $0x0  }
0x44: {  	s0 =	sadd.s32 $0xF0, s1;
	[sflag:s10] =	ssyncadd.s32 $0xFFFFD800  }
0x45: {  	[tilespmem:s15], [sflag:$0x1] =	stream.indirect.gather [hbm4b:s4+s14], $0x80, s0, s14, $0xb8;
	[tilespmem:$0x1FEA0] =	vst v63  }
0x46: {  	_ =	swait.ge [sflag:s20], $0x2800  }
0x47: {  	[sflag:s20] =	ssyncset.done $0x0  }
0x48: {  	s0 =	sadd.s32 $0x2760, s1;
	[sflag:s20] =	ssyncadd.s32 $0xFFFFD800  }
0x49: {  	[spmem:s2] =	stream.indirect.scatter.add.f32 [tilespmem:s16], [sflag:$0x4], $0x80, s0, s14, $0xb8;
	[tilespmem:$0x1FEA0] =	vst v63  }
0x4a: {  	_ =	swait.ge [sflag:s10], $0x2800  }
0x4b: {  	[sflag:s10] =	ssyncset.done $0x0  }
0x4c: {  	s0 =	sadd.s32 $0x140, s1;
	[sflag:s10] =	ssyncadd.s32 $0xFFFFD800  }
0x4d: {  	[tilespmem:s16], [sflag:$0x2] =	stream.indirect.gather [hbm4b:s4+s14], $0x80, s0, s14, $0xb8;
	[tilespmem:$0x1FEA0] =	vst v63  }
0x4e: {  	_ =	swait.ge [sflag:s21], $0x2800  }
0x4f: {  	[sflag:s21] =	ssyncset.done $0x0  }
.Ltmp0:
0x50: {  	s0 =	sadd.s32 $0x27B0, s1;
	[sflag:s21] =	ssyncadd.s32 $0xFFFFD800;
	(pc) =	sbr.rel @p1 .LBB2_2-.Ltmp0, $4  }
0x51: {  	[spmem:s2] =	stream.indirect.scatter.add.f32 [tilespmem:s18], [sflag:$0x4], $0x80, s0, s14, $0xb8;
	[tilespmem:$0x1FEA0] =	vst v63  }
0x52: {  	_ =	swait.ge [sflag:s10], $0x2800  }
0x53: {  	[sflag:s10] =	ssyncset.done $0x0  }
0x54: {  	s1 =	sadd.s32 $0x190, s1;
	[sflag:s10] =	ssyncadd.s32 $0xFFFFD800  }
0x55: {  	[tilespmem:s18], [sflag:$0x3] =	stream.indirect.gather [hbm4b:s4+s14], $0x80, s1, s14, $0xb8;
	[tilespmem:$0x1FEA0] =	vst v63  }
0x56: {  	_ =	swait.ge [sflag:s19], $0x2800  }
0x57: {  	[sflag:s19] =	ssyncset.done $0x0  }
0x58: {  	[sflag:s19] =	ssyncadd.s32 $0xFFFFD800  }
0x59: {  	[spmem:s2] =	stream.indirect.scatter.add.f32 [tilespmem:s15], [sflag:$0x4], $0x80, s22, s14, $0xb8;
	[tilespmem:$0x1FEA0] =	vst v63  }
0x5a: {  	_ =	swait.ge [sflag:s10], $0x2800  }
0x5b: {  	[sflag:s10] =	ssyncset.done $0x0  }
0x5c: {  	[sflag:s10] =	ssyncadd.s32 $0xFFFFD800  }
0x5d: {  	[tilespmem:s15], [sflag:$0x1] =	stream.indirect.gather [hbm4b:s4+s14], $0x80, s23, s14, $0xb8;
	[tilespmem:$0x1FEA0] =	vst v63  }
0x5e: {  	_ =	swait.ge [sflag:s20], $0x2800  }
0x5f: {  	[sflag:s20] =	ssyncset.done $0x0  }
0x60: {  	[sflag:s20] =	ssyncadd.s32 $0xFFFFD800  }
0x61: {  	[spmem:s2] =	stream.indirect.scatter.add.f32 [tilespmem:s16], [sflag:$0x4], $0x80, s24, s14, $0xb8;
	[tilespmem:$0x1FEA0] =	vst v63  }
0x62: {  	_ =	swait.ge [sflag:s10], $0x2800  }
0x63: {  	[sflag:s10] =	ssyncset.done $0x0  }
0x64: {  	[sflag:s10] =	ssyncadd.s32 $0xFFFFD800  }
0x65: {  	[tilespmem:s16], [sflag:$0x2] =	stream.indirect.gather [hbm4b:s4+s14], $0x80, s25, s14, $0xb8;
	[tilespmem:$0x1FEA0] =	vst v63  }
0x66: {  	_ =	swait.ge [sflag:s21], $0x2800  }
0x67: {  	[sflag:s21] =	ssyncset.done $0x0  }
0x68: {  	[sflag:s21] =	ssyncadd.s32 $0xFFFFD800  }
0x69: {  	[spmem:s2] =	stream.indirect.scatter.add.f32 [tilespmem:s18], [sflag:$0x4], $0x80, s26, s14, $0xb8;
	[tilespmem:$0x1FEA0] =	vst v63  }
0x6a: {  	_ =	swait.ge [sflag:s10], $0x2800  }
0x6b: {  	[sflag:s10] =	ssyncset.done $0x0  }
0x6c: {  	[sflag:s10] =	ssyncadd.s32 $0xFFFFD800  }
0x6d: {  	_ =	swait.ge [sflag:s19], $0x2800  }
0x6e: {  	[sflag:s19] =	ssyncset.done $0x0  }
0x6f: {  	[sflag:s19] =	ssyncadd.s32 $0xFFFFD800  }
0x70: {  	[spmem:s2] =	stream.indirect.scatter.add.f32 [tilespmem:s15], [sflag:$0x4], $0x80, s28, s14, $0xb8;
	[tilespmem:$0x1FEA0] =	vst v63  }
0x71: {  	_ =	swait.ge [sflag:s10], $0x2800  }
0x72: {  	[sflag:s10] =	ssyncset.done $0x0  }
0x73: {  	[sflag:s10] =	ssyncadd.s32 $0xFFFFD800  }
0x74: {  	_ =	swait.ge [sflag:s20], $0x2800  }
0x75: {  	[sflag:s20] =	ssyncset.done $0x0  }
0x76: {  	[sflag:s20] =	ssyncadd.s32 $0xFFFFD800  }
0x77: {  	[spmem:s2] =	stream.indirect.scatter.add.f32 [tilespmem:s16], [sflag:$0x4], $0x80, s29, s14, $0xb8;
	[tilespmem:$0x1FEA0] =	vst v63  }
0x78: {  	_ =	swait.ge [sflag:s10], $0x2800  }
0x79: {  	s30 =	sadd.s32 $0x1, s30;
	[sflag:s10] =	ssyncset.done $0x0  }
0x7a: {  	p1 =	sne.s32 s30, s9;
	[sflag:s10] =	ssyncadd.s32 $0xFFFFD800  }
.Ltmp1:
0x7b: {  	s0 =	simm.s32 @!p0 $0x4;
	[bflag:$0x0] =	sbarrier.arrive $0xFFFF;
	(pc) =	sbr.rel @p1 .LBB2_1-.Ltmp1, $4  }
0x7c: {  	[hbm:s8], [sflag:s12] =	dma.local @!p0 [spmem:s13], $0x3E80  }
0x7d: {  	_ =	swait.ge @!p0 [sflag:s0], $0x3E80  }
0x7e: {  	[sflag:s0] =	ssyncset.done @!p0 $0x0  }
0x7f: {  	[sflag:s0] =	ssyncadd.s32 @!p0 $0xFFFFC180  }
0x80: {  	_ =	sfence.sel $0x180000  }
0x81: {  	[bflag:$0x0] =	sbarrier.arrive $0xFFFF  }
0x82: {  	_ =	strace $0x9000004A  }
0x83: {  	s0 =	stileid.u32;
	[bflag:$0x2] =	sbarrier.arrive $0xFFFF  }
0x84: {  	p0 =	sne.s32 s0, $0x0;
	s0 =	rddreg [dreg:$0x2]  }
0x85: {  	s0 =	sadd.s32 @!p0 $0x100000, s0  }
0x86: {  	[sflag:s0] =	ssyncadd.tile.s32 @!p0 $0x1;
	_ =	shalt  }
.Lfunc_end2:
_tile_overlayer_lowered:
.L_overlay_start_2:
0x87: {  	(tag) =	ssettag $0x2  }
0x88: {  	s0 =	rddreg [dreg:$0x0];
	s2 =	stileid.u32  }
0x89: {  	s1 =	rddreg [dreg:$0x1];
	p0 =	sne.s32 s2, $0x0  }
0x8a: {  	s3 =	rddreg [dreg:$0x2];
	[bflag:$0x3] =	sbarrier.arrive $0xFFFF;
	s2 =	simm.s32 @!p0 $0x1C04  }
0x8b: {  	[timem:s3], [sflag:s2] =	dma.local @!p0 [hbm:s0], s1  }
0x8c: {  	s0 =	simm.s32 @!p0 $0x4  }
0x8d: {  	_ =	swait.ge @!p0 [sflag:s0], s1  }
0x8e: {  	s1 =	ssub.s32 @!p0 $0x0, s1;
	[sflag:s0] =	ssyncset.done @!p0 $0x0  }
0x8f: {  	[sflag:s0] =	ssyncadd.s32 @!p0 s1  }
0x90: {  	[bflag:$0x3] =	sbarrier.arrive $0xFFFF  }
0x91: {  	_ =	shalt  }

// kernel: kernel.17.cloned.1.call-start
scs
__scs_entry_jumppad:
0x0: {  	(pc) =	sbr.rel $0x88, $3  }
0x1: {  	(tag) =	ssettag $0x0;
	lr =	simm.s32 $0x1  }
0x2: {  	[smem:$0x3F93] =	sst lr;
	_ =	strace $0xD0000000  }
0x3: {  	_ = 	snop  }
0x4: {  	_ = 	snop  }
0x5: {  	_ = 	snop  }
0x6: {  	_ = 	snop  }
0x7: {  	_ = 	snop  }
__scs_overlays_trampoline_lowered:
0x8: {  	[smem:$0x3FA2] =	sst s0  }
0x9: {  	[smem:$0x3FA3] =	sst s1  }
0xa: {  	[smem:$0x3FA4] =	sst s2  }
0xb: {  	[smem:$0x3FA5] =	sst s3  }
0xc: {  	[smem:$0x3FA6] =	sst s4  }
0xd: {  	[smem:$0x3FA7] =	sst s5  }
0xe: {  	[smem:$0x3FA8] =	sst s6  }
0xf: {  	[smem:$0x3FA9] =	sst s7  }
0x10: {  	[smem:$0x3FAA] =	sst s8  }
0x11: {  	[smem:$0x3FAB] =	sst s9;
	s0 =	simm.s32 @!p0 $0x0  }
0x12: {  	s1 =	sld [smem:$0x3F91];
	s0 =	simm.s32 @p0 $0x1  }
0x13: {  	[smem:$0x3FAC] =	sst s0;
	s0 =	simm.s32 @!p1 $0x0  }
0x14: {  	s2 =	sld [smem:$0x3F90];
	s0 =	simm.s32 @p1 $0x1  }
0x15: {  	[smem:$0x3FAD] =	sst s0;
	s0 =	simm.s32 @!p2 $0x0  }
0x16: {  	s3 =	sld [smem:$0x3FDB];
	s0 =	simm.s32 @p2 $0x1  }
0x17: {  	s4 =	simm.s32 $0x1BF5;
	[smem:$0x3FAF] =	sst s0  }
0x18: {  	s0 =	sld [smem:$0x3F92];
	_ =	swait.ge [sflag:s4], $0x0  }
0x19: {  	s7 =	sld [smem:$0x3F93]  }
0x1a: {  	s8 =	sadd.s32 $0xFFFFE003, lr  }
0x1b: {  	s9 =	sadd.s32 $0xFFFFFEF7, lr;
	s5 =	simm.s32 $0xFFFFFFFF;
	p2 =	slt.u32 s8, $0xFFFFF086  }
0x1c: {  	p1 =	slt.u32 s9, $0xF7A;
	s5 =	simm.s32 @!p2 $0x0  }
0x1d: {  	s5 =	simm.s32 @p1 $0x1;
	p0 =	seq.s32 s7, s2  }
0x1e: {  	s7 =	smul.u32 @!p0 $0xF7A, s2;
	p2 =	seq.s32 @!p0 s5, $0x0  }
0x1f: {  	s9 =	smul.u32 $0xF7A, s1;
	s8 =	simm.s32 @!p0 $0x1BF5;
	p2 =	por !p2, p0  }
0x20: {  	[sflag:s8] =	ssyncset.s32 @!p0 $0xFFFFF086;
	s6 =	sadd.s32 @!p0 s3, s7;
	s7 =	simm.s32 @!p0 $0x108  }
0x21: {  	s3 =	sadd.s32 s3, s9;
	s6 =	sadd.s32 @!p0 $0x88, s6;
	s7 =	simm.s32 @p2 $0x1082  }
0x22: {  	[simem:s7], [sflag:s8] =	dma.local @!p0 [hbm:s6], $0xF7A  }
0x23: {  	s9 =	sor.u32 $0xD0000000, s2;
	s6 =	simm.s32 $0x108;
	_ =	swait.ge @!p0 [sflag:s8], $0x0  }
0x24: {  	s3 =	sadd.s32 $0x88, s3;
	s6 =	simm.s32 @!p1 $0x1082;
	[sflag:s4] =	ssyncset.s32 $0xFFFFF086  }
0x25: {  	[simem:s6], [sflag:s4] =	dma.local [hbm:s3], $0xF7A  }
0x26: {  	[smem:$0x3F93] =	sst s1;
	(tag) =	ssettag s2;
	_ =	strace s9  }
0x27: {  	s1 =	sld [smem:$0x3FA3]  }
0x28: {  	s2 =	sld [smem:$0x3FA4]  }
0x29: {  	s4 =	sld [smem:$0x3FA6]  }
0x2a: {  	p0 =	seq.s32 s5, $0x0;
	s5 =	sld [smem:$0x3FA7]  }
0x2b: {  	s6 =	sld [smem:$0x3FA8]  }
0x2c: {  	s7 =	sld [smem:$0x3FA9]  }
0x2d: {  	s3 =	simm.s32 $0x108;
	s8 =	sld [smem:$0x3FAA]  }
0x2e: {  	s3 =	simm.s32 @!p0 $0x1082;
	s9 =	sld [smem:$0x3FAB]  }
0x2f: {  	lr =	sadd.s32 s0, s3;
	s0 =	sld [smem:$0x3FA2]  }
0x30: {  	s3 =	sld [smem:$0x3FA5]  }
0x31: {  	[smem:$0x3FAE] =	sst s10  }
0x32: {  	s10 =	sld [smem:$0x3FAC];
	_ =	sdelay $0x3  }
0x33: {  	p0 =	seq.s32 s10, $0x1;
	s10 =	sld [smem:$0x3FAE];
	_ =	sdelay $0x3  }
0x34: {  	[smem:$0x3FAE] =	sst s10  }
0x35: {  	s10 =	sld [smem:$0x3FAD];
	_ =	sdelay $0x3  }
0x36: {  	p1 =	seq.s32 s10, $0x1;
	s10 =	sld [smem:$0x3FAE];
	_ =	sdelay $0x3  }
0x37: {  	[smem:$0x3FAE] =	sst s10  }
0x38: {  	s10 =	sld [smem:$0x3FAF]  }
0x39: {  	_ = 	snop;
	(pc) =	sbr.ind lr, $3  }
0x3a: {  	_ = 	snop  }
0x3b: {  	_ = 	snop  }
0x3c: {  	p2 =	seq.s32 s10, $0x1;
	s10 =	sld [smem:$0x3FAE]  }
0x3d: {  	_ =	shalt  }
0x3e: {  	_ =	shalt  }
0x3f: {  	_ =	shalt  }
0x40: {  	_ =	shalt  }
0x41: {  	_ =	shalt  }
0x42: {  	_ =	shalt  }
0x43: {  	_ =	shalt  }
0x44: {  	_ =	shalt  }
0x45: {  	_ =	shalt  }
0x46: {  	_ =	shalt  }
0x47: {  	_ =	shalt  }
0x48: {  	_ =	shalt  }
0x49: {  	_ =	shalt  }
0x4a: {  	_ =	shalt  }
0x4b: {  	_ =	shalt  }
0x4c: {  	_ =	shalt  }
0x4d: {  	_ =	shalt  }
0x4e: {  	_ =	shalt  }
0x4f: {  	_ =	shalt  }
0x50: {  	_ =	shalt  }
0x51: {  	_ =	shalt  }
0x52: {  	_ =	shalt  }
0x53: {  	_ =	shalt  }
0x54: {  	_ =	shalt  }
0x55: {  	_ =	shalt  }
0x56: {  	_ =	shalt  }
0x57: {  	_ =	shalt  }
0x58: {  	_ =	shalt  }
0x59: {  	_ =	shalt  }
0x5a: {  	_ =	shalt  }
0x5b: {  	_ =	shalt  }
0x5c: {  	_ =	shalt  }
0x5d: {  	_ =	shalt  }
0x5e: {  	_ =	shalt  }
0x5f: {  	_ =	shalt  }
0x60: {  	_ =	shalt  }
0x61: {  	_ =	shalt  }
0x62: {  	_ =	shalt  }
0x63: {  	_ =	shalt  }
0x64: {  	_ =	shalt  }
0x65: {  	_ =	shalt  }
0x66: {  	_ =	shalt  }
0x67: {  	_ =	shalt  }
0x68: {  	_ =	shalt  }
0x69: {  	_ =	shalt  }
0x6a: {  	_ =	shalt  }
0x6b: {  	_ =	shalt  }
0x6c: {  	_ =	shalt  }
0x6d: {  	_ =	shalt  }
0x6e: {  	_ =	shalt  }
0x6f: {  	_ =	shalt  }
0x70: {  	_ =	shalt  }
0x71: {  	_ =	shalt  }
0x72: {  	_ =	shalt  }
0x73: {  	_ =	shalt  }
0x74: {  	_ =	shalt  }
0x75: {  	_ =	shalt  }
0x76: {  	_ =	shalt  }
0x77: {  	_ =	shalt  }
0x78: {  	_ =	shalt  }
0x79: {  	_ =	shalt  }
0x7a: {  	_ =	shalt  }
0x7b: {  	_ =	shalt  }
0x7c: {  	_ =	shalt  }
0x7d: {  	_ =	shalt  }
0x7e: {  	_ =	shalt  }
0x7f: {  	_ =	shalt  }
0x80: {  	_ =	shalt  }
0x81: {  	_ =	shalt  }
0x82: {  	_ =	shalt  }
0x83: {  	_ =	shalt  }
0x84: {  	_ =	shalt  }
0x85: {  	_ =	shalt  }
0x86: {  	_ =	shalt  }
0x87: {  	_ =	shalt  }
.Lfunc_end0:
.L_simem_size_0:
called_computation.2_lowered:
.L_overlay_start_0:
0x88: {  	s2 =	sld [smem:$0x3FD9]  }
0x89: {  	s3 =	sld [smem:$0x3FFE];
	_ =	sdelay $0x1  }
0x8a: {  	s1 =	srdreg.scid  }
0x8b: {  	s0 =	sand.u32 $0x1, s1  }
0x8c: {  	s16 =	sshll.u32 s0, $0xA;
	s2 =	sadd.s32 s3, s2  }
0x8d: {  	s2 =	sadd.s32 s2, s16  }
0x8e: {  	[smem:$0x3FBA] =	sst s2  }
0x8f: {  	_ = 	snop  }
0x90: {  	(tm) =	ssettm $0x1  }
0x91: {  	s17 =	sld [smem:$0x3FFB];
	_ =	sdelay $0x3  }
0x92: {  	_ =	strace s17  }
0x93: {  	s2 =	sld [smem:$0x3FFC];
	_ =	sdelay $0x3  }
0x94: {  	_ =	strace s2  }
0x95: {  	s2 =	sld [smem:$0x3FFD];
	_ =	sdelay $0x3  }
0x96: {  	_ =	strace s2  }
0x97: {  	_ =	strace $0x8FFFFFFF  }
0x98: {  	s18 =	sld [smem:$0x3FDB];
	_ =	sdelay $0x1  }
0x99: {  	s19 =	simm.s32 $_scs_section_size  }
0x9a: {  	s4 =	simm.s32 $_size__tile_overlayer_lowered;
	s5 =	simm.s32 $_tile_overlayer_lowered  }
0x9b: {  	s22 =	simm.s32 $0x1BFF;
	s21 =	sshll.u32 s5, $0x1;
	s2 =	sadd.s32 s19, s18  }
0x9c: {  	s6 =	simm.s32 $0x0;
	s20 =	sshll.u32 s4, $0x1;
	s4 =	sadd.s32 s21, s2  }
0x9d: {  	[timem:s6], [sflag:s22] =	dma.local [hbm:s4], s20  }
0x9e: {  	_ =	swait.ge [sflag:s22], s20  }
0x9f: {  	s3 =	ssub.s32 $0x0, s20;
	[sflag:s22] =	ssyncset.done $0x0  }
0xa0: {  	[sflag:s22] =	ssyncadd.s32 s3;
	_ =	sdelay $0x1  }
0xa1: {  	s23 =	simm.s32 $0x1B8B  }
0xa2: {  	_ =	swait.ge [sflag:s23], $0x1  }
0xa3: {  	[sflag:s23] =	ssyncset.done $0x0  }
0xa4: {  	s25 =	simm.s32 $0x1B8E;
	s24 =	sld [smem:$0x3FFE];
	[sflag:s23] =	ssyncadd.s32 $0xFFFFFFFF  }
0xa5: {  	s26 =	simm.s32 $execute0_lowered;
	[smem:$0x3FD2] =	sst s25  }
0xa6: {  	s4 =	sshll.u32 s26, $0x1;
	_ =	strace $0x8000004C;
	[dreg:$0x1] =	wrdreg $0xFFFFFFFF  }
0xa7: {  	s28 =	simm.s32 $_size_execute0_lowered;
	s2 =	sadd.s32 s2, s4;
	[dreg:$0x0] =	wrdreg $0x0  }
0xa8: {  	s4 =	sshll.u32 s28, $0x1;
	[dreg:$0x2] =	wrdreg s2  }
0xa9: {  	[dreg:$0x3] =	wrdreg s4  }
0xaa: {  	[dreg:$0x4] =	wrdreg $0xC0  }
0xab: {  	_ =	task [dreg:s6], $0x5FFFF  }
0xac: {  	[dreg:$0x1] =	wrdreg $0xFFFFFFFF  }
0xad: {  	[dreg:$0x0] =	wrdreg $0x60  }
0xae: {  	[dreg:$0x2] =	wrdreg s24  }
0xaf: {  	[dreg:$0x3] =	wrdreg $0x126600  }
0xb0: {  	[dreg:$0x4] =	wrdreg $0x8A200  }
0xb1: {  	[dreg:$0x5] =	wrdreg $0x9  }
0xb2: {  	_ =	task.clear_ibuf [dreg:s6], $0x6FFFF;
	_ =	strace $0x9000004C  }
0xb3: {  	s29 =	simm.s32 $0x9;
	_ =	strace $0x8000004E  }
0xb4: {  	_ =	swait.ge [sflag:s29], $0x1  }
0xb5: {  	[sflag:s29] =	ssyncadd.s32 $0xFFFFFFFF  }
0xb6: {  	_ =	strace $0x9000004E  }
0xb7: {  	_ =	sfence  }
0xb8: {  	s30 =	sld [smem:$0x0];
	_ =	sdelay $0x2  }
0xb9: {  	s31 =	sshll.u32 s1, $0xD;
	s1 =	sshrl.u32 s1, $0x2  }
0xba: {  	s3 =	sand.u32 $0x4000, s31;
	s1 =	sadd.s32 s1, s30  }
0xbb: {  	s0 =	sor.u32 s3, s0;
	s1 =	sshll.u32 s1, $0x11  }
0xbc: {  	s0 =	sor.u32 s1, s0  }
0xbd: {  	s0 =	sadd.s32 $0x8F2B, s0  }
0xbe: {  	[sflag:s0] =	ssyncadd.remote.s32 $0x1  }
0xbf: {  	_ =	sfence.sel $0xFFFF  }
0xc0: {  	[dreg:$0x0] =	wrdreg $0xFFFFFFFF;
	(pc) =	sbr.abs _section_cstart, $3  }
0xc1: {  	[dreg:$0x1] =	wrdreg $0xFFFFFFFF  }
0xc2: {  	_ =	task.clear_ibuf [dreg:s6], $0x2FFFF;
	_ =	strace $0x9FFFFFFF  }
0xc3: {  	(tm) =	ssettm $0x7FFFFFFF  }
tec
execute0_lowered:
.L_overlay_start_1:
0x0: {  	(tag) =	ssettag $0x1  }
0x1: {  	s0 =	rddreg [dreg:$0x0]  }
0x2: {  	s1 =	srdreg.scid;
	s2 =	rddreg [dreg:$0x1]  }
0x3: {  	s13 =	stileid.u32;
	s3 =	rddreg [dreg:$0x2]  }
0x4: {  	s4 =	simm.s32 $0x0;
	s16 =	simm.s32 $0x50;
	s17 =	simm.s32 $0x4E20  }
0x5: {  	s18 =	simm.s32 $0x6220;
	s20 =	simm.s32 $0x7620;
	s6 =	smul.u32 $0x2710, s13  }
0x6: {  	s28 =	simm.s32 $0x26C0;
	s29 =	simm.s32 $0x4D30;
	s8 =	smul.u32 $0xFA00, s13  }
0x7: {  	s30 =	simm.s32 $0x4D80;
	s1 =	sand.u32 $0x1, s1;
	s7 =	smul.u32 $0xA000, s13  }
0x8: {  	s31 =	simm.s32 $0x4DD0;
	[smem:$0x7FF] =	sst s4;
	s5 =	smul.u32 $0x27100, s1  }
0x9: {  	p0 =	sgt.u32 s13, $0x9;
	s26 =	sshll.u32 s13, $0x6;
	s9 =	smul.u32 $0xA0000, s1  }
0xa: {  	_ =	strace $0x8000004D;
	s1 =	ssub.s32 $0x2, s1;
	s13 =	sor.u32 $0x1C04, s26  }
0xb: {  	s26 =	simm.s32 $0x4CE0;
	s21 =	sshrl.u32 s8, $0x3;
	s23 =	sshrl.u32 s7, $0x3  }
0xc: {  	s25 =	sshrl.u32 s1, $0x1;
	s12 =	sadd.s32 s7, s2;
	s15 =	sadd.s32 s8, s3  }
0xd: {  	s5 =	sadd.s32 s6, s5;
	s10 =	sadd.s32 s21, s0;
	s9 =	sadd.s32 s7, s9  }
0xe: {  	s11 =	sadd.s32 s23, s0;
	s1 =	ssub.s32 s1, s25;
	s14 =	sshrl.u32 s12, $0x3  }
0xf: {  	s15 =	sshrl.u32 @!p0 s15, $0x3;
	s21 =	simm.s32 $0x1;
	s23 =	simm.s32 $0x3  }
0x10: {  	s25 =	simm.s32 $0x2670;
	s5 =	sshrl.u32 s5, $0x3;
	s24 =	sshrl.u32 s9, $0x3  }
0x11: {  	s7 =	sadd.s32 $0x2FC00, s11;
	s8 =	sadd.s32 $0x1C200, s10;
	s10 =	smax.u32 s1, $0x1  }
0x12: {  	s11 =	simm.s32 $0x4;
	s1 =	simm.s32 $0x0;
	s22 =	sadd.s32 s5, s0  }
0x13: {  	s0 =	sadd.s32 s24, s0;
	s24 =	simm.s32 $0x4C90;
	s5 =	sadd.s32 $0x3600, s22  }
0x14: {  	s6 =	sadd.s32 $0xD400, s22;
	s9 =	sadd.s32 $0x9D400, s0;
	s22 =	simm.s32 $0x2  }
.LBB2_1:
0x15: {  	[tilespmem:s4], [sflag:$0x4] =	stream.linear.gather [hbm4b:s5+s4], $0x2710, $0x38;
	[tilespmem:$0x1C660] =	vst v63  }
0x16: {  	_ =	swait.ge [sflag:s11], $0x2710  }
0x17: {  	[sflag:s11] =	ssyncset.done $0x0  }
0x18: {  	s0 =	simm.s32 $0x2710;
	[sflag:s11] =	ssyncadd.s32 $0xFFFFD8F0  }
0x19: {  	[tilespmem:s0], [sflag:$0x4] =	stream.linear.gather [hbm4b:s6+s4], $0x2710, $0x38;
	[tilespmem:$0x1C660] =	vst v63  }
0x1a: {  	_ =	swait.ge [sflag:s11], $0x2710  }
0x1b: {  	[sflag:s11] =	ssyncset.done $0x0  }
0x1c: {  	[sflag:s11] =	ssyncadd.s32 $0xFFFFD8F0  }
0x1d: {  	[spmem:s14], [sflag:s13] =	dma.local [hbm:s7], $0x1400  }
0x1e: {  	_ =	swait.ge [sflag:s11], $0x1400  }
0x1f: {  	[sflag:s11] =	ssyncset.done $0x0  }
0x20: {  	s0 =	simm.s32 @!p0 $0x4;
	[sflag:s11] =	ssyncadd.s32 $0xFFFFEC00  }
0x21: {  	[spmem:s15], [sflag:s13] =	dma.local @!p0 [hbm:s8], $0x1F40  }
0x22: {  	_ =	swait.ge @!p0 [sflag:s0], $0x1F40  }
0x23: {  	[sflag:s0] =	ssyncset.done @!p0 $0x0  }
0x24: {  	[sflag:s0] =	ssyncadd.s32 @!p0 $0xFFFFE0C0  }
0x25: {  	[bflag:$0x0] =	sbarrier.arrive $0xFFFF  }
0x26: {  	[tilespmem:s17], [sflag:$0x1] =	stream.indirect.gather [spmem:s3], $0x40, s4, s16, $0xb8;
	[tilespmem:$0x1C660] =	vst v63  }
0x27: {  	_ = 	snop  }
0x28: {  	[tilespmem:s18], [sflag:$0x2] =	stream.indirect.gather [spmem:s3], $0x40, s16, s16, $0xb8;
	[tilespmem:$0x1C660] =	vst v63  }
0x29: {  	s12 =	simm.s32 $0xA0  }
0x2a: {  	[tilespmem:s20], [sflag:$0x3] =	stream.indirect.gather [spmem:s3], $0x40, s12, s16, $0xb8;
	[tilespmem:$0x1C660] =	vst v63  }
0x2b: {  	_ =	swait.ge [sflag:s21], $0x1400  }
0x2c: {  	[sflag:s21] =	ssyncset.done $0x0  }
0x2d: {  	s19 =	simm.s32 $0x2710;
	[sflag:s21] =	ssyncadd.s32 $0xFFFFEC00  }
0x2e: {  	[spmem:s2] =	stream.indirect.scatter.add.f32 [tilespmem:s17], [sflag:$0x4], $0x40, s19, s16, $0xb8;
	[tilespmem:$0x1C660] =	vst v63  }
0x2f: {  	_ =	swait.ge [sflag:s11], $0x1400  }
0x30: {  	[sflag:s11] =	ssyncset.done $0x0  }
0x31: {  	s12 =	simm.s32 $0xF0;
	[sflag:s11] =	ssyncadd.s32 $0xFFFFEC00  }
0x32: {  	[tilespmem:s17], [sflag:$0x1] =	stream.indirect.gather [spmem:s3], $0x40, s12, s16, $0xb8;
	[tilespmem:$0x1C660] =	vst v63  }
0x33: {  	_ =	swait.ge [sflag:s22], $0x1400  }
0x34: {  	[sflag:s22] =	ssyncset.done $0x0  }
0x35: {  	s19 =	simm.s32 $0x2760;
	[sflag:s22] =	ssyncadd.s32 $0xFFFFEC00  }
0x36: {  	[spmem:s2] =	stream.indirect.scatter.add.f32 [tilespmem:s18], [sflag:$0x4], $0x40, s19, s16, $0xb8;
	[tilespmem:$0x1C660] =	vst v63  }
0x37: {  	_ =	swait.ge [sflag:s11], $0x1400  }
0x38: {  	[sflag:s11] =	ssyncset.done $0x0  }
0x39: {  	s12 =	simm.s32 $0x140;
	[sflag:s11] =	ssyncadd.s32 $0xFFFFEC00  }
0x3a: {  	[tilespmem:s18], [sflag:$0x2] =	stream.indirect.gather [spmem:s3], $0x40, s12, s16, $0xb8;
	[tilespmem:$0x1C660] =	vst v63  }
0x3b: {  	_ =	swait.ge [sflag:s23], $0x1400  }
0x3c: {  	[sflag:s23] =	ssyncset.done $0x0  }
0x3d: {  	s19 =	simm.s32 $0x27B0;
	[sflag:s23] =	ssyncadd.s32 $0xFFFFEC00  }
0x3e: {  	[spmem:s2] =	stream.indirect.scatter.add.f32 [tilespmem:s20], [sflag:$0x4], $0x40, s19, s16, $0xb8;
	[tilespmem:$0x1C660] =	vst v63  }
0x3f: {  	_ =	swait.ge [sflag:s11], $0x1400  }
0x40: {  	[sflag:s11] =	ssyncset.done $0x0  }
0x41: {  	s0 =	simm.s32 $0x3C0;
	s12 =	simm.s32 $0x190;
	[sflag:s11] =	ssyncadd.s32 $0xFFFFEC00  }
.LBB2_2:
0x42: {  	[tilespmem:s20], [sflag:$0x3] =	stream.indirect.gather [spmem:s3], $0x40, s12, s16, $0xb8;
	[tilespmem:$0x1C660] =	vst v63  }
0x43: {  	s12 =	smov.u32 s0  }
0x44: {  	p1 =	sne.s32 s0, $0x9240;
	s0 =	sadd.s32 $0x3C0, s0;
	_ =	swait.ge [sflag:s21], $0x1400  }
0x45: {  	s12 =	sshra.s32 s12, $0x2;
	[sflag:s21] =	ssyncset.done $0x0  }
0x46: {  	s19 =	sadd.s32 $0x2710, s12;
	[sflag:s21] =	ssyncadd.s32 $0xFFFFEC00  }
0x47: {  	[spmem:s2] =	stream.indirect.scatter.add.f32 [tilespmem:s17], [sflag:$0x4], $0x40, s19, s16, $0xb8;
	[tilespmem:$0x1C660] =	vst v63  }
0x48: {  	_ =	swait.ge [sflag:s11], $0x1400  }
0x49: {  	[sflag:s11] =	ssyncset.done $0x0  }
0x4a: {  	s19 =	sadd.s32 $0xF0, s12;
	[sflag:s11] =	ssyncadd.s32 $0xFFFFEC00  }
0x4b: {  	[tilespmem:s17], [sflag:$0x1] =	stream.indirect.gather [spmem:s3], $0x40, s19, s16, $0xb8;
	[tilespmem:$0x1C660] =	vst v63  }
0x4c: {  	_ =	swait.ge [sflag:s22], $0x1400  }
0x4d: {  	[sflag:s22] =	ssyncset.done $0x0  }
0x4e: {  	s19 =	sadd.s32 $0x2760, s12;
	[sflag:s22] =	ssyncadd.s32 $0xFFFFEC00  }
0x4f: {  	[spmem:s2] =	stream.indirect.scatter.add.f32 [tilespmem:s18], [sflag:$0x4], $0x40, s19, s16, $0xb8;
	[tilespmem:$0x1C660] =	vst v63  }
0x50: {  	_ =	swait.ge [sflag:s11], $0x1400  }
0x51: {  	[sflag:s11] =	ssyncset.done $0x0  }
0x52: {  	s19 =	sadd.s32 $0x140, s12;
	[sflag:s11] =	ssyncadd.s32 $0xFFFFEC00  }
0x53: {  	[tilespmem:s18], [sflag:$0x2] =	stream.indirect.gather [spmem:s3], $0x40, s19, s16, $0xb8;
	[tilespmem:$0x1C660] =	vst v63  }
0x54: {  	_ =	swait.ge [sflag:s23], $0x1400  }
0x55: {  	[sflag:s23] =	ssyncset.done $0x0  }
.Ltmp0:
0x56: {  	s19 =	sadd.s32 $0x27B0, s12;
	[sflag:s23] =	ssyncadd.s32 $0xFFFFEC00;
	(pc) =	sbr.rel @p1 .LBB2_2-.Ltmp0, $4  }
0x57: {  	[spmem:s2] =	stream.indirect.scatter.add.f32 [tilespmem:s20], [sflag:$0x4], $0x40, s19, s16, $0xb8;
	[tilespmem:$0x1C660] =	vst v63  }
0x58: {  	_ =	swait.ge [sflag:s11], $0x1400  }
0x59: {  	[sflag:s11] =	ssyncset.done $0x0  }
0x5a: {  	s12 =	sadd.s32 $0x190, s12;
	[sflag:s11] =	ssyncadd.s32 $0xFFFFEC00  }
0x5b: {  	[tilespmem:s20], [sflag:$0x3] =	stream.indirect.gather [spmem:s3], $0x40, s12, s16, $0xb8;
	[tilespmem:$0x1C660] =	vst v63  }
0x5c: {  	_ =	swait.ge [sflag:s21], $0x1400  }
0x5d: {  	[sflag:s21] =	ssyncset.done $0x0  }
0x5e: {  	[sflag:s21] =	ssyncadd.s32 $0xFFFFEC00  }
0x5f: {  	[spmem:s2] =	stream.indirect.scatter.add.f32 [tilespmem:s17], [sflag:$0x4], $0x40, s24, s16, $0xb8;
	[tilespmem:$0x1C660] =	vst v63  }
0x60: {  	_ =	swait.ge [sflag:s11], $0x1400  }
0x61: {  	[sflag:s11] =	ssyncset.done $0x0  }
0x62: {  	[sflag:s11] =	ssyncadd.s32 $0xFFFFEC00  }
0x63: {  	[tilespmem:s17], [sflag:$0x1] =	stream.indirect.gather [spmem:s3], $0x40, s25, s16, $0xb8;
	[tilespmem:$0x1C660] =	vst v63  }
0x64: {  	_ =	swait.ge [sflag:s22], $0x1400  }
0x65: {  	[sflag:s22] =	ssyncset.done $0x0  }
0x66: {  	[sflag:s22] =	ssyncadd.s32 $0xFFFFEC00  }
0x67: {  	[spmem:s2] =	stream.indirect.scatter.add.f32 [tilespmem:s18], [sflag:$0x4], $0x40, s26, s16, $0xb8;
	[tilespmem:$0x1C660] =	vst v63  }
0x68: {  	_ =	swait.ge [sflag:s11], $0x1400  }
0x69: {  	[sflag:s11] =	ssyncset.done $0x0  }
0x6a: {  	[sflag:s11] =	ssyncadd.s32 $0xFFFFEC00  }
0x6b: {  	[tilespmem:s18], [sflag:$0x2] =	stream.indirect.gather [spmem:s3], $0x40, s28, s16, $0xb8;
	[tilespmem:$0x1C660] =	vst v63  }
0x6c: {  	_ =	swait.ge [sflag:s23], $0x1400  }
0x6d: {  	[sflag:s23] =	ssyncset.done $0x0  }
0x6e: {  	[sflag:s23] =	ssyncadd.s32 $0xFFFFEC00  }
0x6f: {  	[spmem:s2] =	stream.indirect.scatter.add.f32 [tilespmem:s20], [sflag:$0x4], $0x40, s29, s16, $0xb8;
	[tilespmem:$0x1C660] =	vst v63  }
0x70: {  	_ =	swait.ge [sflag:s11], $0x1400  }
0x71: {  	[sflag:s11] =	ssyncset.done $0x0  }
0x72: {  	[sflag:s11] =	ssyncadd.s32 $0xFFFFEC00  }
0x73: {  	_ =	swait.ge [sflag:s21], $0x1400  }
0x74: {  	[sflag:s21] =	ssyncset.done $0x0  }
0x75: {  	[sflag:s21] =	ssyncadd.s32 $0xFFFFEC00  }
0x76: {  	[spmem:s2] =	stream.indirect.scatter.add.f32 [tilespmem:s17], [sflag:$0x4], $0x40, s30, s16, $0xb8;
	[tilespmem:$0x1C660] =	vst v63  }
0x77: {  	_ =	swait.ge [sflag:s11], $0x1400  }
0x78: {  	[sflag:s11] =	ssyncset.done $0x0  }
0x79: {  	[sflag:s11] =	ssyncadd.s32 $0xFFFFEC00  }
0x7a: {  	_ =	swait.ge [sflag:s22], $0x1400  }
0x7b: {  	[sflag:s22] =	ssyncset.done $0x0  }
0x7c: {  	[sflag:s22] =	ssyncadd.s32 $0xFFFFEC00  }
0x7d: {  	[spmem:s2] =	stream.indirect.scatter.add.f32 [tilespmem:s18], [sflag:$0x4], $0x40, s31, s16, $0xb8;
	[tilespmem:$0x1C660] =	vst v63  }
0x7e: {  	_ =	swait.ge [sflag:s11], $0x1400  }
0x7f: {  	s1 =	sadd.s32 $0x1, s1;
	[sflag:s11] =	ssyncset.done $0x0  }
0x80: {  	p1 =	sne.s32 s1, s10;
	[sflag:s11] =	ssyncadd.s32 $0xFFFFEC00  }
.Ltmp1:
0x81: {  	[bflag:$0x0] =	sbarrier.arrive $0xFFFF;
	(pc) =	sbr.rel @p1 .LBB2_1-.Ltmp1, $4  }
0x82: {  	[hbm:s9], [sflag:s13] =	dma.local [spmem:s14], $0x1400  }
0x83: {  	_ =	swait.ge [sflag:s11], $0x1400  }
0x84: {  	[sflag:s11] =	ssyncset.done $0x0  }
0x85: {  	[sflag:s11] =	ssyncadd.s32 $0xFFFFEC00  }
0x86: {  	_ =	sfence.sel $0x180000  }
0x87: {  	[bflag:$0x0] =	sbarrier.arrive $0xFFFF  }
0x88: {  	_ =	strace $0x9000004D  }
0x89: {  	s0 =	stileid.u32;
	[bflag:$0x2] =	sbarrier.arrive $0xFFFF  }
0x8a: {  	p0 =	sne.s32 s0, $0x0;
	s0 =	rddreg [dreg:$0x3]  }
0x8b: {  	s0 =	sadd.s32 @!p0 $0x100000, s0  }
0x8c: {  	[sflag:s0] =	ssyncadd.tile.s32 @!p0 $0x1;
	_ =	shalt  }
.Lfunc_end2:
_tile_overlayer_lowered:
.L_overlay_start_2:
0x8d: {  	(tag) =	ssettag $0x2  }
0x8e: {  	s0 =	rddreg [dreg:$0x0];
	s2 =	stileid.u32  }
0x8f: {  	s1 =	rddreg [dreg:$0x1];
	p0 =	sne.s32 s2, $0x0  }
0x90: {  	s3 =	rddreg [dreg:$0x2];
	[bflag:$0x3] =	sbarrier.arrive $0xFFFF;
	s2 =	simm.s32 @!p0 $0x1C04  }
0x91: {  	[timem:s3], [sflag:s2] =	dma.local @!p0 [hbm:s0], s1  }
0x92: {  	s0 =	simm.s32 @!p0 $0x4  }
0x93: {  	_ =	swait.ge @!p0 [sflag:s0], s1  }
0x94: {  	s1 =	ssub.s32 @!p0 $0x0, s1;
	[sflag:s0] =	ssyncset.done @!p0 $0x0  }
0x95: {  	[sflag:s0] =	ssyncadd.s32 @!p0 s1  }
0x96: {  	[bflag:$0x3] =	sbarrier.arrive $0xFFFF  }
0x97: {  	_ =	shalt  }

// kernel: kernel.20.cloned.1.call-start
scs
__scs_entry_jumppad:
0x0: {  	(pc) =	sbr.rel $0x88, $3  }
0x1: {  	(tag) =	ssettag $0x0;
	lr =	simm.s32 $0x1  }
0x2: {  	[smem:$0x3F93] =	sst lr;
	_ =	strace $0xD0000000  }
0x3: {  	_ = 	snop  }
0x4: {  	_ = 	snop  }
0x5: {  	_ = 	snop  }
0x6: {  	_ = 	snop  }
0x7: {  	_ = 	snop  }
__scs_overlays_trampoline_lowered:
0x8: {  	[smem:$0x3FA2] =	sst s0  }
0x9: {  	[smem:$0x3FA3] =	sst s1  }
0xa: {  	[smem:$0x3FA4] =	sst s2  }
0xb: {  	[smem:$0x3FA5] =	sst s3  }
0xc: {  	[smem:$0x3FA6] =	sst s4  }
0xd: {  	[smem:$0x3FA7] =	sst s5  }
0xe: {  	[smem:$0x3FA8] =	sst s6  }
0xf: {  	[smem:$0x3FA9] =	sst s7  }
0x10: {  	[smem:$0x3FAA] =	sst s8  }
0x11: {  	[smem:$0x3FAB] =	sst s9;
	s0 =	simm.s32 @!p0 $0x0  }
0x12: {  	s1 =	sld [smem:$0x3F91];
	s0 =	simm.s32 @p0 $0x1  }
0x13: {  	[smem:$0x3FAC] =	sst s0;
	s0 =	simm.s32 @!p1 $0x0  }
0x14: {  	s2 =	sld [smem:$0x3F90];
	s0 =	simm.s32 @p1 $0x1  }
0x15: {  	[smem:$0x3FAD] =	sst s0;
	s0 =	simm.s32 @!p2 $0x0  }
0x16: {  	s3 =	sld [smem:$0x3FDB];
	s0 =	simm.s32 @p2 $0x1  }
0x17: {  	s4 =	simm.s32 $0x1BF5;
	[smem:$0x3FAF] =	sst s0  }
0x18: {  	s0 =	sld [smem:$0x3F92];
	_ =	swait.ge [sflag:s4], $0x0  }
0x19: {  	s7 =	sld [smem:$0x3F93]  }
0x1a: {  	s8 =	sadd.s32 $0xFFFFE003, lr  }
0x1b: {  	s9 =	sadd.s32 $0xFFFFFEF7, lr;
	s5 =	simm.s32 $0xFFFFFFFF;
	p2 =	slt.u32 s8, $0xFFFFF086  }
0x1c: {  	p1 =	slt.u32 s9, $0xF7A;
	s5 =	simm.s32 @!p2 $0x0  }
0x1d: {  	s5 =	simm.s32 @p1 $0x1;
	p0 =	seq.s32 s7, s2  }
0x1e: {  	s7 =	smul.u32 @!p0 $0xF7A, s2;
	p2 =	seq.s32 @!p0 s5, $0x0  }
0x1f: {  	s9 =	smul.u32 $0xF7A, s1;
	s8 =	simm.s32 @!p0 $0x1BF5;
	p2 =	por !p2, p0  }
0x20: {  	[sflag:s8] =	ssyncset.s32 @!p0 $0xFFFFF086;
	s6 =	sadd.s32 @!p0 s3, s7;
	s7 =	simm.s32 @!p0 $0x108  }
0x21: {  	s3 =	sadd.s32 s3, s9;
	s6 =	sadd.s32 @!p0 $0x88, s6;
	s7 =	simm.s32 @p2 $0x1082  }
0x22: {  	[simem:s7], [sflag:s8] =	dma.local @!p0 [hbm:s6], $0xF7A  }
0x23: {  	s9 =	sor.u32 $0xD0000000, s2;
	s6 =	simm.s32 $0x108;
	_ =	swait.ge @!p0 [sflag:s8], $0x0  }
0x24: {  	s3 =	sadd.s32 $0x88, s3;
	s6 =	simm.s32 @!p1 $0x1082;
	[sflag:s4] =	ssyncset.s32 $0xFFFFF086  }
0x25: {  	[simem:s6], [sflag:s4] =	dma.local [hbm:s3], $0xF7A  }
0x26: {  	[smem:$0x3F93] =	sst s1;
	(tag) =	ssettag s2;
	_ =	strace s9  }
0x27: {  	s1 =	sld [smem:$0x3FA3]  }
0x28: {  	s2 =	sld [smem:$0x3FA4]  }
0x29: {  	s4 =	sld [smem:$0x3FA6]  }
0x2a: {  	p0 =	seq.s32 s5, $0x0;
	s5 =	sld [smem:$0x3FA7]  }
0x2b: {  	s6 =	sld [smem:$0x3FA8]  }
0x2c: {  	s7 =	sld [smem:$0x3FA9]  }
0x2d: {  	s3 =	simm.s32 $0x108;
	s8 =	sld [smem:$0x3FAA]  }
0x2e: {  	s3 =	simm.s32 @!p0 $0x1082;
	s9 =	sld [smem:$0x3FAB]  }
0x2f: {  	lr =	sadd.s32 s0, s3;
	s0 =	sld [smem:$0x3FA2]  }
0x30: {  	s3 =	sld [smem:$0x3FA5]  }
0x31: {  	[smem:$0x3FAE] =	sst s10  }
0x32: {  	s10 =	sld [smem:$0x3FAC];
	_ =	sdelay $0x3  }
0x33: {  	p0 =	seq.s32 s10, $0x1;
	s10 =	sld [smem:$0x3FAE];
	_ =	sdelay $0x3  }
0x34: {  	[smem:$0x3FAE] =	sst s10  }
0x35: {  	s10 =	sld [smem:$0x3FAD];
	_ =	sdelay $0x3  }
0x36: {  	p1 =	seq.s32 s10, $0x1;
	s10 =	sld [smem:$0x3FAE];
	_ =	sdelay $0x3  }
0x37: {  	[smem:$0x3FAE] =	sst s10  }
0x38: {  	s10 =	sld [smem:$0x3FAF]  }
0x39: {  	_ = 	snop;
	(pc) =	sbr.ind lr, $3  }
0x3a: {  	_ = 	snop  }
0x3b: {  	_ = 	snop  }
0x3c: {  	p2 =	seq.s32 s10, $0x1;
	s10 =	sld [smem:$0x3FAE]  }
0x3d: {  	_ =	shalt  }
0x3e: {  	_ =	shalt  }
0x3f: {  	_ =	shalt  }
0x40: {  	_ =	shalt  }
0x41: {  	_ =	shalt  }
0x42: {  	_ =	shalt  }
0x43: {  	_ =	shalt  }
0x44: {  	_ =	shalt  }
0x45: {  	_ =	shalt  }
0x46: {  	_ =	shalt  }
0x47: {  	_ =	shalt  }
0x48: {  	_ =	shalt  }
0x49: {  	_ =	shalt  }
0x4a: {  	_ =	shalt  }
0x4b: {  	_ =	shalt  }
0x4c: {  	_ =	shalt  }
0x4d: {  	_ =	shalt  }
0x4e: {  	_ =	shalt  }
0x4f: {  	_ =	shalt  }
0x50: {  	_ =	shalt  }
0x51: {  	_ =	shalt  }
0x52: {  	_ =	shalt  }
0x53: {  	_ =	shalt  }
0x54: {  	_ =	shalt  }
0x55: {  	_ =	shalt  }
0x56: {  	_ =	shalt  }
0x57: {  	_ =	shalt  }
0x58: {  	_ =	shalt  }
0x59: {  	_ =	shalt  }
0x5a: {  	_ =	shalt  }
0x5b: {  	_ =	shalt  }
0x5c: {  	_ =	shalt  }
0x5d: {  	_ =	shalt  }
0x5e: {  	_ =	shalt  }
0x5f: {  	_ =	shalt  }
0x60: {  	_ =	shalt  }
0x61: {  	_ =	shalt  }
0x62: {  	_ =	shalt  }
0x63: {  	_ =	shalt  }
0x64: {  	_ =	shalt  }
0x65: {  	_ =	shalt  }
0x66: {  	_ =	shalt  }
0x67: {  	_ =	shalt  }
0x68: {  	_ =	shalt  }
0x69: {  	_ =	shalt  }
0x6a: {  	_ =	shalt  }
0x6b: {  	_ =	shalt  }
0x6c: {  	_ =	shalt  }
0x6d: {  	_ =	shalt  }
0x6e: {  	_ =	shalt  }
0x6f: {  	_ =	shalt  }
0x70: {  	_ =	shalt  }
0x71: {  	_ =	shalt  }
0x72: {  	_ =	shalt  }
0x73: {  	_ =	shalt  }
0x74: {  	_ =	shalt  }
0x75: {  	_ =	shalt  }
0x76: {  	_ =	shalt  }
0x77: {  	_ =	shalt  }
0x78: {  	_ =	shalt  }
0x79: {  	_ =	shalt  }
0x7a: {  	_ =	shalt  }
0x7b: {  	_ =	shalt  }
0x7c: {  	_ =	shalt  }
0x7d: {  	_ =	shalt  }
0x7e: {  	_ =	shalt  }
0x7f: {  	_ =	shalt  }
0x80: {  	_ =	shalt  }
0x81: {  	_ =	shalt  }
0x82: {  	_ =	shalt  }
0x83: {  	_ =	shalt  }
0x84: {  	_ =	shalt  }
0x85: {  	_ =	shalt  }
0x86: {  	_ =	shalt  }
0x87: {  	_ =	shalt  }
.Lfunc_end0:
.L_simem_size_0:
called_computation.3_lowered:
.L_overlay_start_0:
0x88: {  	s2 =	sld [smem:$0x3FD9]  }
0x89: {  	s3 =	sld [smem:$0x3FFE];
	_ =	sdelay $0x1  }
0x8a: {  	s1 =	srdreg.scid  }
0x8b: {  	s0 =	sand.u32 $0x1, s1  }
0x8c: {  	s16 =	sshll.u32 s0, $0xA;
	s2 =	sadd.s32 s3, s2  }
0x8d: {  	s2 =	sadd.s32 s2, s16  }
0x8e: {  	[smem:$0x3FBA] =	sst s2  }
0x8f: {  	_ = 	snop  }
0x90: {  	(tm) =	ssettm $0x1  }
0x91: {  	s17 =	sld [smem:$0x3FFB];
	_ =	sdelay $0x3  }
0x92: {  	_ =	strace s17  }
0x93: {  	s2 =	sld [smem:$0x3FFC];
	_ =	sdelay $0x3  }
0x94: {  	_ =	strace s2  }
0x95: {  	s2 =	sld [smem:$0x3FFD];
	_ =	sdelay $0x3  }
0x96: {  	_ =	strace s2  }
0x97: {  	_ =	strace $0x8FFFFFFF  }
0x98: {  	s18 =	sld [smem:$0x3FDB];
	_ =	sdelay $0x1  }
0x99: {  	s19 =	simm.s32 $_scs_section_size  }
0x9a: {  	s4 =	simm.s32 $_size__tile_overlayer_lowered;
	s5 =	simm.s32 $_tile_overlayer_lowered  }
0x9b: {  	s22 =	simm.s32 $0x1BFF;
	s21 =	sshll.u32 s5, $0x1;
	s2 =	sadd.s32 s19, s18  }
0x9c: {  	s6 =	simm.s32 $0x0;
	s20 =	sshll.u32 s4, $0x1;
	s4 =	sadd.s32 s21, s2  }
0x9d: {  	[timem:s6], [sflag:s22] =	dma.local [hbm:s4], s20  }
0x9e: {  	_ =	swait.ge [sflag:s22], s20  }
0x9f: {  	s3 =	ssub.s32 $0x0, s20;
	[sflag:s22] =	ssyncset.done $0x0  }
0xa0: {  	[sflag:s22] =	ssyncadd.s32 s3;
	_ =	sdelay $0x1  }
0xa1: {  	s23 =	simm.s32 $0x1B8B  }
0xa2: {  	_ =	swait.ge [sflag:s23], $0x1  }
0xa3: {  	[sflag:s23] =	ssyncset.done $0x0  }
0xa4: {  	s25 =	simm.s32 $0x1B8E;
	s24 =	sld [smem:$0x3FFE];
	[sflag:s23] =	ssyncadd.s32 $0xFFFFFFFF  }
0xa5: {  	s26 =	simm.s32 $execute0_lowered;
	[smem:$0x3FD2] =	sst s25  }
0xa6: {  	s4 =	sshll.u32 s26, $0x1;
	_ =	strace $0x8000004F;
	[dreg:$0x1] =	wrdreg $0xFFFFFFFF  }
0xa7: {  	s28 =	simm.s32 $_size_execute0_lowered;
	s2 =	sadd.s32 s2, s4;
	[dreg:$0x0] =	wrdreg $0x0  }
0xa8: {  	s4 =	sshll.u32 s28, $0x1;
	[dreg:$0x2] =	wrdreg s2  }
0xa9: {  	[dreg:$0x3] =	wrdreg s4  }
0xaa: {  	[dreg:$0x4] =	wrdreg $0xC0  }
0xab: {  	_ =	task [dreg:s6], $0x5FFFF  }
0xac: {  	[dreg:$0x1] =	wrdreg $0xFFFFFFFF  }
0xad: {  	[dreg:$0x0] =	wrdreg $0x60  }
0xae: {  	[dreg:$0x2] =	wrdreg s24  }
0xaf: {  	[dreg:$0x3] =	wrdreg $0x7A300  }
0xb0: {  	[dreg:$0x4] =	wrdreg $0x9  }
0xb1: {  	_ =	task.clear_ibuf [dreg:s6], $0x5FFFF;
	_ =	strace $0x9000004F  }
0xb2: {  	s29 =	simm.s32 $0x9;
	_ =	strace $0x80000051  }
0xb3: {  	_ =	swait.ge [sflag:s29], $0x1  }
0xb4: {  	[sflag:s29] =	ssyncadd.s32 $0xFFFFFFFF  }
0xb5: {  	_ =	strace $0x90000051  }
0xb6: {  	_ =	sfence  }
0xb7: {  	s30 =	sld [smem:$0x0];
	_ =	sdelay $0x2  }
0xb8: {  	s31 =	sshll.u32 s1, $0xD;
	s1 =	sshrl.u32 s1, $0x2  }
0xb9: {  	s3 =	sand.u32 $0x4000, s31;
	s1 =	sadd.s32 s1, s30  }
0xba: {  	s0 =	sor.u32 s3, s0;
	s1 =	sshll.u32 s1, $0x11  }
0xbb: {  	s0 =	sor.u32 s1, s0  }
0xbc: {  	s0 =	sadd.s32 $0x8F2B, s0  }
0xbd: {  	[sflag:s0] =	ssyncadd.remote.s32 $0x1  }
0xbe: {  	_ =	sfence.sel $0xFFFF  }
0xbf: {  	[dreg:$0x0] =	wrdreg $0xFFFFFFFF;
	(pc) =	sbr.abs _section_cstart, $3  }
0xc0: {  	[dreg:$0x1] =	wrdreg $0xFFFFFFFF  }
0xc1: {  	_ =	task.clear_ibuf [dreg:s6], $0x2FFFF;
	_ =	strace $0x9FFFFFFF  }
0xc2: {  	(tm) =	ssettm $0x7FFFFFFF  }
0xc3: {  	_ =	shalt  }
tec
execute0_lowered:
.L_overlay_start_1:
0x0: {  	(tag) =	ssettag $0x1  }
0x1: {  	s6 =	rddreg [dreg:$0x0]  }
0x2: {  	s2 =	rddreg [dreg:$0x1]  }
0x3: {  	s0 =	srdreg.scid;
	s1 =	rddreg [dreg:$0x2]  }
0x4: {  	s3 =	simm.s32 $0x0;
	s12 =	simm.s32 $0x2710;
	s5 =	sand.u32 $0x1, s0  }
0x5: {  	s13 =	simm.s32 $0x4E20;
	s0 =	stileid.u32;
	s4 =	smul.u32 $0x27100, s5  }
0x6: {  	s14 =	simm.s32 $0x7530;
	s17 =	simm.s32 $0x50;
	s7 =	smul.u32 $0x2710, s0  }
0x7: {  	s18 =	simm.s32 $0x0;
	[smem:$0x7FF] =	sst s3;
	s8 =	smul.u32 $0x2800, s0  }
0x8: {  	s9 =	smul.u32 $0x28000, s5;
	_ =	strace $0x80000050;
	s10 =	ssub.s32 $0x2, s5  }
0x9: {  	s5 =	sadd.s32 $0x17200, s6;
	s15 =	sshll.u32 s0, $0x6;
	s11 =	sshrl.u32 s10, $0x1  }
0xa: {  	s15 =	sor.u32 $0x1C01, s15;
	s7 =	sadd.s32 s7, s4;
	s4 =	sadd.s32 $0x1C200, s6  }
0xb: {  	v0 =	vlaneseq.u32;
	s9 =	sadd.s32 s8, s9;
	s10 =	ssub.s32 s10, s11;
	s16 =	sadd.s32 s8, s2  }
0xc: {  	v0 =	vmul.u32 $0x10, v0;
	s8 =	sshrl.u32 s8, $0x3;
	s11 =	simm.s32 $0x1;
	s7 =	sshrl.u32 s7, $0x3  }
0xd: {  	s9 =	sshrl.u32 s9, $0x3;
	s8 =	sadd.s32 s5, s8;
	s10 =	smax.u32 s10, $0x1  }
0xe: {  	v1 =	vor.u32 $0x100, v0;
	s16 =	sshrl.u32 s16, $0x3;
	s7 =	sadd.s32 s7, s6;
	s9 =	sadd.s32 s9, s6  }
0xf: {  	v2 =	vor.u32 $0x200, v0;
	v3 =	vor.u32 $0x300, v0;
	v4 =	vor.u32 $0x400, v0;
	s6 =	sadd.s32 $0x3600, s7;
	s7 =	sadd.s32 $0xD400, s7;
	s9 =	sadd.s32 $0x1C800, s9  }
.LBB2_1:
0x10: {  	[tilespmem:s3], [sflag:$0x1] =	stream.linear.gather [hbm4b:s6+s3], $0x2710, $0x38;
	[tilespmem:$0xA230] =	vst v63  }
0x11: {  	_ =	swait.ge [sflag:s11], $0x2710  }
0x12: {  	[sflag:s11] =	ssyncset.done $0x0  }
0x13: {  	[sflag:s11] =	ssyncadd.s32 $0xFFFFD8F0  }
0x14: {  	[tilespmem:s12], [sflag:$0x1] =	stream.linear.gather [hbm4b:s7+s3], $0x2710, $0x38;
	[tilespmem:$0xA230] =	vst v63  }
0x15: {  	_ =	swait.ge [sflag:s11], $0x2710  }
0x16: {  	[sflag:s11] =	ssyncset.done $0x0  }
0x17: {  	[sflag:s11] =	ssyncadd.s32 $0xFFFFD8F0  }
0x18: {  	[tilespmem:s13], [sflag:$0x1] =	stream.linear.gather [hbm4b:s4+s3], $0x2710, $0x38;
	[tilespmem:$0xA230] =	vst v63  }
0x19: {  	_ =	swait.ge [sflag:s11], $0x2710  }
0x1a: {  	[sflag:s11] =	ssyncset.done $0x0  }
0x1b: {  	[sflag:s11] =	ssyncadd.s32 $0xFFFFD8F0  }
0x1c: {  	[tilespmem:s14], [sflag:$0x1] =	stream.linear.gather [hbm4b:s5+s3], $0x500, $0x38;
	[tilespmem:$0xA230] =	vst v63  }
0x1d: {  	_ =	swait.ge [sflag:s11], $0x500  }
0x1e: {  	[sflag:s11] =	ssyncset.done $0x0  }
0x1f: {  	[sflag:s11] =	ssyncadd.s32 $0xFFFFFB00  }
0x20: {  	[spmem:s16], [sflag:s15] =	dma.local [hbm:s8], $0x500  }
0x21: {  	_ =	swait.ge [sflag:s11], $0x500  }
0x22: {  	[sflag:s11] =	ssyncset.done $0x0  }
0x23: {  	[sflag:s11] =	ssyncadd.s32 $0xFFFFFB00  }
0x24: {  	s19 =	simm.s32 $0x0;
	[bflag:$0x0] =	sbarrier.arrive $0xFFFF  }
.LBB2_2:
0x25: {  	s20 =	sshra.s32 s19, $0x2  }
0x26: {  	v5 =	vld [tilespmem:s20+$0x0];
	_ =	sdelay $0x7  }
0x27: {  	v5 =	vld.idx.msk [tilespmem:v5+s13+$0x0], $0xffff;
	_ =	sdelay $0x4  }
0x28: {  	[tilespmem:v0+s14+$0x0] =	vst.idx.msk $0xffff, v5  }
0x29: {  	v5 =	vld [tilespmem:s20+$0x10];
	_ =	sdelay $0x7  }
0x2a: {  	v5 =	vld.idx.msk [tilespmem:v5+s13+$0x0], $0xffff;
	_ =	sdelay $0x4  }
0x2b: {  	[tilespmem:v1+s14+$0x0] =	vst.idx.msk $0xffff, v5  }
0x2c: {  	v5 =	vld [tilespmem:s20+$0x20];
	_ =	sdelay $0x7  }
0x2d: {  	v5 =	vld.idx.msk [tilespmem:v5+s13+$0x0], $0xffff;
	_ =	sdelay $0x4  }
0x2e: {  	[tilespmem:v2+s14+$0x0] =	vst.idx.msk $0xffff, v5  }
0x2f: {  	v5 =	vld [tilespmem:s20+$0x30];
	_ =	sdelay $0x7  }
0x30: {  	v5 =	vld.idx.msk [tilespmem:v5+s13+$0x0], $0xffff;
	_ =	sdelay $0x4  }
0x31: {  	[tilespmem:v3+s14+$0x0] =	vst.idx.msk $0xffff, v5  }
0x32: {  	v5 =	vld [tilespmem:s20+$0x40];
	_ =	sdelay $0x7  }
0x33: {  	v5 =	vld.idx.msk [tilespmem:v5+s13+$0x0], $0xffff;
	_ =	sdelay $0x3  }
0x34: {  	p0 =	sne.s32 s19, $0x9B00  }
.Ltmp0:
0x35: {  	s20 =	sadd.s32 $0x2710, s20;
	[tilespmem:v4+s14+$0x0] =	vst.idx.msk $0xffff, v5;
	(pc) =	sbr.rel @p0 .LBB2_2-.Ltmp0, $4  }
0x36: {  	[spmem:s2] =	stream.indirect.scatter.add.f32 [tilespmem:s14], [sflag:$0x1], $0x10, s20, s17, $0xb8;
	[tilespmem:$0xA230] =	vst v63  }
0x37: {  	_ =	swait.ge [sflag:s11], $0x500  }
0x38: {  	[sflag:s11] =	ssyncset.done $0x0  }
0x39: {  	s19 =	sadd.s32 $0x140, s19;
	[sflag:s11] =	ssyncadd.s32 $0xFFFFFB00  }
0x3a: {  	s18 =	sadd.s32 $0x1, s18  }
0x3b: {  	p0 =	sne.s32 s18, s10  }
.Ltmp1:
0x3c: {  	[bflag:$0x0] =	sbarrier.arrive $0xFFFF;
	(pc) =	sbr.rel @p0 .LBB2_1-.Ltmp1, $4  }
0x3d: {  	[hbm:s9], [sflag:s15] =	dma.local [spmem:s16], $0x500  }
0x3e: {  	_ =	swait.ge [sflag:s11], $0x500  }
0x3f: {  	[sflag:s11] =	ssyncset.done $0x0  }
0x40: {  	[sflag:s11] =	ssyncadd.s32 $0xFFFFFB00  }
0x41: {  	_ =	sfence.sel $0x180000  }
0x42: {  	[bflag:$0x0] =	sbarrier.arrive $0xFFFF  }
0x43: {  	p0 =	sne.s32 s0, $0x0;
	_ =	strace $0x90000050  }
0x44: {  	s0 =	sadd.s32 @!p0 $0x100000, s1;
	[bflag:$0x2] =	sbarrier.arrive $0xFFFF  }
0x45: {  	[sflag:s0] =	ssyncadd.tile.s32 @!p0 $0x1;
	_ =	shalt  }
.Lfunc_end2:
_tile_overlayer_lowered:
.L_overlay_start_2:
0x46: {  	(tag) =	ssettag $0x2  }
0x47: {  	s0 =	rddreg [dreg:$0x0];
	s2 =	stileid.u32  }
0x48: {  	s1 =	rddreg [dreg:$0x1];
	p0 =	sne.s32 s2, $0x0  }
0x49: {  	s3 =	rddreg [dreg:$0x2];
	[bflag:$0x3] =	sbarrier.arrive $0xFFFF;
	s2 =	simm.s32 @!p0 $0x1C01  }
0x4a: {  	[timem:s3], [sflag:s2] =	dma.local @!p0 [hbm:s0], s1  }
0x4b: {  	s0 =	simm.s32 @!p0 $0x1  }
0x4c: {  	_ =	swait.ge @!p0 [sflag:s0], s1  }
0x4d: {  	s1 =	ssub.s32 @!p0 $0x0, s1;
	[sflag:s0] =	ssyncset.done @!p0 $0x0  }
0x4e: {  	[sflag:s0] =	ssyncadd.s32 @!p0 s1  }
0x4f: {  	[bflag:$0x3] =	sbarrier.arrive $0xFFFF  }
0x50: {  	_ =	shalt  }

</sc_bundles>
